<compile_context>
chip_gen: v7x
topology: tpu7x:2x2x1
jax: 0.10.2.dev20260603
libtpu: 0.0.44.dev20260713+nightly
codegen_flags: <defaults>
</compile_context>

<pallas_src>
import functools

import jax
import jax.numpy as jnp
from jax import lax
from jax.experimental import pallas as pl
from jax.experimental.pallas import tpu as pltpu
from jax.experimental.pallas import tpu_sc as plsc

NC = 2
NS = 16
NW = NC * NS

CH = 128
NB = 4


def _zero_vec16():
    return jnp.zeros((16,), jnp.float32)


def _deg_kernel(ept_pad, npad):
    iters = ept_pad // CH
    lnode = npad // NS

    mesh = plsc.VectorSubcoreMesh(core_axis_name="c", subcore_axis_name="s",
                                  num_cores=NC, num_subcores=NS)

    @functools.partial(
        pl.kernel, mesh=mesh,
        out_type=jax.ShapeDtypeStruct((NC * npad,), jnp.float32),
        scratch_types=[
            pltpu.VMEM((NB, CH), jnp.int32),
            pltpu.VMEM((CH,), jnp.float32),
            pltpu.VMEM((lnode,), jnp.float32),
            pltpu.VMEM_SHARED((npad,), jnp.float32),
            pltpu.SemaphoreType.DMA((NB,)),
            pltpu.SemaphoreType.DMA((NB,)),
        ],
    )
    def k(dst_hbm, deg_out, dstv, onesv, stagev, deg_sp, ssem, isem):
        c = lax.axis_index("c")
        s = lax.axis_index("s")
        tile = c * NS + s

        def fill_ones(i, carry):
            onesv[pl.ds(i * 16, 16)] = jnp.ones((16,), jnp.float32)
            return carry

        lax.fori_loop(0, CH // 16, fill_ones, 0)

        def fill_zero(i, carry):
            stagev[pl.ds(i * 16, 16)] = _zero_vec16()
            return carry

        lax.fori_loop(0, lnode // 16, fill_zero, 0)

        nb = pl.multiple_of(s * lnode, 8)
        pltpu.sync_copy(stagev, deg_sp.at[pl.ds(nb, lnode)])
        plsc.subcore_barrier()

        ebase = tile * ept_pad

        def fire_idx(i, b):
            off = pl.multiple_of(ebase + i * CH, 8)
            pltpu.async_copy(dst_hbm.at[pl.ds(off, CH)], dstv.at[b],
                             isem.at[b])

        def wait_idx(i, b):
            off = pl.multiple_of(ebase + i * CH, 8)
            pltpu.make_async_copy(dst_hbm.at[pl.ds(off, CH)], dstv.at[b],
                                  isem.at[b]).wait()

        for i in range(NB):
            fire_idx(i, i)

        def body(i, carry):
            b = lax.rem(i, NB)
            wait_idx(i, b)
            pltpu.async_copy(onesv, deg_sp.at[dstv.at[b]], ssem.at[b],
                             add=True)
            bp = lax.rem(i + NB - 1, NB)

            @pl.when(jnp.logical_and(i >= 1, i + NB - 1 < iters))
            def _():
                pltpu.make_async_copy(onesv, deg_sp.at[dstv.at[bp]],
                                      ssem.at[bp]).wait()
                fire_idx(i + NB - 1, bp)

            return carry

        lax.fori_loop(0, iters, body, 0)

        def drain(j, carry):
            pltpu.make_async_copy(onesv, deg_sp.at[dstv.at[lax.rem(j, NB)]],
                                  ssem.at[lax.rem(j, NB)]).wait()
            return carry

        lax.fori_loop(0, NB, drain, 0)
        plsc.subcore_barrier()
        ob = pl.multiple_of(c * npad + s * lnode, 8)
        pltpu.sync_copy(deg_sp.at[pl.ds(nb, lnode)], stagev)
        pltpu.sync_copy(stagev, deg_out.at[pl.ds(ob, lnode)])

    return k


def _agg_kernel(npad, ept_pad, d):
    iters = ept_pad // CH
    rows_per_tile = npad // NS
    ncopy = rows_per_tile // CH
    ntail = rows_per_tile - ncopy * CH
    RNB = 3

    mesh = plsc.VectorSubcoreMesh(core_axis_name="c", subcore_axis_name="s",
                                  num_cores=NC, num_subcores=NS)

    @functools.partial(
        pl.kernel, mesh=mesh,
        out_type=jax.ShapeDtypeStruct((NC, npad, d), jnp.float32),
        scratch_types=[
            pltpu.VMEM((RNB, CH), jnp.int32),
            pltpu.VMEM((RNB, CH), jnp.int32),
            pltpu.VMEM((RNB, CH, d), jnp.float32),
            pltpu.VMEM_SHARED((npad, d), jnp.float32),
            pltpu.SemaphoreType.DMA((RNB,)),
            pltpu.SemaphoreType.DMA((RNB,)),
        ],
    )
    def k(y_hbm, src_hbm, dst_hbm, s_out, srcv, dstv, rowsv, s_sp,
          isem, gsem):
        c = lax.axis_index("c")
        s = lax.axis_index("s")
        tile = c * NS + s
        rb = s * rows_per_tile

        def fill_zero(i, carry):
            rowsv[0, i // (d // 16), pl.ds((i % (d // 16)) * 16, 16)] = (
                _zero_vec16())
            return carry

        lax.fori_loop(0, CH * (d // 16), fill_zero, 0)
        for j in range(ncopy):
            pltpu.sync_copy(rowsv.at[0], s_sp.at[pl.ds(rb + j * CH, CH)])
        if ntail:
            pltpu.sync_copy(rowsv.at[0, pl.ds(0, ntail)],
                            s_sp.at[pl.ds(rb + ncopy * CH, ntail)])
        plsc.subcore_barrier()

        ebase = tile * ept_pad

        def fire_idx(i, b):
            off = pl.multiple_of(ebase + i * CH, 8)
            pltpu.async_copy(src_hbm.at[pl.ds(off, CH)], srcv.at[b],
                             isem.at[b])
            pltpu.async_copy(dst_hbm.at[pl.ds(off, CH)], dstv.at[b],
                             isem.at[b])

        def wait_idx(i, b):
            off = pl.multiple_of(ebase + i * CH, 8)
            pltpu.make_async_copy(src_hbm.at[pl.ds(off, CH)], srcv.at[b],
                                  isem.at[b]).wait()
            pltpu.make_async_copy(dst_hbm.at[pl.ds(off, CH)], dstv.at[b],
                                  isem.at[b]).wait()

        hh = CH // 4

        def fire_gather(i, b):
            for q in range(4):
                pltpu.async_copy(y_hbm.at[srcv.at[b, pl.ds(q * hh, hh)]],
                                 rowsv.at[b, pl.ds(q * hh, hh)], gsem.at[b])

        def wait_gather(i, b):
            for q in range(4):
                pltpu.make_async_copy(y_hbm.at[srcv.at[b, pl.ds(q * hh, hh)]],
                                      rowsv.at[b, pl.ds(q * hh, hh)],
                                      gsem.at[b]).wait()

        for i in range(RNB):
            fire_idx(i, i)
        for i in range(2):
            wait_idx(i, i)
            fire_gather(i, i)

        def body(i, carry):
            b = lax.rem(i, RNB)
            wait_gather(i, b)

            @pl.when(i + 2 < iters)
            def _():
                b2 = lax.rem(i + 2, RNB)
                wait_idx(i + 2, b2)
                fire_gather(i + 2, b2)

            pltpu.sync_copy(rowsv.at[b], s_sp.at[dstv.at[b]], add=True)

            @pl.when(i + RNB < iters)
            def _():
                fire_idx(i + RNB, b)

            return carry

        lax.fori_loop(0, iters, body, 0)
        plsc.subcore_barrier()
        for j in range(ncopy):
            sl = pl.ds(rb + j * CH, CH)
            pltpu.sync_copy(s_sp.at[sl], rowsv.at[0])
            pltpu.sync_copy(rowsv.at[0], s_out.at[c, sl])
        if ntail:
            sl = pl.ds(rb + ncopy * CH, ntail)
            pltpu.sync_copy(s_sp.at[sl], rowsv.at[0, pl.ds(0, ntail)])
            pltpu.sync_copy(rowsv.at[0, pl.ds(0, ntail)], s_out.at[c, sl])

    return k


def _prep_body(deg_ref, x_ref, dinv_ref, y_ref):
    deg = deg_ref[:, 0:1] + deg_ref[:, 1:2] + 1.0
    dinv = lax.rsqrt(deg)
    dinv_ref[...] = dinv
    y_ref[...] = x_ref[...] * dinv


def _mm_body(s_ref, y_ref, dinv_ref, w1_ref, b1_ref, w2_ref, b2_ref,
             mu_ref, ls_ref):
    agg = (s_ref[0] + s_ref[1] + y_ref[...]) * dinv_ref[...]
    mu_ref[...] = (
        jnp.dot(agg, w1_ref[...], preferred_element_type=jnp.float32)
        + b1_ref[...])
    ls_ref[...] = (
        jnp.dot(agg, w2_ref[...], preferred_element_type=jnp.float32)
        + b2_ref[...])


def kernel(x, edge_index, W1, b1, W2, b2):
    n, d = x.shape
    e = edge_index.shape[1]
    oc = W1.shape[1]
    npad = ((n + NS * 16 - 1) // (NS * 16)) * (NS * 16)
    npad_agg = ((n + NS * 8 - 1) // (NS * 8)) * (NS * 8)

    ept = e // NW
    iters = (ept + CH - 1) // CH
    ept_pad = iters * CH
    pad = ept_pad - ept
    src2 = edge_index[0].reshape(NW, ept)
    dst2 = edge_index[1].reshape(NW, ept)
    if pad:
        src2 = jnp.concatenate(
            [src2, jnp.zeros((NW, pad), jnp.int32)], axis=1)
        dst2 = jnp.concatenate(
            [dst2, jnp.full((NW, pad), n, jnp.int32)], axis=1)
    srcf = src2.reshape(NW * ept_pad)
    dstf = dst2.reshape(NW * ept_pad)

    deg_flat = _deg_kernel(ept_pad, npad)(dstf)
    deg2 = deg_flat.reshape(NC, npad)[:, :n].T

    blk = 1000
    grid = n // blk
    dinv, y = pl.pallas_call(
        _prep_body,
        grid=(grid,),
        in_specs=[
            pl.BlockSpec((blk, 2), lambda i: (i, 0)),
            pl.BlockSpec((blk, d), lambda i: (i, 0)),
        ],
        out_specs=[
            pl.BlockSpec((blk, 1), lambda i: (i, 0)),
            pl.BlockSpec((blk, d), lambda i: (i, 0)),
        ],
        out_shape=[
            jax.ShapeDtypeStruct((n, 1), jnp.float32),
            jax.ShapeDtypeStruct((n, d), jnp.float32),
        ],
    )(deg2, x)

    s_parts = _agg_kernel(npad_agg, ept_pad, d)(y, srcf, dstf)

    b1r = b1.reshape(1, oc)
    b2r = b2.reshape(1, oc)
    mu, logstd = pl.pallas_call(
        _mm_body,
        grid=(grid,),
        in_specs=[
            pl.BlockSpec((NC, blk, d), lambda i: (0, i, 0)),
            pl.BlockSpec((blk, d), lambda i: (i, 0)),
            pl.BlockSpec((blk, 1), lambda i: (i, 0)),
            pl.BlockSpec((d, oc), lambda i: (0, 0)),
            pl.BlockSpec((1, oc), lambda i: (0, 0)),
            pl.BlockSpec((d, oc), lambda i: (0, 0)),
            pl.BlockSpec((1, oc), lambda i: (0, 0)),
        ],
        out_specs=[
            pl.BlockSpec((blk, oc), lambda i: (i, 0)),
            pl.BlockSpec((blk, oc), lambda i: (i, 0)),
        ],
        out_shape=[
            jax.ShapeDtypeStruct((n, oc), jnp.float32),
            jax.ShapeDtypeStruct((n, oc), jnp.float32),
        ],
    )(s_parts, y, dinv, W1, b1r, W2, b2r)

    return (mu, logstd)

# --- scband reference (transcript-rebuilt; emitter-appended) ---
"""Pipeline reference for scband-cmap-encdoer-5153960755827 (READ-ONLY COPY).

The authoritative reference and input builder live on the scoring server;
editing this copy changes nothing except your own understanding.
"""

import jax, jax.numpy as jnp
import numpy as np

N = 10000
E = 320000
IN_CH = 128
OUT_CH = 200


def setup_inputs(seed: int = 0) -> dict:
    key = jax.random.key(seed)
    k1, k2, k3, k4, k5, k6 = jax.random.split(key, 6)
    x = jax.random.normal(k1, (N, IN_CH), dtype=jnp.float32)
    edge_index = jax.random.randint(k2, (2, E), 0, N, dtype=jnp.int32)
    # GCNConv weights (glorot-ish init) for conv1 and conv_logstd
    W1 = jax.random.normal(k3, (IN_CH, OUT_CH), dtype=jnp.float32) * (1.0 / np.sqrt(IN_CH))
    b1 = jnp.zeros((OUT_CH,), dtype=jnp.float32)
    W2 = jax.random.normal(k4, (IN_CH, OUT_CH), dtype=jnp.float32) * (1.0 / np.sqrt(IN_CH))
    b2 = jnp.zeros((OUT_CH,), dtype=jnp.float32)
    return {"x": x, "edge_index": edge_index, "W1": W1, "b1": b1, "W2": W2, "b2": b2}


def gcn_conv(x, edge_index, W, b):
    # Faithful PyG GCNConv: add self-loops, symmetric normalization, message-passing, bias.
    n = x.shape[0]
    loop = jnp.arange(n, dtype=edge_index.dtype)
    src = jnp.concatenate([edge_index[0], loop])
    dst = jnp.concatenate([edge_index[1], loop])
    ones = jnp.ones(src.shape[0], dtype=x.dtype)
    deg = jnp.zeros((n,), dtype=x.dtype).at[dst].add(ones)
    deg_inv_sqrt = jnp.where(deg > 0, jax.lax.rsqrt(jnp.maximum(deg, 1e-12)), 0.0)
    norm = deg_inv_sqrt[src] * deg_inv_sqrt[dst]
    xw = x @ W
    msg = xw[src] * norm[:, None]
    out = jnp.zeros((n, W.shape[1]), dtype=x.dtype).at[dst].add(msg)
    return out + b


def reference(x, edge_index, W1, b1, W2, b2):
    mu = gcn_conv(x, edge_index, W1, b1)
    logstd = gcn_conv(x, edge_index, W2, b2)
    return (mu, logstd)

if __name__ == "__main__":
    import jax
    _d = setup_inputs()
    print(jax.jit(kernel)(*tuple(_d.values())))

</pallas_src>

<mosaic_0001>
#map = affine_map<(d0, d1) -> (0)>
module attributes {stable_mosaic.version = 14 : i64} {
  func.func @k(%arg0: i32, %arg1: i32, %arg2: memref<323584xi32, #tpu.memory_space<hbm>>, %arg3: memref<20480xf32, #tpu.memory_space<hbm>>, %arg4: memref<4x128xi32, #tpu.memory_space<vmem>>, %arg5: memref<128xf32, #tpu.memory_space<vmem>>, %arg6: memref<640xf32, #tpu.memory_space<vmem>>, %arg7: memref<10240xf32, #tpu.memory_space<vmem_shared>>, %arg8: memref<4x!tpu.dma_semaphore, #tpu.memory_space<semaphore_mem>>, %arg9: memref<4x!tpu.dma_semaphore, #tpu.memory_space<semaphore_mem>>) attributes {dimension_semantics = [#tpu.dimension_semantics<core_parallel>, #tpu.dimension_semantics<subcore_parallel>], iteration_bounds = array<i64: 2, 16>, scalar_prefetch = 0 : i64, scratch_operands = 6 : i64, tpu.core_type = #tpu.core_type<sc_vector_subcore>, window_params = [{transform_indices = #map}, {transform_indices = #map}]} {
    %mul3A = arith.constant 16 : i32
    %mul3A_0 = arith.muli %arg0, %mul3A : i32
    %add3A = arith.addi %mul3A_0, %arg1 : i32
    %scan3A = arith.constant 0 : i32
    %scan3A_1 = arith.constant 0 : i32
    %scan3A_2 = arith.constant 8 : i32
    %scan3A_3 = arith.addi %scan3A_1, %scan3A_2 : i32
    %scan3A_4 = arith.constant 1 : i32
    scf.for %scan3A_94 = %scan3A_1 to %scan3A_3 step %scan3A_4  : i32 {
      %broadcast_in_dim3A = arith.constant 1.000000e+00 : f32
      %broadcast_in_dim3A_95 = vector.broadcast %broadcast_in_dim3A : f32 to vector<16xf32>
      %mul3A_96 = arith.constant 16 : i32
      %mul3A_97 = arith.muli %scan3A_94, %mul3A_96 : i32
      %swap3A = arith.index_cast %mul3A_97 : i32 to index
      %swap3A_98 = tpu.vector_load %arg5[%swap3A] {strides = array<i32>} : memref<128xf32, #tpu.memory_space<vmem>>, vector<16xf32>,
      %swap3A_99 = vector.shape_cast %swap3A_98 : vector<16xf32> to vector<16xf32>
      %swap3A_100 = vector.shape_cast %broadcast_in_dim3A_95 : vector<16xf32> to vector<16xf32>
      tpu.vector_store %arg5[%swap3A], %swap3A_100 {strides = array<i32>} : memref<128xf32, #tpu.memory_space<vmem>>, vector<16xf32>,
    }
    %scan3A_5 = arith.constant 8 : i32
    %scan3A_6 = arith.constant 0 : i32
    %scan3A_7 = arith.constant 0 : i32
    %scan3A_8 = arith.constant 40 : i32
    %scan3A_9 = arith.addi %scan3A_7, %scan3A_8 : i32
    %scan3A_10 = arith.constant 1 : i32
    scf.for %scan3A_94 = %scan3A_7 to %scan3A_9 step %scan3A_10  : i32 {
      %broadcast_in_dim3A = arith.constant 0.000000e+00 : f32
      %broadcast_in_dim3A_95 = vector.broadcast %broadcast_in_dim3A : f32 to vector<16xf32>
      %mul3A_96 = arith.constant 16 : i32
      %mul3A_97 = arith.muli %scan3A_94, %mul3A_96 : i32
      %swap3A = arith.index_cast %mul3A_97 : i32 to index
      %swap3A_98 = tpu.vector_load %arg6[%swap3A] {strides = array<i32>} : memref<640xf32, #tpu.memory_space<vmem>>, vector<16xf32>,
      %swap3A_99 = vector.shape_cast %swap3A_98 : vector<16xf32> to vector<16xf32>
      %swap3A_100 = vector.shape_cast %broadcast_in_dim3A_95 : vector<16xf32> to vector<16xf32>
      tpu.vector_store %arg6[%swap3A], %swap3A_100 {strides = array<i32>} : memref<640xf32, #tpu.memory_space<vmem>>, vector<16xf32>,
    }
    %scan3A_11 = arith.constant 40 : i32
    %mul3A_12 = arith.constant 640 : i32
    %mul3A_13 = arith.muli %arg1, %mul3A_12 : i32
    %multiple_of3A = tpu.assume_multiple %mul3A_13, 8 : i32
    "tpu.region"() ({
      %run_scoped3A = tpu.sem_alloc : memref<!tpu.dma_semaphore, #tpu.memory_space<semaphore_mem>>
      %dma_start3A_94 = tpu.memref_slice %arg7[%multiple_of3A] : memref<10240xf32, #tpu.memory_space<vmem_shared>> -> memref<640xf32, #tpu.memory_space<vmem_shared>>
      %dma_start3A_95 = tpu.memref_slice %arg7[%multiple_of3A] : memref<10240xf32, #tpu.memory_space<vmem_shared>> -> memref<640xf32, #tpu.memory_space<vmem_shared>>
      tpu.enqueue_dma source(%arg6 : memref<640xf32, #tpu.memory_space<vmem>>) target(%dma_start3A_95 : memref<640xf32, #tpu.memory_space<vmem_shared>>) target_semaphore(%run_scoped3A : memref<!tpu.dma_semaphore, #tpu.memory_space<semaphore_mem>>)
      %dma_wait3A = tpu.memref_slice %arg7[%multiple_of3A] : memref<10240xf32, #tpu.memory_space<vmem_shared>> -> memref<640xf32, #tpu.memory_space<vmem_shared>>
      %dma_wait3A_96 = tpu.memref_slice %arg7[%multiple_of3A] : memref<10240xf32, #tpu.memory_space<vmem_shared>> -> memref<640xf32, #tpu.memory_space<vmem_shared>>
      tpu.wait_dma2 semaphore(%run_scoped3A : memref<!tpu.dma_semaphore, #tpu.memory_space<semaphore_mem>>) src(%arg6 : memref<640xf32, #tpu.memory_space<vmem>>) dst(%dma_wait3A_96 : memref<640xf32, #tpu.memory_space<vmem_shared>>)
      tpu.yield
    }) : () -> ()
    %barrier3A = arith.constant 0 : index
    tpu.barrier barrier_id(%barrier3A)
    %mul3A_14 = arith.constant 10112 : i32
    %mul3A_15 = arith.muli %add3A, %mul3A_14 : i32
    %add3A_16 = arith.constant 0 : i32
    %add3A_17 = arith.addi %mul3A_15, %add3A_16 : i32
    %multiple_of3A_18 = tpu.assume_multiple %add3A_17, 8 : i32
    %dma_start3A = arith.constant 0 : i32
    %dma_start3A_19 = arith.constant 0 : i32
    %dma_start3A_20 = arith.constant 0 : i32
    %dma_start3A_21 = tpu.memref_slice %arg4[%dma_start3A, %dma_start3A_20] : memref<4x128xi32, #tpu.memory_space<vmem>> -> memref<1x128xi32, #tpu.memory_space<vmem>>
    %dma_start3A_22 = tpu.memref_squeeze %dma_start3A_21 : memref<1x128xi32, #tpu.memory_space<vmem>> -> memref<128xi32, #tpu.memory_space<vmem>>
    %dma_start3A_23 = tpu.memref_slice %arg2[%multiple_of3A_18] : memref<323584xi32, #tpu.memory_space<hbm>> -> memref<128xi32, #tpu.memory_space<hbm>>
    %dma_start3A_24 = tpu.memref_slice %arg9[%dma_start3A_19] : memref<4x!tpu.dma_semaphore, #tpu.memory_space<semaphore_mem>> -> memref<1x!tpu.dma_semaphore, #tpu.memory_space<semaphore_mem>>
    %dma_start3A_25 = tpu.memref_squeeze %dma_start3A_24 : memref<1x!tpu.dma_semaphore, #tpu.memory_space<semaphore_mem>> -> memref<!tpu.dma_semaphore, #tpu.memory_space<semaphore_mem>>
    %dma_start3A_26 = arith.constant 0 : i32
    %dma_start3A_27 = tpu.memref_slice %arg4[%dma_start3A, %dma_start3A_26] : memref<4x128xi32, #tpu.memory_space<vmem>> -> memref<1x128xi32, #tpu.memory_space<vmem>>
    %dma_start3A_28 = tpu.memref_squeeze %dma_start3A_27 : memref<1x128xi32, #tpu.memory_space<vmem>> -> memref<128xi32, #tpu.memory_space<vmem>>
    %dma_start3A_29 = tpu.memref_slice %arg2[%multiple_of3A_18] : memref<323584xi32, #tpu.memory_space<hbm>> -> memref<128xi32, #tpu.memory_space<hbm>>
    tpu.enqueue_dma source(%dma_start3A_29 : memref<128xi32, #tpu.memory_space<hbm>>) target(%dma_start3A_28 : memref<128xi32, #tpu.memory_space<vmem>>) target_semaphore(%dma_start3A_25 : memref<!tpu.dma_semaphore, #tpu.memory_space<semaphore_mem>>)
    %add3A_30 = arith.constant 128 : i32
    %add3A_31 = arith.addi %mul3A_15, %add3A_30 : i32
    %multiple_of3A_32 = tpu.assume_multiple %add3A_31, 8 : i32
    %dma_start3A_33 = arith.constant 1 : i32
    %dma_start3A_34 = arith.constant 1 : i32
    %dma_start3A_35 = arith.constant 0 : i32
    %dma_start3A_36 = tpu.memref_slice %arg4[%dma_start3A_33, %dma_start3A_35] : memref<4x128xi32, #tpu.memory_space<vmem>> -> memref<1x128xi32, #tpu.memory_space<vmem>>
    %dma_start3A_37 = tpu.memref_squeeze %dma_start3A_36 : memref<1x128xi32, #tpu.memory_space<vmem>> -> memref<128xi32, #tpu.memory_space<vmem>>
    %dma_start3A_38 = tpu.memref_slice %arg2[%multiple_of3A_32] : memref<323584xi32, #tpu.memory_space<hbm>> -> memref<128xi32, #tpu.memory_space<hbm>>
    %dma_start3A_39 = tpu.memref_slice %arg9[%dma_start3A_34] : memref<4x!tpu.dma_semaphore, #tpu.memory_space<semaphore_mem>> -> memref<1x!tpu.dma_semaphore, #tpu.memory_space<semaphore_mem>>
    %dma_start3A_40 = tpu.memref_squeeze %dma_start3A_39 : memref<1x!tpu.dma_semaphore, #tpu.memory_space<semaphore_mem>> -> memref<!tpu.dma_semaphore, #tpu.memory_space<semaphore_mem>>
    %dma_start3A_41 = arith.constant 0 : i32
    %dma_start3A_42 = tpu.memref_slice %arg4[%dma_start3A_33, %dma_start3A_41] : memref<4x128xi32, #tpu.memory_space<vmem>> -> memref<1x128xi32, #tpu.memory_space<vmem>>
    %dma_start3A_43 = tpu.memref_squeeze %dma_start3A_42 : memref<1x128xi32, #tpu.memory_space<vmem>> -> memref<128xi32, #tpu.memory_space<vmem>>
    %dma_start3A_44 = tpu.memref_slice %arg2[%multiple_of3A_32] : memref<323584xi32, #tpu.memory_space<hbm>> -> memref<128xi32, #tpu.memory_space<hbm>>
    tpu.enqueue_dma source(%dma_start3A_44 : memref<128xi32, #tpu.memory_space<hbm>>) target(%dma_start3A_43 : memref<128xi32, #tpu.memory_space<vmem>>) target_semaphore(%dma_start3A_40 : memref<!tpu.dma_semaphore, #tpu.memory_space<semaphore_mem>>)
    %add3A_45 = arith.constant 256 : i32
    %add3A_46 = arith.addi %mul3A_15, %add3A_45 : i32
    %multiple_of3A_47 = tpu.assume_multiple %add3A_46, 8 : i32
    %dma_start3A_48 = arith.constant 2 : i32
    %dma_start3A_49 = arith.constant 2 : i32
    %dma_start3A_50 = arith.constant 0 : i32
    %dma_start3A_51 = tpu.memref_slice %arg4[%dma_start3A_48, %dma_start3A_50] : memref<4x128xi32, #tpu.memory_space<vmem>> -> memref<1x128xi32, #tpu.memory_space<vmem>>
    %dma_start3A_52 = tpu.memref_squeeze %dma_start3A_51 : memref<1x128xi32, #tpu.memory_space<vmem>> -> memref<128xi32, #tpu.memory_space<vmem>>
    %dma_start3A_53 = tpu.memref_slice %arg2[%multiple_of3A_47] : memref<323584xi32, #tpu.memory_space<hbm>> -> memref<128xi32, #tpu.memory_space<hbm>>
    %dma_start3A_54 = tpu.memref_slice %arg9[%dma_start3A_49] : memref<4x!tpu.dma_semaphore, #tpu.memory_space<semaphore_mem>> -> memref<1x!tpu.dma_semaphore, #tpu.memory_space<semaphore_mem>>
    %dma_start3A_55 = tpu.memref_squeeze %dma_start3A_54 : memref<1x!tpu.dma_semaphore, #tpu.memory_space<semaphore_mem>> -> memref<!tpu.dma_semaphore, #tpu.memory_space<semaphore_mem>>
    %dma_start3A_56 = arith.constant 0 : i32
    %dma_start3A_57 = tpu.memref_slice %arg4[%dma_start3A_48, %dma_start3A_56] : memref<4x128xi32, #tpu.memory_space<vmem>> -> memref<1x128xi32, #tpu.memory_space<vmem>>
    %dma_start3A_58 = tpu.memref_squeeze %dma_start3A_57 : memref<1x128xi32, #tpu.memory_space<vmem>> -> memref<128xi32, #tpu.memory_space<vmem>>
    %dma_start3A_59 = tpu.memref_slice %arg2[%multiple_of3A_47] : memref<323584xi32, #tpu.memory_space<hbm>> -> memref<128xi32, #tpu.memory_space<hbm>>
    tpu.enqueue_dma source(%dma_start3A_59 : memref<128xi32, #tpu.memory_space<hbm>>) target(%dma_start3A_58 : memref<128xi32, #tpu.memory_space<vmem>>) target_semaphore(%dma_start3A_55 : memref<!tpu.dma_semaphore, #tpu.memory_space<semaphore_mem>>)
    %add3A_60 = arith.constant 384 : i32
    %add3A_61 = arith.addi %mul3A_15, %add3A_60 : i32
    %multiple_of3A_62 = tpu.assume_multiple %add3A_61, 8 : i32
    %dma_start3A_63 = arith.constant 3 : i32
    %dma_start3A_64 = arith.constant 3 : i32
    %dma_start3A_65 = arith.constant 0 : i32
    %dma_start3A_66 = tpu.memref_slice %arg4[%dma_start3A_63, %dma_start3A_65] : memref<4x128xi32, #tpu.memory_space<vmem>> -> memref<1x128xi32, #tpu.memory_space<vmem>>
    %dma_start3A_67 = tpu.memref_squeeze %dma_start3A_66 : memref<1x128xi32, #tpu.memory_space<vmem>> -> memref<128xi32, #tpu.memory_space<vmem>>
    %dma_start3A_68 = tpu.memref_slice %arg2[%multiple_of3A_62] : memref<323584xi32, #tpu.memory_space<hbm>> -> memref<128xi32, #tpu.memory_space<hbm>>
    %dma_start3A_69 = tpu.memref_slice %arg9[%dma_start3A_64] : memref<4x!tpu.dma_semaphore, #tpu.memory_space<semaphore_mem>> -> memref<1x!tpu.dma_semaphore, #tpu.memory_space<semaphore_mem>>
    %dma_start3A_70 = tpu.memref_squeeze %dma_start3A_69 : memref<1x!tpu.dma_semaphore, #tpu.memory_space<semaphore_mem>> -> memref<!tpu.dma_semaphore, #tpu.memory_space<semaphore_mem>>
    %dma_start3A_71 = arith.constant 0 : i32
    %dma_start3A_72 = tpu.memref_slice %arg4[%dma_start3A_63, %dma_start3A_71] : memref<4x128xi32, #tpu.memory_space<vmem>> -> memref<1x128xi32, #tpu.memory_space<vmem>>
    %dma_start3A_73 = tpu.memref_squeeze %dma_start3A_72 : memref<1x128xi32, #tpu.memory_space<vmem>> -> memref<128xi32, #tpu.memory_space<vmem>>
    %dma_start3A_74 = tpu.memref_slice %arg2[%multiple_of3A_62] : memref<323584xi32, #tpu.memory_space<hbm>> -> memref<128xi32, #tpu.memory_space<hbm>>
    tpu.enqueue_dma source(%dma_start3A_74 : memref<128xi32, #tpu.memory_space<hbm>>) target(%dma_start3A_73 : memref<128xi32, #tpu.memory_space<vmem>>) target_semaphore(%dma_start3A_70 : memref<!tpu.dma_semaphore, #tpu.memory_space<semaphore_mem>>)
    %scan3A_75 = arith.constant 0 : i32
    %scan3A_76 = arith.constant 0 : i32
    %scan3A_77 = arith.constant 79 : i32
    %scan3A_78 = arith.addi %scan3A_76, %scan3A_77 : i32
    %scan3A_79 = arith.constant 1 : i32
    scf.for %scan3A_94 = %scan3A_76 to %scan3A_78 step %scan3A_79  : i32 {
      %rem3A = arith.constant 4 : i32
      %rem3A_95 = arith.remsi %scan3A_94, %rem3A : i32
      %mul3A_96 = arith.constant 128 : i32
      %mul3A_97 = arith.muli %scan3A_94, %mul3A_96 : i32
      %add3A_98 = arith.addi %mul3A_15, %mul3A_97 : i32
      %multiple_of3A_99 = tpu.assume_multiple %add3A_98, 8 : i32
      %dma_wait3A = arith.constant 0 : i32
      %dma_wait3A_100 = tpu.memref_slice %arg4[%rem3A_95, %dma_wait3A] : memref<4x128xi32, #tpu.memory_space<vmem>> -> memref<1x128xi32, #tpu.memory_space<vmem>>
      %dma_wait3A_101 = tpu.memref_squeeze %dma_wait3A_100 : memref<1x128xi32, #tpu.memory_space<vmem>> -> memref<128xi32, #tpu.memory_space<vmem>>
      %dma_wait3A_102 = tpu.memref_slice %arg2[%multiple_of3A_99] : memref<323584xi32, #tpu.memory_space<hbm>> -> memref<128xi32, #tpu.memory_space<hbm>>
      %dma_wait3A_103 = tpu.memref_slice %arg9[%rem3A_95] : memref<4x!tpu.dma_semaphore, #tpu.memory_space<semaphore_mem>> -> memref<1x!tpu.dma_semaphore, #tpu.memory_space<semaphore_mem>>
      %dma_wait3A_104 = tpu.memref_squeeze %dma_wait3A_103 : memref<1x!tpu.dma_semaphore, #tpu.memory_space<semaphore_mem>> -> memref<!tpu.dma_semaphore, #tpu.memory_space<semaphore_mem>>
      %dma_wait3A_105 = arith.constant 0 : i32
      %dma_wait3A_106 = tpu.memref_slice %arg4[%rem3A_95, %dma_wait3A_105] : memref<4x128xi32, #tpu.memory_space<vmem>> -> memref<1x128xi32, #tpu.memory_space<vmem>>
      %dma_wait3A_107 = tpu.memref_squeeze %dma_wait3A_106 : memref<1x128xi32, #tpu.memory_space<vmem>> -> memref<128xi32, #tpu.memory_space<vmem>>
      %dma_wait3A_108 = tpu.memref_slice %arg2[%multiple_of3A_99] : memref<323584xi32, #tpu.memory_space<hbm>> -> memref<128xi32, #tpu.memory_space<hbm>>
      tpu.wait_dma2 semaphore(%dma_wait3A_104 : memref<!tpu.dma_semaphore, #tpu.memory_space<semaphore_mem>>) src(%dma_wait3A_108 : memref<128xi32, #tpu.memory_space<hbm>>) dst(%dma_wait3A_107 : memref<128xi32, #tpu.memory_space<vmem>>)
      %dma_start3A_109 = arith.constant 0 : i32
      %dma_start3A_110 = tpu.memref_slice %arg4[%rem3A_95, %dma_start3A_109] : memref<4x128xi32, #tpu.memory_space<vmem>> -> memref<1x128xi32, #tpu.memory_space<vmem>>
      %dma_start3A_111 = tpu.memref_squeeze %dma_start3A_110 : memref<1x128xi32, #tpu.memory_space<vmem>> -> memref<128xi32, #tpu.memory_space<vmem>>
      %dma_start3A_112 = arith.constant 0 : i32
      %dma_start3A_113 = tpu.memref_slice %arg7[%dma_start3A_112] : memref<10240xf32, #tpu.memory_space<vmem_shared>> -> memref<10240xf32, #tpu.memory_space<vmem_shared>>
      %dma_start3A_114 = tpu.memref_slice %arg8[%rem3A_95] : memref<4x!tpu.dma_semaphore, #tpu.memory_space<semaphore_mem>> -> memref<1x!tpu.dma_semaphore, #tpu.memory_space<semaphore_mem>>
      %dma_start3A_115 = tpu.memref_squeeze %dma_start3A_114 : memref<1x!tpu.dma_semaphore, #tpu.memory_space<semaphore_mem>> -> memref<!tpu.dma_semaphore, #tpu.memory_space<semaphore_mem>>
      tpu.enqueue_indirect_dma source(%arg5 : memref<128xf32, #tpu.memory_space<vmem>>) target(%dma_start3A_113 : memref<10240xf32, #tpu.memory_space<vmem_shared>>) offsets(%dma_start3A_111 : memref<128xi32, #tpu.memory_space<vmem>>) semaphore(%dma_start3A_115 : memref<!tpu.dma_semaphore, #tpu.memory_space<semaphore_mem>>) {add = true}
      %add3A_116 = arith.constant 4 : i32
      %add3A_117 = arith.addi %scan3A_94, %add3A_116 : i32
      %sub3A = arith.constant 1 : i32
      %sub3A_118 = arith.subi %add3A_117, %sub3A : i32
      %rem3A_119 = arith.constant 4 : i32
      %rem3A_120 = arith.remsi %sub3A_118, %rem3A_119 : i32
      %ge3A = arith.constant 1 : i32
      %ge3A_121 = arith.cmpi sge, %scan3A_94, %ge3A : i32
      %add3A_122 = arith.constant 4 : i32
      %add3A_123 = arith.addi %scan3A_94, %add3A_122 : i32
      %sub3A_124 = arith.constant 1 : i32
      %sub3A_125 = arith.subi %add3A_123, %sub3A_124 : i32
      %lt3A = arith.constant 79 : i32
      %lt3A_126 = arith.cmpi slt, %sub3A_125, %lt3A : i32
      %and3A = arith.andi %ge3A_121, %lt3A_126 : i1
      %convert_element_type3A = arith.extui %and3A : i1 to i32
      %cond3A = arith.constant 0 : i32
      %cond3A_127 = arith.cmpi ne, %convert_element_type3A, %cond3A : i32
      scf.if %cond3A_127 {
        %dma_wait3A_128 = arith.constant 0 : i32
        %dma_wait3A_129 = tpu.memref_slice %arg4[%rem3A_120, %dma_wait3A_128] : memref<4x128xi32, #tpu.memory_space<vmem>> -> memref<1x128xi32, #tpu.memory_space<vmem>>
        %dma_wait3A_130 = tpu.memref_squeeze %dma_wait3A_129 : memref<1x128xi32, #tpu.memory_space<vmem>> -> memref<128xi32, #tpu.memory_space<vmem>>
        %dma_wait3A_131 = arith.constant 0 : i32
        %dma_wait3A_132 = tpu.memref_slice %arg7[%dma_wait3A_131] : memref<10240xf32, #tpu.memory_space<vmem_shared>> -> memref<10240xf32, #tpu.memory_space<vmem_shared>>
        %dma_wait3A_133 = tpu.memref_slice %arg8[%rem3A_120] : memref<4x!tpu.dma_semaphore, #tpu.memory_space<semaphore_mem>> -> memref<1x!tpu.dma_semaphore, #tpu.memory_space<semaphore_mem>>
        %dma_wait3A_134 = tpu.memref_squeeze %dma_wait3A_133 : memref<1x!tpu.dma_semaphore, #tpu.memory_space<semaphore_mem>> -> memref<!tpu.dma_semaphore, #tpu.memory_space<semaphore_mem>>
        tpu.wait_indirect_dma semaphore(%dma_wait3A_134 : memref<!tpu.dma_semaphore, #tpu.memory_space<semaphore_mem>>) src(%arg5 : memref<128xf32, #tpu.memory_space<vmem>>) dst(%dma_wait3A_132 : memref<10240xf32, #tpu.memory_space<vmem_shared>>)
        %add3A_135 = arith.constant 4 : i32
        %add3A_136 = arith.addi %scan3A_94, %add3A_135 : i32
        %sub3A_137 = arith.constant 1 : i32
        %sub3A_138 = arith.subi %add3A_136, %sub3A_137 : i32
        %mul3A_139 = arith.constant 128 : i32
        %mul3A_140 = arith.muli %sub3A_138, %mul3A_139 : i32
        %add3A_141 = arith.addi %mul3A_15, %mul3A_140 : i32
        %multiple_of3A_142 = tpu.assume_multiple %add3A_141, 8 : i32
        %dma_start3A_143 = arith.constant 0 : i32
        %dma_start3A_144 = tpu.memref_slice %arg4[%rem3A_120, %dma_start3A_143] : memref<4x128xi32, #tpu.memory_space<vmem>> -> memref<1x128xi32, #tpu.memory_space<vmem>>
        %dma_start3A_145 = tpu.memref_squeeze %dma_start3A_144 : memref<1x128xi32, #tpu.memory_space<vmem>> -> memref<128xi32, #tpu.memory_space<vmem>>
        %dma_start3A_146 = tpu.memref_slice %arg2[%multiple_of3A_142] : memref<323584xi32, #tpu.memory_space<hbm>> -> memref<128xi32, #tpu.memory_space<hbm>>
        %dma_start3A_147 = tpu.memref_slice %arg9[%rem3A_120] : memref<4x!tpu.dma_semaphore, #tpu.memory_space<semaphore_mem>> -> memref<1x!tpu.dma_semaphore, #tpu.memory_space<semaphore_mem>>
        %dma_start3A_148 = tpu.memref_squeeze %dma_start3A_147 : memref<1x!tpu.dma_semaphore, #tpu.memory_space<semaphore_mem>> -> memref<!tpu.dma_semaphore, #tpu.memory_space<semaphore_mem>>
        %dma_start3A_149 = arith.constant 0 : i32
        %dma_start3A_150 = tpu.memref_slice %arg4[%rem3A_120, %dma_start3A_149] : memref<4x128xi32, #tpu.memory_space<vmem>> -> memref<1x128xi32, #tpu.memory_space<vmem>>
        %dma_start3A_151 = tpu.memref_squeeze %dma_start3A_150 : memref<1x128xi32, #tpu.memory_space<vmem>> -> memref<128xi32, #tpu.memory_space<vmem>>
        %dma_start3A_152 = tpu.memref_slice %arg2[%multiple_of3A_142] : memref<323584xi32, #tpu.memory_space<hbm>> -> memref<128xi32, #tpu.memory_space<hbm>>
        tpu.enqueue_dma source(%dma_start3A_152 : memref<128xi32, #tpu.memory_space<hbm>>) target(%dma_start3A_151 : memref<128xi32, #tpu.memory_space<vmem>>) target_semaphore(%dma_start3A_148 : memref<!tpu.dma_semaphore, #tpu.memory_space<semaphore_mem>>)
      } else {
      }
    }
    %scan3A_80 = arith.constant 79 : i32
    %scan3A_81 = arith.constant 0 : i32
    %scan3A_82 = arith.constant 0 : i32
    %scan3A_83 = arith.constant 4 : i32
    %scan3A_84 = arith.addi %scan3A_82, %scan3A_83 : i32
    %scan3A_85 = arith.constant 1 : i32
    scf.for %scan3A_94 = %scan3A_82 to %scan3A_84 step %scan3A_85  : i32 {
      %rem3A = arith.constant 4 : i32
      %rem3A_95 = arith.remsi %scan3A_94, %rem3A : i32
      %rem3A_96 = arith.constant 4 : i32
      %rem3A_97 = arith.remsi %scan3A_94, %rem3A_96 : i32
      %dma_wait3A = arith.constant 0 : i32
      %dma_wait3A_98 = tpu.memref_slice %arg4[%rem3A_95, %dma_wait3A] : memref<4x128xi32, #tpu.memory_space<vmem>> -> memref<1x128xi32, #tpu.memory_space<vmem>>
      %dma_wait3A_99 = tpu.memref_squeeze %dma_wait3A_98 : memref<1x128xi32, #tpu.memory_space<vmem>> -> memref<128xi32, #tpu.memory_space<vmem>>
      %dma_wait3A_100 = arith.constant 0 : i32
      %dma_wait3A_101 = tpu.memref_slice %arg7[%dma_wait3A_100] : memref<10240xf32, #tpu.memory_space<vmem_shared>> -> memref<10240xf32, #tpu.memory_space<vmem_shared>>
      %dma_wait3A_102 = tpu.memref_slice %arg8[%rem3A_97] : memref<4x!tpu.dma_semaphore, #tpu.memory_space<semaphore_mem>> -> memref<1x!tpu.dma_semaphore, #tpu.memory_space<semaphore_mem>>
      %dma_wait3A_103 = tpu.memref_squeeze %dma_wait3A_102 : memref<1x!tpu.dma_semaphore, #tpu.memory_space<semaphore_mem>> -> memref<!tpu.dma_semaphore, #tpu.memory_space<semaphore_mem>>
      tpu.wait_indirect_dma semaphore(%dma_wait3A_103 : memref<!tpu.dma_semaphore, #tpu.memory_space<semaphore_mem>>) src(%arg5 : memref<128xf32, #tpu.memory_space<vmem>>) dst(%dma_wait3A_101 : memref<10240xf32, #tpu.memory_space<vmem_shared>>)
    }
    %scan3A_86 = arith.constant 4 : i32
    %barrier3A_87 = arith.constant 0 : index
    tpu.barrier barrier_id(%barrier3A_87)
    %mul3A_88 = arith.constant 10240 : i32
    %mul3A_89 = arith.muli %arg0, %mul3A_88 : i32
    %mul3A_90 = arith.constant 640 : i32
    %mul3A_91 = arith.muli %arg1, %mul3A_90 : i32
    %add3A_92 = arith.addi %mul3A_89, %mul3A_91 : i32
    %multiple_of3A_93 = tpu.assume_multiple %add3A_92, 8 : i32
    "tpu.region"() ({
      %run_scoped3A = tpu.sem_alloc : memref<!tpu.dma_semaphore, #tpu.memory_space<semaphore_mem>>
      %dma_start3A_94 = tpu.memref_slice %arg7[%multiple_of3A] : memref<10240xf32, #tpu.memory_space<vmem_shared>> -> memref<640xf32, #tpu.memory_space<vmem_shared>>
      %dma_start3A_95 = tpu.memref_slice %arg7[%multiple_of3A] : memref<10240xf32, #tpu.memory_space<vmem_shared>> -> memref<640xf32, #tpu.memory_space<vmem_shared>>
      tpu.enqueue_dma source(%dma_start3A_95 : memref<640xf32, #tpu.memory_space<vmem_shared>>) target(%arg6 : memref<640xf32, #tpu.memory_space<vmem>>) target_semaphore(%run_scoped3A : memref<!tpu.dma_semaphore, #tpu.memory_space<semaphore_mem>>)
      %dma_wait3A = tpu.memref_slice %arg7[%multiple_of3A] : memref<10240xf32, #tpu.memory_space<vmem_shared>> -> memref<640xf32, #tpu.memory_space<vmem_shared>>
      %dma_wait3A_96 = tpu.memref_slice %arg7[%multiple_of3A] : memref<10240xf32, #tpu.memory_space<vmem_shared>> -> memref<640xf32, #tpu.memory_space<vmem_shared>>
      tpu.wait_dma2 semaphore(%run_scoped3A : memref<!tpu.dma_semaphore, #tpu.memory_space<semaphore_mem>>) src(%dma_wait3A_96 : memref<640xf32, #tpu.memory_space<vmem_shared>>) dst(%arg6 : memref<640xf32, #tpu.memory_space<vmem>>)
      tpu.yield
    }) : () -> ()
    "tpu.region"() ({
      %run_scoped3A = tpu.sem_alloc : memref<!tpu.dma_semaphore, #tpu.memory_space<semaphore_mem>>
      %dma_start3A_94 = tpu.memref_slice %arg3[%multiple_of3A_93] : memref<20480xf32, #tpu.memory_space<hbm>> -> memref<640xf32, #tpu.memory_space<hbm>>
      %dma_start3A_95 = tpu.memref_slice %arg3[%multiple_of3A_93] : memref<20480xf32, #tpu.memory_space<hbm>> -> memref<640xf32, #tpu.memory_space<hbm>>
      tpu.enqueue_dma source(%arg6 : memref<640xf32, #tpu.memory_space<vmem>>) target(%dma_start3A_95 : memref<640xf32, #tpu.memory_space<hbm>>) target_semaphore(%run_scoped3A : memref<!tpu.dma_semaphore, #tpu.memory_space<semaphore_mem>>)
      %dma_wait3A = tpu.memref_slice %arg3[%multiple_of3A_93] : memref<20480xf32, #tpu.memory_space<hbm>> -> memref<640xf32, #tpu.memory_space<hbm>>
      %dma_wait3A_96 = tpu.memref_slice %arg3[%multiple_of3A_93] : memref<20480xf32, #tpu.memory_space<hbm>> -> memref<640xf32, #tpu.memory_space<hbm>>
      tpu.wait_dma2 semaphore(%run_scoped3A : memref<!tpu.dma_semaphore, #tpu.memory_space<semaphore_mem>>) src(%arg6 : memref<640xf32, #tpu.memory_space<vmem>>) dst(%dma_wait3A_96 : memref<640xf32, #tpu.memory_space<hbm>>)
      tpu.yield
    }) : () -> ()
    return
  }
}

#map = affine_map<(d0, d1) -> (0, 0)>
#map1 = affine_map<(d0, d1) -> (0)>
#map2 = affine_map<(d0, d1) -> (0, 0, 0)>
module attributes {stable_mosaic.version = 14 : i64} {
  func.func @k(%arg0: i32, %arg1: i32, %arg2: memref<10000x128xf32, #tpu.memory_space<hbm>>, %arg3: memref<323584xi32, #tpu.memory_space<hbm>>, %arg4: memref<323584xi32, #tpu.memory_space<hbm>>, %arg5: memref<2x10112x128xf32, #tpu.memory_space<hbm>>, %arg6: memref<3x128xi32, #tpu.memory_space<vmem>>, %arg7: memref<3x128xi32, #tpu.memory_space<vmem>>, %arg8: memref<3x128x128xf32, #tpu.memory_space<vmem>>, %arg9: memref<10112x128xf32, #tpu.memory_space<vmem_shared>>, %arg10: memref<3x!tpu.dma_semaphore, #tpu.memory_space<semaphore_mem>>, %arg11: memref<3x!tpu.dma_semaphore, #tpu.memory_space<semaphore_mem>>) attributes {dimension_semantics = [#tpu.dimension_semantics<core_parallel>, #tpu.dimension_semantics<subcore_parallel>], iteration_bounds = array<i64: 2, 16>, scalar_prefetch = 0 : i64, scratch_operands = 6 : i64, tpu.core_type = #tpu.core_type<sc_vector_subcore>, window_params = [{transform_indices = #map}, {transform_indices = #map1}, {transform_indices = #map1}, {transform_indices = #map2}]} {
    %mul3A = arith.constant 16 : i32
    %mul3A_0 = arith.muli %arg0, %mul3A : i32
    %add3A = arith.addi %mul3A_0, %arg1 : i32
    %mul3A_1 = arith.constant 632 : i32
    %mul3A_2 = arith.muli %arg1, %mul3A_1 : i32
    %scan3A = arith.constant 0 : i32
    %scan3A_3 = arith.constant 0 : i32
    %scan3A_4 = arith.constant 1024 : i32
    %scan3A_5 = arith.addi %scan3A_3, %scan3A_4 : i32
    %scan3A_6 = arith.constant 1 : i32
    scf.for %scan3A_303 = %scan3A_3 to %scan3A_5 step %scan3A_6  : i32 {
      %broadcast_in_dim3A = arith.constant 0.000000e+00 : f32
      %broadcast_in_dim3A_304 = vector.broadcast %broadcast_in_dim3A : f32 to vector<16xf32>
      %jit3A = arith.constant 8 : i32
      %div3A = arith.divsi %scan3A_303, %jit3A : i32
      %sign3A = arith.constant 0 : i32
      %sign3A_305 = arith.cmpi sgt, %scan3A_303, %sign3A : i32
      %sign3A_306 = arith.extui %sign3A_305 : i1 to i32
      %sign3A_307 = arith.constant 0 : i32
      %sign3A_308 = arith.cmpi slt, %scan3A_303, %sign3A_307 : i32
      %sign3A_309 = arith.extui %sign3A_308 : i1 to i32
      %sign3A_310 = arith.subi %sign3A_306, %sign3A_309 : i32
      %sign3A_311 = arith.constant 0 : i32
      %sign3A_312 = arith.cmpi sgt, %jit3A, %sign3A_311 : i32
      %sign3A_313 = arith.extui %sign3A_312 : i1 to i32
      %sign3A_314 = arith.constant 0 : i32
      %sign3A_315 = arith.cmpi slt, %jit3A, %sign3A_314 : i32
      %sign3A_316 = arith.extui %sign3A_315 : i1 to i32
      %sign3A_317 = arith.subi %sign3A_313, %sign3A_316 : i32
      %ne3A = arith.cmpi ne, %sign3A_310, %sign3A_317 : i32
      %rem3A = arith.remsi %scan3A_303, %jit3A : i32
      %ne3A_318 = arith.constant 0 : i32
      %ne3A_319 = arith.cmpi ne, %rem3A, %ne3A_318 : i32
      %and3A = arith.andi %ne3A, %ne3A_319 : i1
      %sub3A = arith.constant 1 : i32
      %sub3A_320 = arith.subi %div3A, %sub3A : i32
      %select_n3A = arith.select %and3A, %sub3A_320, %div3A : i32
      %jit3A_321 = arith.constant 8 : i32
      %eq3A = arith.constant 0 : i32
      %eq3A_322 = arith.cmpi eq, %jit3A_321, %eq3A : i32
      %jit3A_323 = arith.constant 1 : i32
      %select_n3A_324 = arith.select %eq3A_322, %jit3A_323, %jit3A_321 : i32
      %rem3A_325 = arith.remsi %scan3A_303, %select_n3A_324 : i32
      %ne3A_326 = arith.constant 0 : i32
      %ne3A_327 = arith.cmpi ne, %rem3A_325, %ne3A_326 : i32
      %lt3A = arith.constant 0 : i32
      %lt3A_328 = arith.cmpi slt, %rem3A_325, %lt3A : i32
      %lt3A_329 = arith.constant 0 : i32
      %lt3A_330 = arith.cmpi slt, %select_n3A_324, %lt3A_329 : i32
      %ne3A_331 = arith.xori %lt3A_328, %lt3A_330 : i1
      %and3A_332 = arith.andi %ne3A_331, %ne3A_327 : i1
      %add3A_333 = arith.addi %rem3A_325, %select_n3A_324 : i32
      %select_n3A_334 = arith.select %and3A_332, %add3A_333, %rem3A_325 : i32
      %mul3A_335 = arith.constant 16 : i32
      %mul3A_336 = arith.muli %select_n3A_334, %mul3A_335 : i32
      %swap3A = arith.constant 0 : i32
      %swap3A_337 = arith.index_cast %swap3A : i32 to index
      %swap3A_338 = arith.index_cast %select_n3A : i32 to index
      %swap3A_339 = arith.index_cast %mul3A_336 : i32 to index
      %swap3A_340 = tpu.vector_load %arg8[%swap3A_337, %swap3A_338, %swap3A_339] {strides = array<i32>} : memref<3x128x128xf32, #tpu.memory_space<vmem>>, vector<1x1x16xf32>,
      %swap3A_341 = vector.shape_cast %swap3A_340 : vector<1x1x16xf32> to vector<16xf32>
      %swap3A_342 = vector.shape_cast %broadcast_in_dim3A_304 : vector<16xf32> to vector<1x1x16xf32>
      tpu.vector_store %arg8[%swap3A_337, %swap3A_338, %swap3A_339], %swap3A_342 {strides = array<i32>} : memref<3x128x128xf32, #tpu.memory_space<vmem>>, vector<1x1x16xf32>,
    }
    %scan3A_7 = arith.constant 1024 : i32
    %add3A_8 = arith.constant 0 : i32
    %add3A_9 = arith.addi %mul3A_2, %add3A_8 : i32
    %run_scoped3A = arith.constant 0 : i32
    "tpu.region"() ({
      %run_scoped3A_303 = tpu.sem_alloc : memref<!tpu.dma_semaphore, #tpu.memory_space<semaphore_mem>>
      %dma_start3A_304 = arith.constant 0 : i32
      %dma_start3A_305 = arith.constant 0 : i32
      %dma_start3A_306 = tpu.memref_slice %arg8[%run_scoped3A, %dma_start3A_304, %dma_start3A_305] : memref<3x128x128xf32, #tpu.memory_space<vmem>> -> memref<1x128x128xf32, #tpu.memory_space<vmem>>
      %dma_start3A_307 = tpu.memref_squeeze %dma_start3A_306 : memref<1x128x128xf32, #tpu.memory_space<vmem>> -> memref<128x128xf32, #tpu.memory_space<vmem>>
      %dma_start3A_308 = arith.constant 0 : i32
      %dma_start3A_309 = tpu.memref_slice %arg9[%add3A_9, %dma_start3A_308] : memref<10112x128xf32, #tpu.memory_space<vmem_shared>> -> memref<128x128xf32, #tpu.memory_space<vmem_shared>>
      %dma_start3A_310 = arith.constant 0 : i32
      %dma_start3A_311 = tpu.memref_slice %arg9[%add3A_9, %dma_start3A_310] : memref<10112x128xf32, #tpu.memory_space<vmem_shared>> -> memref<128x128xf32, #tpu.memory_space<vmem_shared>>
      %dma_start3A_312 = arith.constant 0 : i32
      %dma_start3A_313 = arith.constant 0 : i32
      %dma_start3A_314 = tpu.memref_slice %arg8[%run_scoped3A, %dma_start3A_312, %dma_start3A_313] : memref<3x128x128xf32, #tpu.memory_space<vmem>> -> memref<1x128x128xf32, #tpu.memory_space<vmem>>
      %dma_start3A_315 = tpu.memref_squeeze %dma_start3A_314 : memref<1x128x128xf32, #tpu.memory_space<vmem>> -> memref<128x128xf32, #tpu.memory_space<vmem>>
      tpu.enqueue_dma source(%dma_start3A_315 : memref<128x128xf32, #tpu.memory_space<vmem>>) target(%dma_start3A_311 : memref<128x128xf32, #tpu.memory_space<vmem_shared>>) target_semaphore(%run_scoped3A_303 : memref<!tpu.dma_semaphore, #tpu.memory_space<semaphore_mem>>)
      %dma_wait3A_316 = arith.constant 0 : i32
      %dma_wait3A_317 = arith.constant 0 : i32
      %dma_wait3A_318 = tpu.memref_slice %arg8[%run_scoped3A, %dma_wait3A_316, %dma_wait3A_317] : memref<3x128x128xf32, #tpu.memory_space<vmem>> -> memref<1x128x128xf32, #tpu.memory_space<vmem>>
      %dma_wait3A_319 = tpu.memref_squeeze %dma_wait3A_318 : memref<1x128x128xf32, #tpu.memory_space<vmem>> -> memref<128x128xf32, #tpu.memory_space<vmem>>
      %dma_wait3A_320 = arith.constant 0 : i32
      %dma_wait3A_321 = tpu.memref_slice %arg9[%add3A_9, %dma_wait3A_320] : memref<10112x128xf32, #tpu.memory_space<vmem_shared>> -> memref<128x128xf32, #tpu.memory_space<vmem_shared>>
      %dma_wait3A_322 = arith.constant 0 : i32
      %dma_wait3A_323 = tpu.memref_slice %arg9[%add3A_9, %dma_wait3A_322] : memref<10112x128xf32, #tpu.memory_space<vmem_shared>> -> memref<128x128xf32, #tpu.memory_space<vmem_shared>>
      %dma_wait3A_324 = arith.constant 0 : i32
      %dma_wait3A_325 = arith.constant 0 : i32
      %dma_wait3A_326 = tpu.memref_slice %arg8[%run_scoped3A, %dma_wait3A_324, %dma_wait3A_325] : memref<3x128x128xf32, #tpu.memory_space<vmem>> -> memref<1x128x128xf32, #tpu.memory_space<vmem>>
      %dma_wait3A_327 = tpu.memref_squeeze %dma_wait3A_326 : memref<1x128x128xf32, #tpu.memory_space<vmem>> -> memref<128x128xf32, #tpu.memory_space<vmem>>
      tpu.wait_dma2 semaphore(%run_scoped3A_303 : memref<!tpu.dma_semaphore, #tpu.memory_space<semaphore_mem>>) src(%dma_wait3A_327 : memref<128x128xf32, #tpu.memory_space<vmem>>) dst(%dma_wait3A_323 : memref<128x128xf32, #tpu.memory_space<vmem_shared>>)
      tpu.yield
    }) : () -> ()
    %add3A_10 = arith.constant 128 : i32
    %add3A_11 = arith.addi %mul3A_2, %add3A_10 : i32
    %run_scoped3A_12 = arith.constant 0 : i32
    "tpu.region"() ({
      %run_scoped3A_303 = tpu.sem_alloc : memref<!tpu.dma_semaphore, #tpu.memory_space<semaphore_mem>>
      %dma_start3A_304 = arith.constant 0 : i32
      %dma_start3A_305 = arith.constant 0 : i32
      %dma_start3A_306 = tpu.memref_slice %arg8[%run_scoped3A_12, %dma_start3A_304, %dma_start3A_305] : memref<3x128x128xf32, #tpu.memory_space<vmem>> -> memref<1x128x128xf32, #tpu.memory_space<vmem>>
      %dma_start3A_307 = tpu.memref_squeeze %dma_start3A_306 : memref<1x128x128xf32, #tpu.memory_space<vmem>> -> memref<128x128xf32, #tpu.memory_space<vmem>>
      %dma_start3A_308 = arith.constant 0 : i32
      %dma_start3A_309 = tpu.memref_slice %arg9[%add3A_11, %dma_start3A_308] : memref<10112x128xf32, #tpu.memory_space<vmem_shared>> -> memref<128x128xf32, #tpu.memory_space<vmem_shared>>
      %dma_start3A_310 = arith.constant 0 : i32
      %dma_start3A_311 = tpu.memref_slice %arg9[%add3A_11, %dma_start3A_310] : memref<10112x128xf32, #tpu.memory_space<vmem_shared>> -> memref<128x128xf32, #tpu.memory_space<vmem_shared>>
      %dma_start3A_312 = arith.constant 0 : i32
      %dma_start3A_313 = arith.constant 0 : i32
      %dma_start3A_314 = tpu.memref_slice %arg8[%run_scoped3A_12, %dma_start3A_312, %dma_start3A_313] : memref<3x128x128xf32, #tpu.memory_space<vmem>> -> memref<1x128x128xf32, #tpu.memory_space<vmem>>
      %dma_start3A_315 = tpu.memref_squeeze %dma_start3A_314 : memref<1x128x128xf32, #tpu.memory_space<vmem>> -> memref<128x128xf32, #tpu.memory_space<vmem>>
      tpu.enqueue_dma source(%dma_start3A_315 : memref<128x128xf32, #tpu.memory_space<vmem>>) target(%dma_start3A_311 : memref<128x128xf32, #tpu.memory_space<vmem_shared>>) target_semaphore(%run_scoped3A_303 : memref<!tpu.dma_semaphore, #tpu.memory_space<semaphore_mem>>)
      %dma_wait3A_316 = arith.constant 0 : i32
      %dma_wait3A_317 = arith.constant 0 : i32
      %dma_wait3A_318 = tpu.memref_slice %arg8[%run_scoped3A_12, %dma_wait3A_316, %dma_wait3A_317] : memref<3x128x128xf32, #tpu.memory_space<vmem>> -> memref<1x128x128xf32, #tpu.memory_space<vmem>>
      %dma_wait3A_319 = tpu.memref_squeeze %dma_wait3A_318 : memref<1x128x128xf32, #tpu.memory_space<vmem>> -> memref<128x128xf32, #tpu.memory_space<vmem>>
      %dma_wait3A_320 = arith.constant 0 : i32
      %dma_wait3A_321 = tpu.memref_slice %arg9[%add3A_11, %dma_wait3A_320] : memref<10112x128xf32, #tpu.memory_space<vmem_shared>> -> memref<128x128xf32, #tpu.memory_space<vmem_shared>>
      %dma_wait3A_322 = arith.constant 0 : i32
      %dma_wait3A_323 = tpu.memref_slice %arg9[%add3A_11, %dma_wait3A_322] : memref<10112x128xf32, #tpu.memory_space<vmem_shared>> -> memref<128x128xf32, #tpu.memory_space<vmem_shared>>
      %dma_wait3A_324 = arith.constant 0 : i32
      %dma_wait3A_325 = arith.constant 0 : i32
      %dma_wait3A_326 = tpu.memref_slice %arg8[%run_scoped3A_12, %dma_wait3A_324, %dma_wait3A_325] : memref<3x128x128xf32, #tpu.memory_space<vmem>> -> memref<1x128x128xf32, #tpu.memory_space<vmem>>
      %dma_wait3A_327 = tpu.memref_squeeze %dma_wait3A_326 : memref<1x128x128xf32, #tpu.memory_space<vmem>> -> memref<128x128xf32, #tpu.memory_space<vmem>>
      tpu.wait_dma2 semaphore(%run_scoped3A_303 : memref<!tpu.dma_semaphore, #tpu.memory_space<semaphore_mem>>) src(%dma_wait3A_327 : memref<128x128xf32, #tpu.memory_space<vmem>>) dst(%dma_wait3A_323 : memref<128x128xf32, #tpu.memory_space<vmem_shared>>)
      tpu.yield
    }) : () -> ()
    %add3A_13 = arith.constant 256 : i32
    %add3A_14 = arith.addi %mul3A_2, %add3A_13 : i32
    %run_scoped3A_15 = arith.constant 0 : i32
    "tpu.region"() ({
      %run_scoped3A_303 = tpu.sem_alloc : memref<!tpu.dma_semaphore, #tpu.memory_space<semaphore_mem>>
      %dma_start3A_304 = arith.constant 0 : i32
      %dma_start3A_305 = arith.constant 0 : i32
      %dma_start3A_306 = tpu.memref_slice %arg8[%run_scoped3A_15, %dma_start3A_304, %dma_start3A_305] : memref<3x128x128xf32, #tpu.memory_space<vmem>> -> memref<1x128x128xf32, #tpu.memory_space<vmem>>
      %dma_start3A_307 = tpu.memref_squeeze %dma_start3A_306 : memref<1x128x128xf32, #tpu.memory_space<vmem>> -> memref<128x128xf32, #tpu.memory_space<vmem>>
      %dma_start3A_308 = arith.constant 0 : i32
      %dma_start3A_309 = tpu.memref_slice %arg9[%add3A_14, %dma_start3A_308] : memref<10112x128xf32, #tpu.memory_space<vmem_shared>> -> memref<128x128xf32, #tpu.memory_space<vmem_shared>>
      %dma_start3A_310 = arith.constant 0 : i32
      %dma_start3A_311 = tpu.memref_slice %arg9[%add3A_14, %dma_start3A_310] : memref<10112x128xf32, #tpu.memory_space<vmem_shared>> -> memref<128x128xf32, #tpu.memory_space<vmem_shared>>
      %dma_start3A_312 = arith.constant 0 : i32
      %dma_start3A_313 = arith.constant 0 : i32
      %dma_start3A_314 = tpu.memref_slice %arg8[%run_scoped3A_15, %dma_start3A_312, %dma_start3A_313] : memref<3x128x128xf32, #tpu.memory_space<vmem>> -> memref<1x128x128xf32, #tpu.memory_space<vmem>>
      %dma_start3A_315 = tpu.memref_squeeze %dma_start3A_314 : memref<1x128x128xf32, #tpu.memory_space<vmem>> -> memref<128x128xf32, #tpu.memory_space<vmem>>
      tpu.enqueue_dma source(%dma_start3A_315 : memref<128x128xf32, #tpu.memory_space<vmem>>) target(%dma_start3A_311 : memref<128x128xf32, #tpu.memory_space<vmem_shared>>) target_semaphore(%run_scoped3A_303 : memref<!tpu.dma_semaphore, #tpu.memory_space<semaphore_mem>>)
      %dma_wait3A_316 = arith.constant 0 : i32
      %dma_wait3A_317 = arith.constant 0 : i32
      %dma_wait3A_318 = tpu.memref_slice %arg8[%run_scoped3A_15, %dma_wait3A_316, %dma_wait3A_317] : memref<3x128x128xf32, #tpu.memory_space<vmem>> -> memref<1x128x128xf32, #tpu.memory_space<vmem>>
      %dma_wait3A_319 = tpu.memref_squeeze %dma_wait3A_318 : memref<1x128x128xf32, #tpu.memory_space<vmem>> -> memref<128x128xf32, #tpu.memory_space<vmem>>
      %dma_wait3A_320 = arith.constant 0 : i32
      %dma_wait3A_321 = tpu.memref_slice %arg9[%add3A_14, %dma_wait3A_320] : memref<10112x128xf32, #tpu.memory_space<vmem_shared>> -> memref<128x128xf32, #tpu.memory_space<vmem_shared>>
      %dma_wait3A_322 = arith.constant 0 : i32
      %dma_wait3A_323 = tpu.memref_slice %arg9[%add3A_14, %dma_wait3A_322] : memref<10112x128xf32, #tpu.memory_space<vmem_shared>> -> memref<128x128xf32, #tpu.memory_space<vmem_shared>>
      %dma_wait3A_324 = arith.constant 0 : i32
      %dma_wait3A_325 = arith.constant 0 : i32
      %dma_wait3A_326 = tpu.memref_slice %arg8[%run_scoped3A_15, %dma_wait3A_324, %dma_wait3A_325] : memref<3x128x128xf32, #tpu.memory_space<vmem>> -> memref<1x128x128xf32, #tpu.memory_space<vmem>>
      %dma_wait3A_327 = tpu.memref_squeeze %dma_wait3A_326 : memref<1x128x128xf32, #tpu.memory_space<vmem>> -> memref<128x128xf32, #tpu.memory_space<vmem>>
      tpu.wait_dma2 semaphore(%run_scoped3A_303 : memref<!tpu.dma_semaphore, #tpu.memory_space<semaphore_mem>>) src(%dma_wait3A_327 : memref<128x128xf32, #tpu.memory_space<vmem>>) dst(%dma_wait3A_323 : memref<128x128xf32, #tpu.memory_space<vmem_shared>>)
      tpu.yield
    }) : () -> ()
    %add3A_16 = arith.constant 384 : i32
    %add3A_17 = arith.addi %mul3A_2, %add3A_16 : i32
    %run_scoped3A_18 = arith.constant 0 : i32
    "tpu.region"() ({
      %run_scoped3A_303 = tpu.sem_alloc : memref<!tpu.dma_semaphore, #tpu.memory_space<semaphore_mem>>
      %dma_start3A_304 = arith.constant 0 : i32
      %dma_start3A_305 = arith.constant 0 : i32
      %dma_start3A_306 = tpu.memref_slice %arg8[%run_scoped3A_18, %dma_start3A_304, %dma_start3A_305] : memref<3x128x128xf32, #tpu.memory_space<vmem>> -> memref<1x128x128xf32, #tpu.memory_space<vmem>>
      %dma_start3A_307 = tpu.memref_squeeze %dma_start3A_306 : memref<1x128x128xf32, #tpu.memory_space<vmem>> -> memref<128x128xf32, #tpu.memory_space<vmem>>
      %dma_start3A_308 = arith.constant 0 : i32
      %dma_start3A_309 = tpu.memref_slice %arg9[%add3A_17, %dma_start3A_308] : memref<10112x128xf32, #tpu.memory_space<vmem_shared>> -> memref<128x128xf32, #tpu.memory_space<vmem_shared>>
      %dma_start3A_310 = arith.constant 0 : i32
      %dma_start3A_311 = tpu.memref_slice %arg9[%add3A_17, %dma_start3A_310] : memref<10112x128xf32, #tpu.memory_space<vmem_shared>> -> memref<128x128xf32, #tpu.memory_space<vmem_shared>>
      %dma_start3A_312 = arith.constant 0 : i32
      %dma_start3A_313 = arith.constant 0 : i32
      %dma_start3A_314 = tpu.memref_slice %arg8[%run_scoped3A_18, %dma_start3A_312, %dma_start3A_313] : memref<3x128x128xf32, #tpu.memory_space<vmem>> -> memref<1x128x128xf32, #tpu.memory_space<vmem>>
      %dma_start3A_315 = tpu.memref_squeeze %dma_start3A_314 : memref<1x128x128xf32, #tpu.memory_space<vmem>> -> memref<128x128xf32, #tpu.memory_space<vmem>>
      tpu.enqueue_dma source(%dma_start3A_315 : memref<128x128xf32, #tpu.memory_space<vmem>>) target(%dma_start3A_311 : memref<128x128xf32, #tpu.memory_space<vmem_shared>>) target_semaphore(%run_scoped3A_303 : memref<!tpu.dma_semaphore, #tpu.memory_space<semaphore_mem>>)
      %dma_wait3A_316 = arith.constant 0 : i32
      %dma_wait3A_317 = arith.constant 0 : i32
      %dma_wait3A_318 = tpu.memref_slice %arg8[%run_scoped3A_18, %dma_wait3A_316, %dma_wait3A_317] : memref<3x128x128xf32, #tpu.memory_space<vmem>> -> memref<1x128x128xf32, #tpu.memory_space<vmem>>
      %dma_wait3A_319 = tpu.memref_squeeze %dma_wait3A_318 : memref<1x128x128xf32, #tpu.memory_space<vmem>> -> memref<128x128xf32, #tpu.memory_space<vmem>>
      %dma_wait3A_320 = arith.constant 0 : i32
      %dma_wait3A_321 = tpu.memref_slice %arg9[%add3A_17, %dma_wait3A_320] : memref<10112x128xf32, #tpu.memory_space<vmem_shared>> -> memref<128x128xf32, #tpu.memory_space<vmem_shared>>
      %dma_wait3A_322 = arith.constant 0 : i32
      %dma_wait3A_323 = tpu.memref_slice %arg9[%add3A_17, %dma_wait3A_322] : memref<10112x128xf32, #tpu.memory_space<vmem_shared>> -> memref<128x128xf32, #tpu.memory_space<vmem_shared>>
      %dma_wait3A_324 = arith.constant 0 : i32
      %dma_wait3A_325 = arith.constant 0 : i32
      %dma_wait3A_326 = tpu.memref_slice %arg8[%run_scoped3A_18, %dma_wait3A_324, %dma_wait3A_325] : memref<3x128x128xf32, #tpu.memory_space<vmem>> -> memref<1x128x128xf32, #tpu.memory_space<vmem>>
      %dma_wait3A_327 = tpu.memref_squeeze %dma_wait3A_326 : memref<1x128x128xf32, #tpu.memory_space<vmem>> -> memref<128x128xf32, #tpu.memory_space<vmem>>
      tpu.wait_dma2 semaphore(%run_scoped3A_303 : memref<!tpu.dma_semaphore, #tpu.memory_space<semaphore_mem>>) src(%dma_wait3A_327 : memref<128x128xf32, #tpu.memory_space<vmem>>) dst(%dma_wait3A_323 : memref<128x128xf32, #tpu.memory_space<vmem_shared>>)
      tpu.yield
    }) : () -> ()
    %add3A_19 = arith.constant 512 : i32
    %add3A_20 = arith.addi %mul3A_2, %add3A_19 : i32
    %run_scoped3A_21 = arith.constant 0 : i32
    "tpu.region"() ({
      %run_scoped3A_303 = tpu.sem_alloc : memref<!tpu.dma_semaphore, #tpu.memory_space<semaphore_mem>>
      %dma_start3A_304 = arith.constant 0 : i32
      %dma_start3A_305 = arith.constant 0 : i32
      %dma_start3A_306 = tpu.memref_slice %arg8[%run_scoped3A_21, %dma_start3A_304, %dma_start3A_305] : memref<3x128x128xf32, #tpu.memory_space<vmem>> -> memref<1x120x128xf32, #tpu.memory_space<vmem>>
      %dma_start3A_307 = tpu.memref_squeeze %dma_start3A_306 : memref<1x120x128xf32, #tpu.memory_space<vmem>> -> memref<120x128xf32, #tpu.memory_space<vmem>>
      %dma_start3A_308 = arith.constant 0 : i32
      %dma_start3A_309 = tpu.memref_slice %arg9[%add3A_20, %dma_start3A_308] : memref<10112x128xf32, #tpu.memory_space<vmem_shared>> -> memref<120x128xf32, #tpu.memory_space<vmem_shared>>
      %dma_start3A_310 = arith.constant 0 : i32
      %dma_start3A_311 = tpu.memref_slice %arg9[%add3A_20, %dma_start3A_310] : memref<10112x128xf32, #tpu.memory_space<vmem_shared>> -> memref<120x128xf32, #tpu.memory_space<vmem_shared>>
      %dma_start3A_312 = arith.constant 0 : i32
      %dma_start3A_313 = arith.constant 0 : i32
      %dma_start3A_314 = tpu.memref_slice %arg8[%run_scoped3A_21, %dma_start3A_312, %dma_start3A_313] : memref<3x128x128xf32, #tpu.memory_space<vmem>> -> memref<1x120x128xf32, #tpu.memory_space<vmem>>
      %dma_start3A_315 = tpu.memref_squeeze %dma_start3A_314 : memref<1x120x128xf32, #tpu.memory_space<vmem>> -> memref<120x128xf32, #tpu.memory_space<vmem>>
      tpu.enqueue_dma source(%dma_start3A_315 : memref<120x128xf32, #tpu.memory_space<vmem>>) target(%dma_start3A_311 : memref<120x128xf32, #tpu.memory_space<vmem_shared>>) target_semaphore(%run_scoped3A_303 : memref<!tpu.dma_semaphore, #tpu.memory_space<semaphore_mem>>)
      %dma_wait3A_316 = arith.constant 0 : i32
      %dma_wait3A_317 = arith.constant 0 : i32
      %dma_wait3A_318 = tpu.memref_slice %arg8[%run_scoped3A_21, %dma_wait3A_316, %dma_wait3A_317] : memref<3x128x128xf32, #tpu.memory_space<vmem>> -> memref<1x120x128xf32, #tpu.memory_space<vmem>>
      %dma_wait3A_319 = tpu.memref_squeeze %dma_wait3A_318 : memref<1x120x128xf32, #tpu.memory_space<vmem>> -> memref<120x128xf32, #tpu.memory_space<vmem>>
      %dma_wait3A_320 = arith.constant 0 : i32
      %dma_wait3A_321 = tpu.memref_slice %arg9[%add3A_20, %dma_wait3A_320] : memref<10112x128xf32, #tpu.memory_space<vmem_shared>> -> memref<120x128xf32, #tpu.memory_space<vmem_shared>>
      %dma_wait3A_322 = arith.constant 0 : i32
      %dma_wait3A_323 = tpu.memref_slice %arg9[%add3A_20, %dma_wait3A_322] : memref<10112x128xf32, #tpu.memory_space<vmem_shared>> -> memref<120x128xf32, #tpu.memory_space<vmem_shared>>
      %dma_wait3A_324 = arith.constant 0 : i32
      %dma_wait3A_325 = arith.constant 0 : i32
      %dma_wait3A_326 = tpu.memref_slice %arg8[%run_scoped3A_21, %dma_wait3A_324, %dma_wait3A_325] : memref<3x128x128xf32, #tpu.memory_space<vmem>> -> memref<1x120x128xf32, #tpu.memory_space<vmem>>
      %dma_wait3A_327 = tpu.memref_squeeze %dma_wait3A_326 : memref<1x120x128xf32, #tpu.memory_space<vmem>> -> memref<120x128xf32, #tpu.memory_space<vmem>>
      tpu.wait_dma2 semaphore(%run_scoped3A_303 : memref<!tpu.dma_semaphore, #tpu.memory_space<semaphore_mem>>) src(%dma_wait3A_327 : memref<120x128xf32, #tpu.memory_space<vmem>>) dst(%dma_wait3A_323 : memref<120x128xf32, #tpu.memory_space<vmem_shared>>)
      tpu.yield
    }) : () -> ()
    %barrier3A = arith.constant 0 : index
    tpu.barrier barrier_id(%barrier3A)
    %mul3A_22 = arith.constant 10112 : i32
    %mul3A_23 = arith.muli %add3A, %mul3A_22 : i32
    %add3A_24 = arith.constant 0 : i32
    %add3A_25 = arith.addi %mul3A_23, %add3A_24 : i32
    %multiple_of3A = tpu.assume_multiple %add3A_25, 8 : i32
    %dma_start3A = arith.constant 0 : i32
    %dma_start3A_26 = arith.constant 0 : i32
    %dma_start3A_27 = arith.constant 0 : i32
    %dma_start3A_28 = tpu.memref_slice %arg6[%dma_start3A, %dma_start3A_27] : memref<3x128xi32, #tpu.memory_space<vmem>> -> memref<1x128xi32, #tpu.memory_space<vmem>>
    %dma_start3A_29 = tpu.memref_squeeze %dma_start3A_28 : memref<1x128xi32, #tpu.memory_space<vmem>> -> memref<128xi32, #tpu.memory_space<vmem>>
    %dma_start3A_30 = tpu.memref_slice %arg3[%multiple_of3A] : memref<323584xi32, #tpu.memory_space<hbm>> -> memref<128xi32, #tpu.memory_space<hbm>>
    %dma_start3A_31 = tpu.memref_slice %arg10[%dma_start3A_26] : memref<3x!tpu.dma_semaphore, #tpu.memory_space<semaphore_mem>> -> memref<1x!tpu.dma_semaphore, #tpu.memory_space<semaphore_mem>>
    %dma_start3A_32 = tpu.memref_squeeze %dma_start3A_31 : memref<1x!tpu.dma_semaphore, #tpu.memory_space<semaphore_mem>> -> memref<!tpu.dma_semaphore, #tpu.memory_space<semaphore_mem>>
    %dma_start3A_33 = arith.constant 0 : i32
    %dma_start3A_34 = tpu.memref_slice %arg6[%dma_start3A, %dma_start3A_33] : memref<3x128xi32, #tpu.memory_space<vmem>> -> memref<1x128xi32, #tpu.memory_space<vmem>>
    %dma_start3A_35 = tpu.memref_squeeze %dma_start3A_34 : memref<1x128xi32, #tpu.memory_space<vmem>> -> memref<128xi32, #tpu.memory_space<vmem>>
    %dma_start3A_36 = tpu.memref_slice %arg3[%multiple_of3A] : memref<323584xi32, #tpu.memory_space<hbm>> -> memref<128xi32, #tpu.memory_space<hbm>>
    tpu.enqueue_dma source(%dma_start3A_36 : memref<128xi32, #tpu.memory_space<hbm>>) target(%dma_start3A_35 : memref<128xi32, #tpu.memory_space<vmem>>) target_semaphore(%dma_start3A_32 : memref<!tpu.dma_semaphore, #tpu.memory_space<semaphore_mem>>)
    %dma_start3A_37 = arith.constant 0 : i32
    %dma_start3A_38 = arith.constant 0 : i32
    %dma_start3A_39 = arith.constant 0 : i32
    %dma_start3A_40 = tpu.memref_slice %arg7[%dma_start3A_37, %dma_start3A_39] : memref<3x128xi32, #tpu.memory_space<vmem>> -> memref<1x128xi32, #tpu.memory_space<vmem>>
    %dma_start3A_41 = tpu.memref_squeeze %dma_start3A_40 : memref<1x128xi32, #tpu.memory_space<vmem>> -> memref<128xi32, #tpu.memory_space<vmem>>
    %dma_start3A_42 = tpu.memref_slice %arg4[%multiple_of3A] : memref<323584xi32, #tpu.memory_space<hbm>> -> memref<128xi32, #tpu.memory_space<hbm>>
    %dma_start3A_43 = tpu.memref_slice %arg10[%dma_start3A_38] : memref<3x!tpu.dma_semaphore, #tpu.memory_space<semaphore_mem>> -> memref<1x!tpu.dma_semaphore, #tpu.memory_space<semaphore_mem>>
    %dma_start3A_44 = tpu.memref_squeeze %dma_start3A_43 : memref<1x!tpu.dma_semaphore, #tpu.memory_space<semaphore_mem>> -> memref<!tpu.dma_semaphore, #tpu.memory_space<semaphore_mem>>
    %dma_start3A_45 = arith.constant 0 : i32
    %dma_start3A_46 = tpu.memref_slice %arg7[%dma_start3A_37, %dma_start3A_45] : memref<3x128xi32, #tpu.memory_space<vmem>> -> memref<1x128xi32, #tpu.memory_space<vmem>>
    %dma_start3A_47 = tpu.memref_squeeze %dma_start3A_46 : memref<1x128xi32, #tpu.memory_space<vmem>> -> memref<128xi32, #tpu.memory_space<vmem>>
    %dma_start3A_48 = tpu.memref_slice %arg4[%multiple_of3A] : memref<323584xi32, #tpu.memory_space<hbm>> -> memref<128xi32, #tpu.memory_space<hbm>>
    tpu.enqueue_dma source(%dma_start3A_48 : memref<128xi32, #tpu.memory_space<hbm>>) target(%dma_start3A_47 : memref<128xi32, #tpu.memory_space<vmem>>) target_semaphore(%dma_start3A_44 : memref<!tpu.dma_semaphore, #tpu.memory_space<semaphore_mem>>)
    %add3A_49 = arith.constant 128 : i32
    %add3A_50 = arith.addi %mul3A_23, %add3A_49 : i32
    %multiple_of3A_51 = tpu.assume_multiple %add3A_50, 8 : i32
    %dma_start3A_52 = arith.constant 1 : i32
    %dma_start3A_53 = arith.constant 1 : i32
    %dma_start3A_54 = arith.constant 0 : i32
    %dma_start3A_55 = tpu.memref_slice %arg6[%dma_start3A_52, %dma_start3A_54] : memref<3x128xi32, #tpu.memory_space<vmem>> -> memref<1x128xi32, #tpu.memory_space<vmem>>
    %dma_start3A_56 = tpu.memref_squeeze %dma_start3A_55 : memref<1x128xi32, #tpu.memory_space<vmem>> -> memref<128xi32, #tpu.memory_space<vmem>>
    %dma_start3A_57 = tpu.memref_slice %arg3[%multiple_of3A_51] : memref<323584xi32, #tpu.memory_space<hbm>> -> memref<128xi32, #tpu.memory_space<hbm>>
    %dma_start3A_58 = tpu.memref_slice %arg10[%dma_start3A_53] : memref<3x!tpu.dma_semaphore, #tpu.memory_space<semaphore_mem>> -> memref<1x!tpu.dma_semaphore, #tpu.memory_space<semaphore_mem>>
    %dma_start3A_59 = tpu.memref_squeeze %dma_start3A_58 : memref<1x!tpu.dma_semaphore, #tpu.memory_space<semaphore_mem>> -> memref<!tpu.dma_semaphore, #tpu.memory_space<semaphore_mem>>
    %dma_start3A_60 = arith.constant 0 : i32
    %dma_start3A_61 = tpu.memref_slice %arg6[%dma_start3A_52, %dma_start3A_60] : memref<3x128xi32, #tpu.memory_space<vmem>> -> memref<1x128xi32, #tpu.memory_space<vmem>>
    %dma_start3A_62 = tpu.memref_squeeze %dma_start3A_61 : memref<1x128xi32, #tpu.memory_space<vmem>> -> memref<128xi32, #tpu.memory_space<vmem>>
    %dma_start3A_63 = tpu.memref_slice %arg3[%multiple_of3A_51] : memref<323584xi32, #tpu.memory_space<hbm>> -> memref<128xi32, #tpu.memory_space<hbm>>
    tpu.enqueue_dma source(%dma_start3A_63 : memref<128xi32, #tpu.memory_space<hbm>>) target(%dma_start3A_62 : memref<128xi32, #tpu.memory_space<vmem>>) target_semaphore(%dma_start3A_59 : memref<!tpu.dma_semaphore, #tpu.memory_space<semaphore_mem>>)
    %dma_start3A_64 = arith.constant 1 : i32
    %dma_start3A_65 = arith.constant 1 : i32
    %dma_start3A_66 = arith.constant 0 : i32
    %dma_start3A_67 = tpu.memref_slice %arg7[%dma_start3A_64, %dma_start3A_66] : memref<3x128xi32, #tpu.memory_space<vmem>> -> memref<1x128xi32, #tpu.memory_space<vmem>>
    %dma_start3A_68 = tpu.memref_squeeze %dma_start3A_67 : memref<1x128xi32, #tpu.memory_space<vmem>> -> memref<128xi32, #tpu.memory_space<vmem>>
    %dma_start3A_69 = tpu.memref_slice %arg4[%multiple_of3A_51] : memref<323584xi32, #tpu.memory_space<hbm>> -> memref<128xi32, #tpu.memory_space<hbm>>
    %dma_start3A_70 = tpu.memref_slice %arg10[%dma_start3A_65] : memref<3x!tpu.dma_semaphore, #tpu.memory_space<semaphore_mem>> -> memref<1x!tpu.dma_semaphore, #tpu.memory_space<semaphore_mem>>
    %dma_start3A_71 = tpu.memref_squeeze %dma_start3A_70 : memref<1x!tpu.dma_semaphore, #tpu.memory_space<semaphore_mem>> -> memref<!tpu.dma_semaphore, #tpu.memory_space<semaphore_mem>>
    %dma_start3A_72 = arith.constant 0 : i32
    %dma_start3A_73 = tpu.memref_slice %arg7[%dma_start3A_64, %dma_start3A_72] : memref<3x128xi32, #tpu.memory_space<vmem>> -> memref<1x128xi32, #tpu.memory_space<vmem>>
    %dma_start3A_74 = tpu.memref_squeeze %dma_start3A_73 : memref<1x128xi32, #tpu.memory_space<vmem>> -> memref<128xi32, #tpu.memory_space<vmem>>
    %dma_start3A_75 = tpu.memref_slice %arg4[%multiple_of3A_51] : memref<323584xi32, #tpu.memory_space<hbm>> -> memref<128xi32, #tpu.memory_space<hbm>>
    tpu.enqueue_dma source(%dma_start3A_75 : memref<128xi32, #tpu.memory_space<hbm>>) target(%dma_start3A_74 : memref<128xi32, #tpu.memory_space<vmem>>) target_semaphore(%dma_start3A_71 : memref<!tpu.dma_semaphore, #tpu.memory_space<semaphore_mem>>)
    %add3A_76 = arith.constant 256 : i32
    %add3A_77 = arith.addi %mul3A_23, %add3A_76 : i32
    %multiple_of3A_78 = tpu.assume_multiple %add3A_77, 8 : i32
    %dma_start3A_79 = arith.constant 2 : i32
    %dma_start3A_80 = arith.constant 2 : i32
    %dma_start3A_81 = arith.constant 0 : i32
    %dma_start3A_82 = tpu.memref_slice %arg6[%dma_start3A_79, %dma_start3A_81] : memref<3x128xi32, #tpu.memory_space<vmem>> -> memref<1x128xi32, #tpu.memory_space<vmem>>
    %dma_start3A_83 = tpu.memref_squeeze %dma_start3A_82 : memref<1x128xi32, #tpu.memory_space<vmem>> -> memref<128xi32, #tpu.memory_space<vmem>>
    %dma_start3A_84 = tpu.memref_slice %arg3[%multiple_of3A_78] : memref<323584xi32, #tpu.memory_space<hbm>> -> memref<128xi32, #tpu.memory_space<hbm>>
    %dma_start3A_85 = tpu.memref_slice %arg10[%dma_start3A_80] : memref<3x!tpu.dma_semaphore, #tpu.memory_space<semaphore_mem>> -> memref<1x!tpu.dma_semaphore, #tpu.memory_space<semaphore_mem>>
    %dma_start3A_86 = tpu.memref_squeeze %dma_start3A_85 : memref<1x!tpu.dma_semaphore, #tpu.memory_space<semaphore_mem>> -> memref<!tpu.dma_semaphore, #tpu.memory_space<semaphore_mem>>
    %dma_start3A_87 = arith.constant 0 : i32
    %dma_start3A_88 = tpu.memref_slice %arg6[%dma_start3A_79, %dma_start3A_87] : memref<3x128xi32, #tpu.memory_space<vmem>> -> memref<1x128xi32, #tpu.memory_space<vmem>>
    %dma_start3A_89 = tpu.memref_squeeze %dma_start3A_88 : memref<1x128xi32, #tpu.memory_space<vmem>> -> memref<128xi32, #tpu.memory_space<vmem>>
    %dma_start3A_90 = tpu.memref_slice %arg3[%multiple_of3A_78] : memref<323584xi32, #tpu.memory_space<hbm>> -> memref<128xi32, #tpu.memory_space<hbm>>
    tpu.enqueue_dma source(%dma_start3A_90 : memref<128xi32, #tpu.memory_space<hbm>>) target(%dma_start3A_89 : memref<128xi32, #tpu.memory_space<vmem>>) target_semaphore(%dma_start3A_86 : memref<!tpu.dma_semaphore, #tpu.memory_space<semaphore_mem>>)
    %dma_start3A_91 = arith.constant 2 : i32
    %dma_start3A_92 = arith.constant 2 : i32
    %dma_start3A_93 = arith.constant 0 : i32
    %dma_start3A_94 = tpu.memref_slice %arg7[%dma_start3A_91, %dma_start3A_93] : memref<3x128xi32, #tpu.memory_space<vmem>> -> memref<1x128xi32, #tpu.memory_space<vmem>>
    %dma_start3A_95 = tpu.memref_squeeze %dma_start3A_94 : memref<1x128xi32, #tpu.memory_space<vmem>> -> memref<128xi32, #tpu.memory_space<vmem>>
    %dma_start3A_96 = tpu.memref_slice %arg4[%multiple_of3A_78] : memref<323584xi32, #tpu.memory_space<hbm>> -> memref<128xi32, #tpu.memory_space<hbm>>
    %dma_start3A_97 = tpu.memref_slice %arg10[%dma_start3A_92] : memref<3x!tpu.dma_semaphore, #tpu.memory_space<semaphore_mem>> -> memref<1x!tpu.dma_semaphore, #tpu.memory_space<semaphore_mem>>
    %dma_start3A_98 = tpu.memref_squeeze %dma_start3A_97 : memref<1x!tpu.dma_semaphore, #tpu.memory_space<semaphore_mem>> -> memref<!tpu.dma_semaphore, #tpu.memory_space<semaphore_mem>>
    %dma_start3A_99 = arith.constant 0 : i32
    %dma_start3A_100 = tpu.memref_slice %arg7[%dma_start3A_91, %dma_start3A_99] : memref<3x128xi32, #tpu.memory_space<vmem>> -> memref<1x128xi32, #tpu.memory_space<vmem>>
    %dma_start3A_101 = tpu.memref_squeeze %dma_start3A_100 : memref<1x128xi32, #tpu.memory_space<vmem>> -> memref<128xi32, #tpu.memory_space<vmem>>
    %dma_start3A_102 = tpu.memref_slice %arg4[%multiple_of3A_78] : memref<323584xi32, #tpu.memory_space<hbm>> -> memref<128xi32, #tpu.memory_space<hbm>>
    tpu.enqueue_dma source(%dma_start3A_102 : memref<128xi32, #tpu.memory_space<hbm>>) target(%dma_start3A_101 : memref<128xi32, #tpu.memory_space<vmem>>) target_semaphore(%dma_start3A_98 : memref<!tpu.dma_semaphore, #tpu.memory_space<semaphore_mem>>)
    %add3A_103 = arith.constant 0 : i32
    %add3A_104 = arith.addi %mul3A_23, %add3A_103 : i32
    %multiple_of3A_105 = tpu.assume_multiple %add3A_104, 8 : i32
    %dma_wait3A = arith.constant 0 : i32
    %dma_wait3A_106 = arith.constant 0 : i32
    %dma_wait3A_107 = arith.constant 0 : i32
    %dma_wait3A_108 = tpu.memref_slice %arg6[%dma_wait3A, %dma_wait3A_107] : memref<3x128xi32, #tpu.memory_space<vmem>> -> memref<1x128xi32, #tpu.memory_space<vmem>>
    %dma_wait3A_109 = tpu.memref_squeeze %dma_wait3A_108 : memref<1x128xi32, #tpu.memory_space<vmem>> -> memref<128xi32, #tpu.memory_space<vmem>>
    %dma_wait3A_110 = tpu.memref_slice %arg3[%multiple_of3A_105] : memref<323584xi32, #tpu.memory_space<hbm>> -> memref<128xi32, #tpu.memory_space<hbm>>
    %dma_wait3A_111 = tpu.memref_slice %arg10[%dma_wait3A_106] : memref<3x!tpu.dma_semaphore, #tpu.memory_space<semaphore_mem>> -> memref<1x!tpu.dma_semaphore, #tpu.memory_space<semaphore_mem>>
    %dma_wait3A_112 = tpu.memref_squeeze %dma_wait3A_111 : memref<1x!tpu.dma_semaphore, #tpu.memory_space<semaphore_mem>> -> memref<!tpu.dma_semaphore, #tpu.memory_space<semaphore_mem>>
    %dma_wait3A_113 = arith.constant 0 : i32
    %dma_wait3A_114 = tpu.memref_slice %arg6[%dma_wait3A, %dma_wait3A_113] : memref<3x128xi32, #tpu.memory_space<vmem>> -> memref<1x128xi32, #tpu.memory_space<vmem>>
    %dma_wait3A_115 = tpu.memref_squeeze %dma_wait3A_114 : memref<1x128xi32, #tpu.memory_space<vmem>> -> memref<128xi32, #tpu.memory_space<vmem>>
    %dma_wait3A_116 = tpu.memref_slice %arg3[%multiple_of3A_105] : memref<323584xi32, #tpu.memory_space<hbm>> -> memref<128xi32, #tpu.memory_space<hbm>>
    tpu.wait_dma2 semaphore(%dma_wait3A_112 : memref<!tpu.dma_semaphore, #tpu.memory_space<semaphore_mem>>) src(%dma_wait3A_116 : memref<128xi32, #tpu.memory_space<hbm>>) dst(%dma_wait3A_115 : memref<128xi32, #tpu.memory_space<vmem>>)
    %dma_wait3A_117 = arith.constant 0 : i32
    %dma_wait3A_118 = arith.constant 0 : i32
    %dma_wait3A_119 = arith.constant 0 : i32
    %dma_wait3A_120 = tpu.memref_slice %arg7[%dma_wait3A_117, %dma_wait3A_119] : memref<3x128xi32, #tpu.memory_space<vmem>> -> memref<1x128xi32, #tpu.memory_space<vmem>>
    %dma_wait3A_121 = tpu.memref_squeeze %dma_wait3A_120 : memref<1x128xi32, #tpu.memory_space<vmem>> -> memref<128xi32, #tpu.memory_space<vmem>>
    %dma_wait3A_122 = tpu.memref_slice %arg4[%multiple_of3A_105] : memref<323584xi32, #tpu.memory_space<hbm>> -> memref<128xi32, #tpu.memory_space<hbm>>
    %dma_wait3A_123 = tpu.memref_slice %arg10[%dma_wait3A_118] : memref<3x!tpu.dma_semaphore, #tpu.memory_space<semaphore_mem>> -> memref<1x!tpu.dma_semaphore, #tpu.memory_space<semaphore_mem>>
    %dma_wait3A_124 = tpu.memref_squeeze %dma_wait3A_123 : memref<1x!tpu.dma_semaphore, #tpu.memory_space<semaphore_mem>> -> memref<!tpu.dma_semaphore, #tpu.memory_space<semaphore_mem>>
    %dma_wait3A_125 = arith.constant 0 : i32
    %dma_wait3A_126 = tpu.memref_slice %arg7[%dma_wait3A_117, %dma_wait3A_125] : memref<3x128xi32, #tpu.memory_space<vmem>> -> memref<1x128xi32, #tpu.memory_space<vmem>>
    %dma_wait3A_127 = tpu.memref_squeeze %dma_wait3A_126 : memref<1x128xi32, #tpu.memory_space<vmem>> -> memref<128xi32, #tpu.memory_space<vmem>>
    %dma_wait3A_128 = tpu.memref_slice %arg4[%multiple_of3A_105] : memref<323584xi32, #tpu.memory_space<hbm>> -> memref<128xi32, #tpu.memory_space<hbm>>
    tpu.wait_dma2 semaphore(%dma_wait3A_124 : memref<!tpu.dma_semaphore, #tpu.memory_space<semaphore_mem>>) src(%dma_wait3A_128 : memref<128xi32, #tpu.memory_space<hbm>>) dst(%dma_wait3A_127 : memref<128xi32, #tpu.memory_space<vmem>>)
    %dma_start3A_129 = arith.constant 0 : i32
    %dma_start3A_130 = arith.constant 0 : i32
    %dma_start3A_131 = arith.constant 0 : i32
    %dma_start3A_132 = arith.constant 0 : i32
    %dma_start3A_133 = arith.constant 0 : i32
    %dma_start3A_134 = tpu.memref_slice %arg8[%dma_start3A_130, %dma_start3A_132, %dma_start3A_133] : memref<3x128x128xf32, #tpu.memory_space<vmem>> -> memref<1x32x128xf32, #tpu.memory_space<vmem>>
    %dma_start3A_135 = tpu.memref_squeeze %dma_start3A_134 : memref<1x32x128xf32, #tpu.memory_space<vmem>> -> memref<32x128xf32, #tpu.memory_space<vmem>>
    %dma_start3A_136 = arith.constant 0 : i32
    %dma_start3A_137 = tpu.memref_slice %arg6[%dma_start3A_129, %dma_start3A_136] : memref<3x128xi32, #tpu.memory_space<vmem>> -> memref<1x32xi32, #tpu.memory_space<vmem>>
    %dma_start3A_138 = tpu.memref_squeeze %dma_start3A_137 : memref<1x32xi32, #tpu.memory_space<vmem>> -> memref<32xi32, #tpu.memory_space<vmem>>
    %dma_start3A_139 = arith.constant 0 : i32
    %dma_start3A_140 = arith.constant 0 : i32
    %dma_start3A_141 = tpu.memref_slice %arg2[%dma_start3A_139, %dma_start3A_140] : memref<10000x128xf32, #tpu.memory_space<hbm>> -> memref<10000x128xf32, #tpu.memory_space<hbm>>
    %dma_start3A_142 = tpu.memref_slice %arg11[%dma_start3A_131] : memref<3x!tpu.dma_semaphore, #tpu.memory_space<semaphore_mem>> -> memref<1x!tpu.dma_semaphore, #tpu.memory_space<semaphore_mem>>
    %dma_start3A_143 = tpu.memref_squeeze %dma_start3A_142 : memref<1x!tpu.dma_semaphore, #tpu.memory_space<semaphore_mem>> -> memref<!tpu.dma_semaphore, #tpu.memory_space<semaphore_mem>>
    tpu.enqueue_indirect_dma source(%dma_start3A_141 : memref<10000x128xf32, #tpu.memory_space<hbm>>) target(%dma_start3A_135 : memref<32x128xf32, #tpu.memory_space<vmem>>) offsets(%dma_start3A_138 : memref<32xi32, #tpu.memory_space<vmem>>) semaphore(%dma_start3A_143 : memref<!tpu.dma_semaphore, #tpu.memory_space<semaphore_mem>>)
    %dma_start3A_144 = arith.constant 0 : i32
    %dma_start3A_145 = arith.constant 0 : i32
    %dma_start3A_146 = arith.constant 0 : i32
    %dma_start3A_147 = arith.constant 32 : i32
    %dma_start3A_148 = arith.constant 0 : i32
    %dma_start3A_149 = tpu.memref_slice %arg8[%dma_start3A_145, %dma_start3A_147, %dma_start3A_148] : memref<3x128x128xf32, #tpu.memory_space<vmem>> -> memref<1x32x128xf32, #tpu.memory_space<vmem>>
    %dma_start3A_150 = tpu.memref_squeeze %dma_start3A_149 : memref<1x32x128xf32, #tpu.memory_space<vmem>> -> memref<32x128xf32, #tpu.memory_space<vmem>>
    %dma_start3A_151 = arith.constant 32 : i32
    %dma_start3A_152 = tpu.memref_slice %arg6[%dma_start3A_144, %dma_start3A_151] : memref<3x128xi32, #tpu.memory_space<vmem>> -> memref<1x32xi32, #tpu.memory_space<vmem>>
    %dma_start3A_153 = tpu.memref_squeeze %dma_start3A_152 : memref<1x32xi32, #tpu.memory_space<vmem>> -> memref<32xi32, #tpu.memory_space<vmem>>
    %dma_start3A_154 = arith.constant 0 : i32
    %dma_start3A_155 = arith.constant 0 : i32
    %dma_start3A_156 = tpu.memref_slice %arg2[%dma_start3A_154, %dma_start3A_155] : memref<10000x128xf32, #tpu.memory_space<hbm>> -> memref<10000x128xf32, #tpu.memory_space<hbm>>
    %dma_start3A_157 = tpu.memref_slice %arg11[%dma_start3A_146] : memref<3x!tpu.dma_semaphore, #tpu.memory_space<semaphore_mem>> -> memref<1x!tpu.dma_semaphore, #tpu.memory_space<semaphore_mem>>
    %dma_start3A_158 = tpu.memref_squeeze %dma_start3A_157 : memref<1x!tpu.dma_semaphore, #tpu.memory_space<semaphore_mem>> -> memref<!tpu.dma_semaphore, #tpu.memory_space<semaphore_mem>>
    tpu.enqueue_indirect_dma source(%dma_start3A_156 : memref<10000x128xf32, #tpu.memory_space<hbm>>) target(%dma_start3A_150 : memref<32x128xf32, #tpu.memory_space<vmem>>) offsets(%dma_start3A_153 : memref<32xi32, #tpu.memory_space<vmem>>) semaphore(%dma_start3A_158 : memref<!tpu.dma_semaphore, #tpu.memory_space<semaphore_mem>>)
    %dma_start3A_159 = arith.constant 0 : i32
    %dma_start3A_160 = arith.constant 0 : i32
    %dma_start3A_161 = arith.constant 0 : i32
    %dma_start3A_162 = arith.constant 64 : i32
    %dma_start3A_163 = arith.constant 0 : i32
    %dma_start3A_164 = tpu.memref_slice %arg8[%dma_start3A_160, %dma_start3A_162, %dma_start3A_163] : memref<3x128x128xf32, #tpu.memory_space<vmem>> -> memref<1x32x128xf32, #tpu.memory_space<vmem>>
    %dma_start3A_165 = tpu.memref_squeeze %dma_start3A_164 : memref<1x32x128xf32, #tpu.memory_space<vmem>> -> memref<32x128xf32, #tpu.memory_space<vmem>>
    %dma_start3A_166 = arith.constant 64 : i32
    %dma_start3A_167 = tpu.memref_slice %arg6[%dma_start3A_159, %dma_start3A_166] : memref<3x128xi32, #tpu.memory_space<vmem>> -> memref<1x32xi32, #tpu.memory_space<vmem>>
    %dma_start3A_168 = tpu.memref_squeeze %dma_start3A_167 : memref<1x32xi32, #tpu.memory_space<vmem>> -> memref<32xi32, #tpu.memory_space<vmem>>
    %dma_start3A_169 = arith.constant 0 : i32
    %dma_start3A_170 = arith.constant 0 : i32
    %dma_start3A_171 = tpu.memref_slice %arg2[%dma_start3A_169, %dma_start3A_170] : memref<10000x128xf32, #tpu.memory_space<hbm>> -> memref<10000x128xf32, #tpu.memory_space<hbm>>
    %dma_start3A_172 = tpu.memref_slice %arg11[%dma_start3A_161] : memref<3x!tpu.dma_semaphore, #tpu.memory_space<semaphore_mem>> -> memref<1x!tpu.dma_semaphore, #tpu.memory_space<semaphore_mem>>
    %dma_start3A_173 = tpu.memref_squeeze %dma_start3A_172 : memref<1x!tpu.dma_semaphore, #tpu.memory_space<semaphore_mem>> -> memref<!tpu.dma_semaphore, #tpu.memory_space<semaphore_mem>>
    tpu.enqueue_indirect_dma source(%dma_start3A_171 : memref<10000x128xf32, #tpu.memory_space<hbm>>) target(%dma_start3A_165 : memref<32x128xf32, #tpu.memory_space<vmem>>) offsets(%dma_start3A_168 : memref<32xi32, #tpu.memory_space<vmem>>) semaphore(%dma_start3A_173 : memref<!tpu.dma_semaphore, #tpu.memory_space<semaphore_mem>>)
    %dma_start3A_174 = arith.constant 0 : i32
    %dma_start3A_175 = arith.constant 0 : i32
    %dma_start3A_176 = arith.constant 0 : i32
    %dma_start3A_177 = arith.constant 96 : i32
    %dma_start3A_178 = arith.constant 0 : i32
    %dma_start3A_179 = tpu.memref_slice %arg8[%dma_start3A_175, %dma_start3A_177, %dma_start3A_178] : memref<3x128x128xf32, #tpu.memory_space<vmem>> -> memref<1x32x128xf32, #tpu.memory_space<vmem>>
    %dma_start3A_180 = tpu.memref_squeeze %dma_start3A_179 : memref<1x32x128xf32, #tpu.memory_space<vmem>> -> memref<32x128xf32, #tpu.memory_space<vmem>>
    %dma_start3A_181 = arith.constant 96 : i32
    %dma_start3A_182 = tpu.memref_slice %arg6[%dma_start3A_174, %dma_start3A_181] : memref<3x128xi32, #tpu.memory_space<vmem>> -> memref<1x32xi32, #tpu.memory_space<vmem>>
    %dma_start3A_183 = tpu.memref_squeeze %dma_start3A_182 : memref<1x32xi32, #tpu.memory_space<vmem>> -> memref<32xi32, #tpu.memory_space<vmem>>
    %dma_start3A_184 = arith.constant 0 : i32
    %dma_start3A_185 = arith.constant 0 : i32
    %dma_start3A_186 = tpu.memref_slice %arg2[%dma_start3A_184, %dma_start3A_185] : memref<10000x128xf32, #tpu.memory_space<hbm>> -> memref<10000x128xf32, #tpu.memory_space<hbm>>
    %dma_start3A_187 = tpu.memref_slice %arg11[%dma_start3A_176] : memref<3x!tpu.dma_semaphore, #tpu.memory_space<semaphore_mem>> -> memref<1x!tpu.dma_semaphore, #tpu.memory_space<semaphore_mem>>
    %dma_start3A_188 = tpu.memref_squeeze %dma_start3A_187 : memref<1x!tpu.dma_semaphore, #tpu.memory_space<semaphore_mem>> -> memref<!tpu.dma_semaphore, #tpu.memory_space<semaphore_mem>>
    tpu.enqueue_indirect_dma source(%dma_start3A_186 : memref<10000x128xf32, #tpu.memory_space<hbm>>) target(%dma_start3A_180 : memref<32x128xf32, #tpu.memory_space<vmem>>) offsets(%dma_start3A_183 : memref<32xi32, #tpu.memory_space<vmem>>) semaphore(%dma_start3A_188 : memref<!tpu.dma_semaphore, #tpu.memory_space<semaphore_mem>>)
    %add3A_189 = arith.constant 128 : i32
    %add3A_190 = arith.addi %mul3A_23, %add3A_189 : i32
    %multiple_of3A_191 = tpu.assume_multiple %add3A_190, 8 : i32
    %dma_wait3A_192 = arith.constant 1 : i32
    %dma_wait3A_193 = arith.constant 1 : i32
    %dma_wait3A_194 = arith.constant 0 : i32
    %dma_wait3A_195 = tpu.memref_slice %arg6[%dma_wait3A_192, %dma_wait3A_194] : memref<3x128xi32, #tpu.memory_space<vmem>> -> memref<1x128xi32, #tpu.memory_space<vmem>>
    %dma_wait3A_196 = tpu.memref_squeeze %dma_wait3A_195 : memref<1x128xi32, #tpu.memory_space<vmem>> -> memref<128xi32, #tpu.memory_space<vmem>>
    %dma_wait3A_197 = tpu.memref_slice %arg3[%multiple_of3A_191] : memref<323584xi32, #tpu.memory_space<hbm>> -> memref<128xi32, #tpu.memory_space<hbm>>
    %dma_wait3A_198 = tpu.memref_slice %arg10[%dma_wait3A_193] : memref<3x!tpu.dma_semaphore, #tpu.memory_space<semaphore_mem>> -> memref<1x!tpu.dma_semaphore, #tpu.memory_space<semaphore_mem>>
    %dma_wait3A_199 = tpu.memref_squeeze %dma_wait3A_198 : memref<1x!tpu.dma_semaphore, #tpu.memory_space<semaphore_mem>> -> memref<!tpu.dma_semaphore, #tpu.memory_space<semaphore_mem>>
    %dma_wait3A_200 = arith.constant 0 : i32
    %dma_wait3A_201 = tpu.memref_slice %arg6[%dma_wait3A_192, %dma_wait3A_200] : memref<3x128xi32, #tpu.memory_space<vmem>> -> memref<1x128xi32, #tpu.memory_space<vmem>>
    %dma_wait3A_202 = tpu.memref_squeeze %dma_wait3A_201 : memref<1x128xi32, #tpu.memory_space<vmem>> -> memref<128xi32, #tpu.memory_space<vmem>>
    %dma_wait3A_203 = tpu.memref_slice %arg3[%multiple_of3A_191] : memref<323584xi32, #tpu.memory_space<hbm>> -> memref<128xi32, #tpu.memory_space<hbm>>
    tpu.wait_dma2 semaphore(%dma_wait3A_199 : memref<!tpu.dma_semaphore, #tpu.memory_space<semaphore_mem>>) src(%dma_wait3A_203 : memref<128xi32, #tpu.memory_space<hbm>>) dst(%dma_wait3A_202 : memref<128xi32, #tpu.memory_space<vmem>>)
    %dma_wait3A_204 = arith.constant 1 : i32
    %dma_wait3A_205 = arith.constant 1 : i32
    %dma_wait3A_206 = arith.constant 0 : i32
    %dma_wait3A_207 = tpu.memref_slice %arg7[%dma_wait3A_204, %dma_wait3A_206] : memref<3x128xi32, #tpu.memory_space<vmem>> -> memref<1x128xi32, #tpu.memory_space<vmem>>
    %dma_wait3A_208 = tpu.memref_squeeze %dma_wait3A_207 : memref<1x128xi32, #tpu.memory_space<vmem>> -> memref<128xi32, #tpu.memory_space<vmem>>
    %dma_wait3A_209 = tpu.memref_slice %arg4[%multiple_of3A_191] : memref<323584xi32, #tpu.memory_space<hbm>> -> memref<128xi32, #tpu.memory_space<hbm>>
    %dma_wait3A_210 = tpu.memref_slice %arg10[%dma_wait3A_205] : memref<3x!tpu.dma_semaphore, #tpu.memory_space<semaphore_mem>> -> memref<1x!tpu.dma_semaphore, #tpu.memory_space<semaphore_mem>>
    %dma_wait3A_211 = tpu.memref_squeeze %dma_wait3A_210 : memref<1x!tpu.dma_semaphore, #tpu.memory_space<semaphore_mem>> -> memref<!tpu.dma_semaphore, #tpu.memory_space<semaphore_mem>>
    %dma_wait3A_212 = arith.constant 0 : i32
    %dma_wait3A_213 = tpu.memref_slice %arg7[%dma_wait3A_204, %dma_wait3A_212] : memref<3x128xi32, #tpu.memory_space<vmem>> -> memref<1x128xi32, #tpu.memory_space<vmem>>
    %dma_wait3A_214 = tpu.memref_squeeze %dma_wait3A_213 : memref<1x128xi32, #tpu.memory_space<vmem>> -> memref<128xi32, #tpu.memory_space<vmem>>
    %dma_wait3A_215 = tpu.memref_slice %arg4[%multiple_of3A_191] : memref<323584xi32, #tpu.memory_space<hbm>> -> memref<128xi32, #tpu.memory_space<hbm>>
    tpu.wait_dma2 semaphore(%dma_wait3A_211 : memref<!tpu.dma_semaphore, #tpu.memory_space<semaphore_mem>>) src(%dma_wait3A_215 : memref<128xi32, #tpu.memory_space<hbm>>) dst(%dma_wait3A_214 : memref<128xi32, #tpu.memory_space<vmem>>)
    %dma_start3A_216 = arith.constant 1 : i32
    %dma_start3A_217 = arith.constant 1 : i32
    %dma_start3A_218 = arith.constant 1 : i32
    %dma_start3A_219 = arith.constant 0 : i32
    %dma_start3A_220 = arith.constant 0 : i32
    %dma_start3A_221 = tpu.memref_slice %arg8[%dma_start3A_217, %dma_start3A_219, %dma_start3A_220] : memref<3x128x128xf32, #tpu.memory_space<vmem>> -> memref<1x32x128xf32, #tpu.memory_space<vmem>>
    %dma_start3A_222 = tpu.memref_squeeze %dma_start3A_221 : memref<1x32x128xf32, #tpu.memory_space<vmem>> -> memref<32x128xf32, #tpu.memory_space<vmem>>
    %dma_start3A_223 = arith.constant 0 : i32
    %dma_start3A_224 = tpu.memref_slice %arg6[%dma_start3A_216, %dma_start3A_223] : memref<3x128xi32, #tpu.memory_space<vmem>> -> memref<1x32xi32, #tpu.memory_space<vmem>>
    %dma_start3A_225 = tpu.memref_squeeze %dma_start3A_224 : memref<1x32xi32, #tpu.memory_space<vmem>> -> memref<32xi32, #tpu.memory_space<vmem>>
    %dma_start3A_226 = arith.constant 0 : i32
    %dma_start3A_227 = arith.constant 0 : i32
    %dma_start3A_228 = tpu.memref_slice %arg2[%dma_start3A_226, %dma_start3A_227] : memref<10000x128xf32, #tpu.memory_space<hbm>> -> memref<10000x128xf32, #tpu.memory_space<hbm>>
    %dma_start3A_229 = tpu.memref_slice %arg11[%dma_start3A_218] : memref<3x!tpu.dma_semaphore, #tpu.memory_space<semaphore_mem>> -> memref<1x!tpu.dma_semaphore, #tpu.memory_space<semaphore_mem>>
    %dma_start3A_230 = tpu.memref_squeeze %dma_start3A_229 : memref<1x!tpu.dma_semaphore, #tpu.memory_space<semaphore_mem>> -> memref<!tpu.dma_semaphore, #tpu.memory_space<semaphore_mem>>
    tpu.enqueue_indirect_dma source(%dma_start3A_228 : memref<10000x128xf32, #tpu.memory_space<hbm>>) target(%dma_start3A_222 : memref<32x128xf32, #tpu.memory_space<vmem>>) offsets(%dma_start3A_225 : memref<32xi32, #tpu.memory_space<vmem>>) semaphore(%dma_start3A_230 : memref<!tpu.dma_semaphore, #tpu.memory_space<semaphore_mem>>)
    %dma_start3A_231 = arith.constant 1 : i32
    %dma_start3A_232 = arith.constant 1 : i32
    %dma_start3A_233 = arith.constant 1 : i32
    %dma_start3A_234 = arith.constant 32 : i32
    %dma_start3A_235 = arith.constant 0 : i32
    %dma_start3A_236 = tpu.memref_slice %arg8[%dma_start3A_232, %dma_start3A_234, %dma_start3A_235] : memref<3x128x128xf32, #tpu.memory_space<vmem>> -> memref<1x32x128xf32, #tpu.memory_space<vmem>>
    %dma_start3A_237 = tpu.memref_squeeze %dma_start3A_236 : memref<1x32x128xf32, #tpu.memory_space<vmem>> -> memref<32x128xf32, #tpu.memory_space<vmem>>
    %dma_start3A_238 = arith.constant 32 : i32
    %dma_start3A_239 = tpu.memref_slice %arg6[%dma_start3A_231, %dma_start3A_238] : memref<3x128xi32, #tpu.memory_space<vmem>> -> memref<1x32xi32, #tpu.memory_space<vmem>>
    %dma_start3A_240 = tpu.memref_squeeze %dma_start3A_239 : memref<1x32xi32, #tpu.memory_space<vmem>> -> memref<32xi32, #tpu.memory_space<vmem>>
    %dma_start3A_241 = arith.constant 0 : i32
    %dma_start3A_242 = arith.constant 0 : i32
    %dma_start3A_243 = tpu.memref_slice %arg2[%dma_start3A_241, %dma_start3A_242] : memref<10000x128xf32, #tpu.memory_space<hbm>> -> memref<10000x128xf32, #tpu.memory_space<hbm>>
    %dma_start3A_244 = tpu.memref_slice %arg11[%dma_start3A_233] : memref<3x!tpu.dma_semaphore, #tpu.memory_space<semaphore_mem>> -> memref<1x!tpu.dma_semaphore, #tpu.memory_space<semaphore_mem>>
    %dma_start3A_245 = tpu.memref_squeeze %dma_start3A_244 : memref<1x!tpu.dma_semaphore, #tpu.memory_space<semaphore_mem>> -> memref<!tpu.dma_semaphore, #tpu.memory_space<semaphore_mem>>
    tpu.enqueue_indirect_dma source(%dma_start3A_243 : memref<10000x128xf32, #tpu.memory_space<hbm>>) target(%dma_start3A_237 : memref<32x128xf32, #tpu.memory_space<vmem>>) offsets(%dma_start3A_240 : memref<32xi32, #tpu.memory_space<vmem>>) semaphore(%dma_start3A_245 : memref<!tpu.dma_semaphore, #tpu.memory_space<semaphore_mem>>)
    %dma_start3A_246 = arith.constant 1 : i32
    %dma_start3A_247 = arith.constant 1 : i32
    %dma_start3A_248 = arith.constant 1 : i32
    %dma_start3A_249 = arith.constant 64 : i32
    %dma_start3A_250 = arith.constant 0 : i32
    %dma_start3A_251 = tpu.memref_slice %arg8[%dma_start3A_247, %dma_start3A_249, %dma_start3A_250] : memref<3x128x128xf32, #tpu.memory_space<vmem>> -> memref<1x32x128xf32, #tpu.memory_space<vmem>>
    %dma_start3A_252 = tpu.memref_squeeze %dma_start3A_251 : memref<1x32x128xf32, #tpu.memory_space<vmem>> -> memref<32x128xf32, #tpu.memory_space<vmem>>
    %dma_start3A_253 = arith.constant 64 : i32
    %dma_start3A_254 = tpu.memref_slice %arg6[%dma_start3A_246, %dma_start3A_253] : memref<3x128xi32, #tpu.memory_space<vmem>> -> memref<1x32xi32, #tpu.memory_space<vmem>>
    %dma_start3A_255 = tpu.memref_squeeze %dma_start3A_254 : memref<1x32xi32, #tpu.memory_space<vmem>> -> memref<32xi32, #tpu.memory_space<vmem>>
    %dma_start3A_256 = arith.constant 0 : i32
    %dma_start3A_257 = arith.constant 0 : i32
    %dma_start3A_258 = tpu.memref_slice %arg2[%dma_start3A_256, %dma_start3A_257] : memref<10000x128xf32, #tpu.memory_space<hbm>> -> memref<10000x128xf32, #tpu.memory_space<hbm>>
    %dma_start3A_259 = tpu.memref_slice %arg11[%dma_start3A_248] : memref<3x!tpu.dma_semaphore, #tpu.memory_space<semaphore_mem>> -> memref<1x!tpu.dma_semaphore, #tpu.memory_space<semaphore_mem>>
    %dma_start3A_260 = tpu.memref_squeeze %dma_start3A_259 : memref<1x!tpu.dma_semaphore, #tpu.memory_space<semaphore_mem>> -> memref<!tpu.dma_semaphore, #tpu.memory_space<semaphore_mem>>
    tpu.enqueue_indirect_dma source(%dma_start3A_258 : memref<10000x128xf32, #tpu.memory_space<hbm>>) target(%dma_start3A_252 : memref<32x128xf32, #tpu.memory_space<vmem>>) offsets(%dma_start3A_255 : memref<32xi32, #tpu.memory_space<vmem>>) semaphore(%dma_start3A_260 : memref<!tpu.dma_semaphore, #tpu.memory_space<semaphore_mem>>)
    %dma_start3A_261 = arith.constant 1 : i32
    %dma_start3A_262 = arith.constant 1 : i32
    %dma_start3A_263 = arith.constant 1 : i32
    %dma_start3A_264 = arith.constant 96 : i32
    %dma_start3A_265 = arith.constant 0 : i32
    %dma_start3A_266 = tpu.memref_slice %arg8[%dma_start3A_262, %dma_start3A_264, %dma_start3A_265] : memref<3x128x128xf32, #tpu.memory_space<vmem>> -> memref<1x32x128xf32, #tpu.memory_space<vmem>>
    %dma_start3A_267 = tpu.memref_squeeze %dma_start3A_266 : memref<1x32x128xf32, #tpu.memory_space<vmem>> -> memref<32x128xf32, #tpu.memory_space<vmem>>
    %dma_start3A_268 = arith.constant 96 : i32
    %dma_start3A_269 = tpu.memref_slice %arg6[%dma_start3A_261, %dma_start3A_268] : memref<3x128xi32, #tpu.memory_space<vmem>> -> memref<1x32xi32, #tpu.memory_space<vmem>>
    %dma_start3A_270 = tpu.memref_squeeze %dma_start3A_269 : memref<1x32xi32, #tpu.memory_space<vmem>> -> memref<32xi32, #tpu.memory_space<vmem>>
    %dma_start3A_271 = arith.constant 0 : i32
    %dma_start3A_272 = arith.constant 0 : i32
    %dma_start3A_273 = tpu.memref_slice %arg2[%dma_start3A_271, %dma_start3A_272] : memref<10000x128xf32, #tpu.memory_space<hbm>> -> memref<10000x128xf32, #tpu.memory_space<hbm>>
    %dma_start3A_274 = tpu.memref_slice %arg11[%dma_start3A_263] : memref<3x!tpu.dma_semaphore, #tpu.memory_space<semaphore_mem>> -> memref<1x!tpu.dma_semaphore, #tpu.memory_space<semaphore_mem>>
    %dma_start3A_275 = tpu.memref_squeeze %dma_start3A_274 : memref<1x!tpu.dma_semaphore, #tpu.memory_space<semaphore_mem>> -> memref<!tpu.dma_semaphore, #tpu.memory_space<semaphore_mem>>
    tpu.enqueue_indirect_dma source(%dma_start3A_273 : memref<10000x128xf32, #tpu.memory_space<hbm>>) target(%dma_start3A_267 : memref<32x128xf32, #tpu.memory_space<vmem>>) offsets(%dma_start3A_270 : memref<32xi32, #tpu.memory_space<vmem>>) semaphore(%dma_start3A_275 : memref<!tpu.dma_semaphore, #tpu.memory_space<semaphore_mem>>)
    %scan3A_276 = arith.constant 0 : i32
    %scan3A_277 = arith.constant 0 : i32
    %scan3A_278 = arith.constant 79 : i32
    %scan3A_279 = arith.addi %scan3A_277, %scan3A_278 : i32
    %scan3A_280 = arith.constant 1 : i32
    scf.for %scan3A_303 = %scan3A_277 to %scan3A_279 step %scan3A_280  : i32 {
      %rem3A = arith.constant 3 : i32
      %rem3A_304 = arith.remsi %scan3A_303, %rem3A : i32
      %dma_wait3A_305 = arith.constant 0 : i32
      %dma_wait3A_306 = arith.constant 0 : i32
      %dma_wait3A_307 = tpu.memref_slice %arg8[%rem3A_304, %dma_wait3A_305, %dma_wait3A_306] : memref<3x128x128xf32, #tpu.memory_space<vmem>> -> memref<1x32x128xf32, #tpu.memory_space<vmem>>
      %dma_wait3A_308 = tpu.memref_squeeze %dma_wait3A_307 : memref<1x32x128xf32, #tpu.memory_space<vmem>> -> memref<32x128xf32, #tpu.memory_space<vmem>>
      %dma_wait3A_309 = arith.constant 0 : i32
      %dma_wait3A_310 = tpu.memref_slice %arg6[%rem3A_304, %dma_wait3A_309] : memref<3x128xi32, #tpu.memory_space<vmem>> -> memref<1x32xi32, #tpu.memory_space<vmem>>
      %dma_wait3A_311 = tpu.memref_squeeze %dma_wait3A_310 : memref<1x32xi32, #tpu.memory_space<vmem>> -> memref<32xi32, #tpu.memory_space<vmem>>
      %dma_wait3A_312 = arith.constant 0 : i32
      %dma_wait3A_313 = arith.constant 0 : i32
      %dma_wait3A_314 = tpu.memref_slice %arg2[%dma_wait3A_312, %dma_wait3A_313] : memref<10000x128xf32, #tpu.memory_space<hbm>> -> memref<10000x128xf32, #tpu.memory_space<hbm>>
      %dma_wait3A_315 = tpu.memref_slice %arg11[%rem3A_304] : memref<3x!tpu.dma_semaphore, #tpu.memory_space<semaphore_mem>> -> memref<1x!tpu.dma_semaphore, #tpu.memory_space<semaphore_mem>>
      %dma_wait3A_316 = tpu.memref_squeeze %dma_wait3A_315 : memref<1x!tpu.dma_semaphore, #tpu.memory_space<semaphore_mem>> -> memref<!tpu.dma_semaphore, #tpu.memory_space<semaphore_mem>>
      tpu.wait_indirect_dma semaphore(%dma_wait3A_316 : memref<!tpu.dma_semaphore, #tpu.memory_space<semaphore_mem>>) src(%dma_wait3A_314 : memref<10000x128xf32, #tpu.memory_space<hbm>>) dst(%dma_wait3A_308 : memref<32x128xf32, #tpu.memory_space<vmem>>)
      %dma_wait3A_317 = arith.constant 32 : i32
      %dma_wait3A_318 = arith.constant 0 : i32
      %dma_wait3A_319 = tpu.memref_slice %arg8[%rem3A_304, %dma_wait3A_317, %dma_wait3A_318] : memref<3x128x128xf32, #tpu.memory_space<vmem>> -> memref<1x32x128xf32, #tpu.memory_space<vmem>>
      %dma_wait3A_320 = tpu.memref_squeeze %dma_wait3A_319 : memref<1x32x128xf32, #tpu.memory_space<vmem>> -> memref<32x128xf32, #tpu.memory_space<vmem>>
      %dma_wait3A_321 = arith.constant 32 : i32
      %dma_wait3A_322 = tpu.memref_slice %arg6[%rem3A_304, %dma_wait3A_321] : memref<3x128xi32, #tpu.memory_space<vmem>> -> memref<1x32xi32, #tpu.memory_space<vmem>>
      %dma_wait3A_323 = tpu.memref_squeeze %dma_wait3A_322 : memref<1x32xi32, #tpu.memory_space<vmem>> -> memref<32xi32, #tpu.memory_space<vmem>>
      %dma_wait3A_324 = arith.constant 0 : i32
      %dma_wait3A_325 = arith.constant 0 : i32
      %dma_wait3A_326 = tpu.memref_slice %arg2[%dma_wait3A_324, %dma_wait3A_325] : memref<10000x128xf32, #tpu.memory_space<hbm>> -> memref<10000x128xf32, #tpu.memory_space<hbm>>
      %dma_wait3A_327 = tpu.memref_slice %arg11[%rem3A_304] : memref<3x!tpu.dma_semaphore, #tpu.memory_space<semaphore_mem>> -> memref<1x!tpu.dma_semaphore, #tpu.memory_space<semaphore_mem>>
      %dma_wait3A_328 = tpu.memref_squeeze %dma_wait3A_327 : memref<1x!tpu.dma_semaphore, #tpu.memory_space<semaphore_mem>> -> memref<!tpu.dma_semaphore, #tpu.memory_space<semaphore_mem>>
      tpu.wait_indirect_dma semaphore(%dma_wait3A_328 : memref<!tpu.dma_semaphore, #tpu.memory_space<semaphore_mem>>) src(%dma_wait3A_326 : memref<10000x128xf32, #tpu.memory_space<hbm>>) dst(%dma_wait3A_320 : memref<32x128xf32, #tpu.memory_space<vmem>>)
      %dma_wait3A_329 = arith.constant 64 : i32
      %dma_wait3A_330 = arith.constant 0 : i32
      %dma_wait3A_331 = tpu.memref_slice %arg8[%rem3A_304, %dma_wait3A_329, %dma_wait3A_330] : memref<3x128x128xf32, #tpu.memory_space<vmem>> -> memref<1x32x128xf32, #tpu.memory_space<vmem>>
      %dma_wait3A_332 = tpu.memref_squeeze %dma_wait3A_331 : memref<1x32x128xf32, #tpu.memory_space<vmem>> -> memref<32x128xf32, #tpu.memory_space<vmem>>
      %dma_wait3A_333 = arith.constant 64 : i32
      %dma_wait3A_334 = tpu.memref_slice %arg6[%rem3A_304, %dma_wait3A_333] : memref<3x128xi32, #tpu.memory_space<vmem>> -> memref<1x32xi32, #tpu.memory_space<vmem>>
      %dma_wait3A_335 = tpu.memref_squeeze %dma_wait3A_334 : memref<1x32xi32, #tpu.memory_space<vmem>> -> memref<32xi32, #tpu.memory_space<vmem>>
      %dma_wait3A_336 = arith.constant 0 : i32
      %dma_wait3A_337 = arith.constant 0 : i32
      %dma_wait3A_338 = tpu.memref_slice %arg2[%dma_wait3A_336, %dma_wait3A_337] : memref<10000x128xf32, #tpu.memory_space<hbm>> -> memref<10000x128xf32, #tpu.memory_space<hbm>>
      %dma_wait3A_339 = tpu.memref_slice %arg11[%rem3A_304] : memref<3x!tpu.dma_semaphore, #tpu.memory_space<semaphore_mem>> -> memref<1x!tpu.dma_semaphore, #tpu.memory_space<semaphore_mem>>
      %dma_wait3A_340 = tpu.memref_squeeze %dma_wait3A_339 : memref<1x!tpu.dma_semaphore, #tpu.memory_space<semaphore_mem>> -> memref<!tpu.dma_semaphore, #tpu.memory_space<semaphore_mem>>
      tpu.wait_indirect_dma semaphore(%dma_wait3A_340 : memref<!tpu.dma_semaphore, #tpu.memory_space<semaphore_mem>>) src(%dma_wait3A_338 : memref<10000x128xf32, #tpu.memory_space<hbm>>) dst(%dma_wait3A_332 : memref<32x128xf32, #tpu.memory_space<vmem>>)
      %dma_wait3A_341 = arith.constant 96 : i32
      %dma_wait3A_342 = arith.constant 0 : i32
      %dma_wait3A_343 = tpu.memref_slice %arg8[%rem3A_304, %dma_wait3A_341, %dma_wait3A_342] : memref<3x128x128xf32, #tpu.memory_space<vmem>> -> memref<1x32x128xf32, #tpu.memory_space<vmem>>
      %dma_wait3A_344 = tpu.memref_squeeze %dma_wait3A_343 : memref<1x32x128xf32, #tpu.memory_space<vmem>> -> memref<32x128xf32, #tpu.memory_space<vmem>>
      %dma_wait3A_345 = arith.constant 96 : i32
      %dma_wait3A_346 = tpu.memref_slice %arg6[%rem3A_304, %dma_wait3A_345] : memref<3x128xi32, #tpu.memory_space<vmem>> -> memref<1x32xi32, #tpu.memory_space<vmem>>
      %dma_wait3A_347 = tpu.memref_squeeze %dma_wait3A_346 : memref<1x32xi32, #tpu.memory_space<vmem>> -> memref<32xi32, #tpu.memory_space<vmem>>
      %dma_wait3A_348 = arith.constant 0 : i32
      %dma_wait3A_349 = arith.constant 0 : i32
      %dma_wait3A_350 = tpu.memref_slice %arg2[%dma_wait3A_348, %dma_wait3A_349] : memref<10000x128xf32, #tpu.memory_space<hbm>> -> memref<10000x128xf32, #tpu.memory_space<hbm>>
      %dma_wait3A_351 = tpu.memref_slice %arg11[%rem3A_304] : memref<3x!tpu.dma_semaphore, #tpu.memory_space<semaphore_mem>> -> memref<1x!tpu.dma_semaphore, #tpu.memory_space<semaphore_mem>>
      %dma_wait3A_352 = tpu.memref_squeeze %dma_wait3A_351 : memref<1x!tpu.dma_semaphore, #tpu.memory_space<semaphore_mem>> -> memref<!tpu.dma_semaphore, #tpu.memory_space<semaphore_mem>>
      tpu.wait_indirect_dma semaphore(%dma_wait3A_352 : memref<!tpu.dma_semaphore, #tpu.memory_space<semaphore_mem>>) src(%dma_wait3A_350 : memref<10000x128xf32, #tpu.memory_space<hbm>>) dst(%dma_wait3A_344 : memref<32x128xf32, #tpu.memory_space<vmem>>)
      %add3A_353 = arith.constant 2 : i32
      %add3A_354 = arith.addi %scan3A_303, %add3A_353 : i32
      %lt3A = arith.constant 79 : i32
      %lt3A_355 = arith.cmpi slt, %add3A_354, %lt3A : i32
      %convert_element_type3A = arith.extui %lt3A_355 : i1 to i32
      %cond3A = arith.constant 0 : i32
      %cond3A_356 = arith.cmpi ne, %convert_element_type3A, %cond3A : i32
      scf.if %cond3A_356 {
        %add3A_364 = arith.constant 2 : i32
        %add3A_365 = arith.addi %scan3A_303, %add3A_364 : i32
        %rem3A_366 = arith.constant 3 : i32
        %rem3A_367 = arith.remsi %add3A_365, %rem3A_366 : i32
        %add3A_368 = arith.constant 2 : i32
        %add3A_369 = arith.addi %scan3A_303, %add3A_368 : i32
        %mul3A_370 = arith.constant 128 : i32
        %mul3A_371 = arith.muli %add3A_369, %mul3A_370 : i32
        %add3A_372 = arith.addi %mul3A_23, %mul3A_371 : i32
        %multiple_of3A_373 = tpu.assume_multiple %add3A_372, 8 : i32
        %dma_wait3A_374 = arith.constant 0 : i32
        %dma_wait3A_375 = tpu.memref_slice %arg6[%rem3A_367, %dma_wait3A_374] : memref<3x128xi32, #tpu.memory_space<vmem>> -> memref<1x128xi32, #tpu.memory_space<vmem>>
        %dma_wait3A_376 = tpu.memref_squeeze %dma_wait3A_375 : memref<1x128xi32, #tpu.memory_space<vmem>> -> memref<128xi32, #tpu.memory_space<vmem>>
        %dma_wait3A_377 = tpu.memref_slice %arg3[%multiple_of3A_373] : memref<323584xi32, #tpu.memory_space<hbm>> -> memref<128xi32, #tpu.memory_space<hbm>>
        %dma_wait3A_378 = tpu.memref_slice %arg10[%rem3A_367] : memref<3x!tpu.dma_semaphore, #tpu.memory_space<semaphore_mem>> -> memref<1x!tpu.dma_semaphore, #tpu.memory_space<semaphore_mem>>
        %dma_wait3A_379 = tpu.memref_squeeze %dma_wait3A_378 : memref<1x!tpu.dma_semaphore, #tpu.memory_space<semaphore_mem>> -> memref<!tpu.dma_semaphore, #tpu.memory_space<semaphore_mem>>
        %dma_wait3A_380 = arith.constant 0 : i32
        %dma_wait3A_381 = tpu.memref_slice %arg6[%rem3A_367, %dma_wait3A_380] : memref<3x128xi32, #tpu.memory_space<vmem>> -> memref<1x128xi32, #tpu.memory_space<vmem>>
        %dma_wait3A_382 = tpu.memref_squeeze %dma_wait3A_381 : memref<1x128xi32, #tpu.memory_space<vmem>> -> memref<128xi32, #tpu.memory_space<vmem>>
        %dma_wait3A_383 = tpu.memref_slice %arg3[%multiple_of3A_373] : memref<323584xi32, #tpu.memory_space<hbm>> -> memref<128xi32, #tpu.memory_space<hbm>>
        tpu.wait_dma2 semaphore(%dma_wait3A_379 : memref<!tpu.dma_semaphore, #tpu.memory_space<semaphore_mem>>) src(%dma_wait3A_383 : memref<128xi32, #tpu.memory_space<hbm>>) dst(%dma_wait3A_382 : memref<128xi32, #tpu.memory_space<vmem>>)
        %dma_wait3A_384 = arith.constant 0 : i32
        %dma_wait3A_385 = tpu.memref_slice %arg7[%rem3A_367, %dma_wait3A_384] : memref<3x128xi32, #tpu.memory_space<vmem>> -> memref<1x128xi32, #tpu.memory_space<vmem>>
        %dma_wait3A_386 = tpu.memref_squeeze %dma_wait3A_385 : memref<1x128xi32, #tpu.memory_space<vmem>> -> memref<128xi32, #tpu.memory_space<vmem>>
        %dma_wait3A_387 = tpu.memref_slice %arg4[%multiple_of3A_373] : memref<323584xi32, #tpu.memory_space<hbm>> -> memref<128xi32, #tpu.memory_space<hbm>>
        %dma_wait3A_388 = tpu.memref_slice %arg10[%rem3A_367] : memref<3x!tpu.dma_semaphore, #tpu.memory_space<semaphore_mem>> -> memref<1x!tpu.dma_semaphore, #tpu.memory_space<semaphore_mem>>
        %dma_wait3A_389 = tpu.memref_squeeze %dma_wait3A_388 : memref<1x!tpu.dma_semaphore, #tpu.memory_space<semaphore_mem>> -> memref<!tpu.dma_semaphore, #tpu.memory_space<semaphore_mem>>
        %dma_wait3A_390 = arith.constant 0 : i32
        %dma_wait3A_391 = tpu.memref_slice %arg7[%rem3A_367, %dma_wait3A_390] : memref<3x128xi32, #tpu.memory_space<vmem>> -> memref<1x128xi32, #tpu.memory_space<vmem>>
        %dma_wait3A_392 = tpu.memref_squeeze %dma_wait3A_391 : memref<1x128xi32, #tpu.memory_space<vmem>> -> memref<128xi32, #tpu.memory_space<vmem>>
        %dma_wait3A_393 = tpu.memref_slice %arg4[%multiple_of3A_373] : memref<323584xi32, #tpu.memory_space<hbm>> -> memref<128xi32, #tpu.memory_space<hbm>>
        tpu.wait_dma2 semaphore(%dma_wait3A_389 : memref<!tpu.dma_semaphore, #tpu.memory_space<semaphore_mem>>) src(%dma_wait3A_393 : memref<128xi32, #tpu.memory_space<hbm>>) dst(%dma_wait3A_392 : memref<128xi32, #tpu.memory_space<vmem>>)
        %add3A_394 = arith.constant 2 : i32
        %add3A_395 = arith.addi %scan3A_303, %add3A_394 : i32
        %dma_start3A_396 = arith.constant 0 : i32
        %dma_start3A_397 = arith.constant 0 : i32
        %dma_start3A_398 = tpu.memref_slice %arg8[%rem3A_367, %dma_start3A_396, %dma_start3A_397] : memref<3x128x128xf32, #tpu.memory_space<vmem>> -> memref<1x32x128xf32, #tpu.memory_space<vmem>>
        %dma_start3A_399 = tpu.memref_squeeze %dma_start3A_398 : memref<1x32x128xf32, #tpu.memory_space<vmem>> -> memref<32x128xf32, #tpu.memory_space<vmem>>
        %dma_start3A_400 = arith.constant 0 : i32
        %dma_start3A_401 = tpu.memref_slice %arg6[%rem3A_367, %dma_start3A_400] : memref<3x128xi32, #tpu.memory_space<vmem>> -> memref<1x32xi32, #tpu.memory_space<vmem>>
        %dma_start3A_402 = tpu.memref_squeeze %dma_start3A_401 : memref<1x32xi32, #tpu.memory_space<vmem>> -> memref<32xi32, #tpu.memory_space<vmem>>
        %dma_start3A_403 = arith.constant 0 : i32
        %dma_start3A_404 = arith.constant 0 : i32
        %dma_start3A_405 = tpu.memref_slice %arg2[%dma_start3A_403, %dma_start3A_404] : memref<10000x128xf32, #tpu.memory_space<hbm>> -> memref<10000x128xf32, #tpu.memory_space<hbm>>
        %dma_start3A_406 = tpu.memref_slice %arg11[%rem3A_367] : memref<3x!tpu.dma_semaphore, #tpu.memory_space<semaphore_mem>> -> memref<1x!tpu.dma_semaphore, #tpu.memory_space<semaphore_mem>>
        %dma_start3A_407 = tpu.memref_squeeze %dma_start3A_406 : memref<1x!tpu.dma_semaphore, #tpu.memory_space<semaphore_mem>> -> memref<!tpu.dma_semaphore, #tpu.memory_space<semaphore_mem>>
        tpu.enqueue_indirect_dma source(%dma_start3A_405 : memref<10000x128xf32, #tpu.memory_space<hbm>>) target(%dma_start3A_399 : memref<32x128xf32, #tpu.memory_space<vmem>>) offsets(%dma_start3A_402 : memref<32xi32, #tpu.memory_space<vmem>>) semaphore(%dma_start3A_407 : memref<!tpu.dma_semaphore, #tpu.memory_space<semaphore_mem>>)
        %dma_start3A_408 = arith.constant 32 : i32
        %dma_start3A_409 = arith.constant 0 : i32
        %dma_start3A_410 = tpu.memref_slice %arg8[%rem3A_367, %dma_start3A_408, %dma_start3A_409] : memref<3x128x128xf32, #tpu.memory_space<vmem>> -> memref<1x32x128xf32, #tpu.memory_space<vmem>>
        %dma_start3A_411 = tpu.memref_squeeze %dma_start3A_410 : memref<1x32x128xf32, #tpu.memory_space<vmem>> -> memref<32x128xf32, #tpu.memory_space<vmem>>
        %dma_start3A_412 = arith.constant 32 : i32
        %dma_start3A_413 = tpu.memref_slice %arg6[%rem3A_367, %dma_start3A_412] : memref<3x128xi32, #tpu.memory_space<vmem>> -> memref<1x32xi32, #tpu.memory_space<vmem>>
        %dma_start3A_414 = tpu.memref_squeeze %dma_start3A_413 : memref<1x32xi32, #tpu.memory_space<vmem>> -> memref<32xi32, #tpu.memory_space<vmem>>
        %dma_start3A_415 = arith.constant 0 : i32
        %dma_start3A_416 = arith.constant 0 : i32
        %dma_start3A_417 = tpu.memref_slice %arg2[%dma_start3A_415, %dma_start3A_416] : memref<10000x128xf32, #tpu.memory_space<hbm>> -> memref<10000x128xf32, #tpu.memory_space<hbm>>
        %dma_start3A_418 = tpu.memref_slice %arg11[%rem3A_367] : memref<3x!tpu.dma_semaphore, #tpu.memory_space<semaphore_mem>> -> memref<1x!tpu.dma_semaphore, #tpu.memory_space<semaphore_mem>>
        %dma_start3A_419 = tpu.memref_squeeze %dma_start3A_418 : memref<1x!tpu.dma_semaphore, #tpu.memory_space<semaphore_mem>> -> memref<!tpu.dma_semaphore, #tpu.memory_space<semaphore_mem>>
        tpu.enqueue_indirect_dma source(%dma_start3A_417 : memref<10000x128xf32, #tpu.memory_space<hbm>>) target(%dma_start3A_411 : memref<32x128xf32, #tpu.memory_space<vmem>>) offsets(%dma_start3A_414 : memref<32xi32, #tpu.memory_space<vmem>>) semaphore(%dma_start3A_419 : memref<!tpu.dma_semaphore, #tpu.memory_space<semaphore_mem>>)
        %dma_start3A_420 = arith.constant 64 : i32
        %dma_start3A_421 = arith.constant 0 : i32
        %dma_start3A_422 = tpu.memref_slice %arg8[%rem3A_367, %dma_start3A_420, %dma_start3A_421] : memref<3x128x128xf32, #tpu.memory_space<vmem>> -> memref<1x32x128xf32, #tpu.memory_space<vmem>>
        %dma_start3A_423 = tpu.memref_squeeze %dma_start3A_422 : memref<1x32x128xf32, #tpu.memory_space<vmem>> -> memref<32x128xf32, #tpu.memory_space<vmem>>
        %dma_start3A_424 = arith.constant 64 : i32
        %dma_start3A_425 = tpu.memref_slice %arg6[%rem3A_367, %dma_start3A_424] : memref<3x128xi32, #tpu.memory_space<vmem>> -> memref<1x32xi32, #tpu.memory_space<vmem>>
        %dma_start3A_426 = tpu.memref_squeeze %dma_start3A_425 : memref<1x32xi32, #tpu.memory_space<vmem>> -> memref<32xi32, #tpu.memory_space<vmem>>
        %dma_start3A_427 = arith.constant 0 : i32
        %dma_start3A_428 = arith.constant 0 : i32
        %dma_start3A_429 = tpu.memref_slice %arg2[%dma_start3A_427, %dma_start3A_428] : memref<10000x128xf32, #tpu.memory_space<hbm>> -> memref<10000x128xf32, #tpu.memory_space<hbm>>
        %dma_start3A_430 = tpu.memref_slice %arg11[%rem3A_367] : memref<3x!tpu.dma_semaphore, #tpu.memory_space<semaphore_mem>> -> memref<1x!tpu.dma_semaphore, #tpu.memory_space<semaphore_mem>>
        %dma_start3A_431 = tpu.memref_squeeze %dma_start3A_430 : memref<1x!tpu.dma_semaphore, #tpu.memory_space<semaphore_mem>> -> memref<!tpu.dma_semaphore, #tpu.memory_space<semaphore_mem>>
        tpu.enqueue_indirect_dma source(%dma_start3A_429 : memref<10000x128xf32, #tpu.memory_space<hbm>>) target(%dma_start3A_423 : memref<32x128xf32, #tpu.memory_space<vmem>>) offsets(%dma_start3A_426 : memref<32xi32, #tpu.memory_space<vmem>>) semaphore(%dma_start3A_431 : memref<!tpu.dma_semaphore, #tpu.memory_space<semaphore_mem>>)
        %dma_start3A_432 = arith.constant 96 : i32
        %dma_start3A_433 = arith.constant 0 : i32
        %dma_start3A_434 = tpu.memref_slice %arg8[%rem3A_367, %dma_start3A_432, %dma_start3A_433] : memref<3x128x128xf32, #tpu.memory_space<vmem>> -> memref<1x32x128xf32, #tpu.memory_space<vmem>>
        %dma_start3A_435 = tpu.memref_squeeze %dma_start3A_434 : memref<1x32x128xf32, #tpu.memory_space<vmem>> -> memref<32x128xf32, #tpu.memory_space<vmem>>
        %dma_start3A_436 = arith.constant 96 : i32
        %dma_start3A_437 = tpu.memref_slice %arg6[%rem3A_367, %dma_start3A_436] : memref<3x128xi32, #tpu.memory_space<vmem>> -> memref<1x32xi32, #tpu.memory_space<vmem>>
        %dma_start3A_438 = tpu.memref_squeeze %dma_start3A_437 : memref<1x32xi32, #tpu.memory_space<vmem>> -> memref<32xi32, #tpu.memory_space<vmem>>
        %dma_start3A_439 = arith.constant 0 : i32
        %dma_start3A_440 = arith.constant 0 : i32
        %dma_start3A_441 = tpu.memref_slice %arg2[%dma_start3A_439, %dma_start3A_440] : memref<10000x128xf32, #tpu.memory_space<hbm>> -> memref<10000x128xf32, #tpu.memory_space<hbm>>
        %dma_start3A_442 = tpu.memref_slice %arg11[%rem3A_367] : memref<3x!tpu.dma_semaphore, #tpu.memory_space<semaphore_mem>> -> memref<1x!tpu.dma_semaphore, #tpu.memory_space<semaphore_mem>>
        %dma_start3A_443 = tpu.memref_squeeze %dma_start3A_442 : memref<1x!tpu.dma_semaphore, #tpu.memory_space<semaphore_mem>> -> memref<!tpu.dma_semaphore, #tpu.memory_space<semaphore_mem>>
        tpu.enqueue_indirect_dma source(%dma_start3A_441 : memref<10000x128xf32, #tpu.memory_space<hbm>>) target(%dma_start3A_435 : memref<32x128xf32, #tpu.memory_space<vmem>>) offsets(%dma_start3A_438 : memref<32xi32, #tpu.memory_space<vmem>>) semaphore(%dma_start3A_443 : memref<!tpu.dma_semaphore, #tpu.memory_space<semaphore_mem>>)
      } else {
      }
      "tpu.region"() ({
        %run_scoped3A_364 = tpu.sem_alloc : memref<!tpu.dma_semaphore, #tpu.memory_space<semaphore_mem>>
        %dma_start3A_365 = arith.constant 0 : i32
        %dma_start3A_366 = arith.constant 0 : i32
        %dma_start3A_367 = tpu.memref_slice %arg8[%rem3A_304, %dma_start3A_365, %dma_start3A_366] : memref<3x128x128xf32, #tpu.memory_space<vmem>> -> memref<1x128x128xf32, #tpu.memory_space<vmem>>
        %dma_start3A_368 = tpu.memref_squeeze %dma_start3A_367 : memref<1x128x128xf32, #tpu.memory_space<vmem>> -> memref<128x128xf32, #tpu.memory_space<vmem>>
        %dma_start3A_369 = arith.constant 0 : i32
        %dma_start3A_370 = tpu.memref_slice %arg7[%rem3A_304, %dma_start3A_369] : memref<3x128xi32, #tpu.memory_space<vmem>> -> memref<1x128xi32, #tpu.memory_space<vmem>>
        %dma_start3A_371 = tpu.memref_squeeze %dma_start3A_370 : memref<1x128xi32, #tpu.memory_space<vmem>> -> memref<128xi32, #tpu.memory_space<vmem>>
        %dma_start3A_372 = arith.constant 0 : i32
        %dma_start3A_373 = arith.constant 0 : i32
        %dma_start3A_374 = tpu.memref_slice %arg9[%dma_start3A_372, %dma_start3A_373] : memref<10112x128xf32, #tpu.memory_space<vmem_shared>> -> memref<10112x128xf32, #tpu.memory_space<vmem_shared>>
        tpu.enqueue_indirect_dma source(%dma_start3A_368 : memref<128x128xf32, #tpu.memory_space<vmem>>) target(%dma_start3A_374 : memref<10112x128xf32, #tpu.memory_space<vmem_shared>>) offsets(%dma_start3A_371 : memref<128xi32, #tpu.memory_space<vmem>>) semaphore(%run_scoped3A_364 : memref<!tpu.dma_semaphore, #tpu.memory_space<semaphore_mem>>) {add = true}
        %dma_wait3A_375 = arith.constant 0 : i32
        %dma_wait3A_376 = arith.constant 0 : i32
        %dma_wait3A_377 = tpu.memref_slice %arg8[%rem3A_304, %dma_wait3A_375, %dma_wait3A_376] : memref<3x128x128xf32, #tpu.memory_space<vmem>> -> memref<1x128x128xf32, #tpu.memory_space<vmem>>
        %dma_wait3A_378 = tpu.memref_squeeze %dma_wait3A_377 : memref<1x128x128xf32, #tpu.memory_space<vmem>> -> memref<128x128xf32, #tpu.memory_space<vmem>>
        %dma_wait3A_379 = arith.constant 0 : i32
        %dma_wait3A_380 = tpu.memref_slice %arg7[%rem3A_304, %dma_wait3A_379] : memref<3x128xi32, #tpu.memory_space<vmem>> -> memref<1x128xi32, #tpu.memory_space<vmem>>
        %dma_wait3A_381 = tpu.memref_squeeze %dma_wait3A_380 : memref<1x128xi32, #tpu.memory_space<vmem>> -> memref<128xi32, #tpu.memory_space<vmem>>
        %dma_wait3A_382 = arith.constant 0 : i32
        %dma_wait3A_383 = arith.constant 0 : i32
        %dma_wait3A_384 = tpu.memref_slice %arg9[%dma_wait3A_382, %dma_wait3A_383] : memref<10112x128xf32, #tpu.memory_space<vmem_shared>> -> memref<10112x128xf32, #tpu.memory_space<vmem_shared>>
        tpu.wait_indirect_dma semaphore(%run_scoped3A_364 : memref<!tpu.dma_semaphore, #tpu.memory_space<semaphore_mem>>) src(%dma_wait3A_378 : memref<128x128xf32, #tpu.memory_space<vmem>>) dst(%dma_wait3A_384 : memref<10112x128xf32, #tpu.memory_space<vmem_shared>>)
        tpu.yield
      }) : () -> ()
      %add3A_357 = arith.constant 3 : i32
      %add3A_358 = arith.addi %scan3A_303, %add3A_357 : i32
      %lt3A_359 = arith.constant 79 : i32
      %lt3A_360 = arith.cmpi slt, %add3A_358, %lt3A_359 : i32
      %convert_element_type3A_361 = arith.extui %lt3A_360 : i1 to i32
      %cond3A_362 = arith.constant 0 : i32
      %cond3A_363 = arith.cmpi ne, %convert_element_type3A_361, %cond3A_362 : i32
      scf.if %cond3A_363 {
        %add3A_364 = arith.constant 3 : i32
        %add3A_365 = arith.addi %scan3A_303, %add3A_364 : i32
        %mul3A_366 = arith.constant 128 : i32
        %mul3A_367 = arith.muli %add3A_365, %mul3A_366 : i32
        %add3A_368 = arith.addi %mul3A_23, %mul3A_367 : i32
        %multiple_of3A_369 = tpu.assume_multiple %add3A_368, 8 : i32
        %dma_start3A_370 = arith.constant 0 : i32
        %dma_start3A_371 = tpu.memref_slice %arg6[%rem3A_304, %dma_start3A_370] : memref<3x128xi32, #tpu.memory_space<vmem>> -> memref<1x128xi32, #tpu.memory_space<vmem>>
        %dma_start3A_372 = tpu.memref_squeeze %dma_start3A_371 : memref<1x128xi32, #tpu.memory_space<vmem>> -> memref<128xi32, #tpu.memory_space<vmem>>
        %dma_start3A_373 = tpu.memref_slice %arg3[%multiple_of3A_369] : memref<323584xi32, #tpu.memory_space<hbm>> -> memref<128xi32, #tpu.memory_space<hbm>>
        %dma_start3A_374 = tpu.memref_slice %arg10[%rem3A_304] : memref<3x!tpu.dma_semaphore, #tpu.memory_space<semaphore_mem>> -> memref<1x!tpu.dma_semaphore, #tpu.memory_space<semaphore_mem>>
        %dma_start3A_375 = tpu.memref_squeeze %dma_start3A_374 : memref<1x!tpu.dma_semaphore, #tpu.memory_space<semaphore_mem>> -> memref<!tpu.dma_semaphore, #tpu.memory_space<semaphore_mem>>
        %dma_start3A_376 = arith.constant 0 : i32
        %dma_start3A_377 = tpu.memref_slice %arg6[%rem3A_304, %dma_start3A_376] : memref<3x128xi32, #tpu.memory_space<vmem>> -> memref<1x128xi32, #tpu.memory_space<vmem>>
        %dma_start3A_378 = tpu.memref_squeeze %dma_start3A_377 : memref<1x128xi32, #tpu.memory_space<vmem>> -> memref<128xi32, #tpu.memory_space<vmem>>
        %dma_start3A_379 = tpu.memref_slice %arg3[%multiple_of3A_369] : memref<323584xi32, #tpu.memory_space<hbm>> -> memref<128xi32, #tpu.memory_space<hbm>>
        tpu.enqueue_dma source(%dma_start3A_379 : memref<128xi32, #tpu.memory_space<hbm>>) target(%dma_start3A_378 : memref<128xi32, #tpu.memory_space<vmem>>) target_semaphore(%dma_start3A_375 : memref<!tpu.dma_semaphore, #tpu.memory_space<semaphore_mem>>)
        %dma_start3A_380 = arith.constant 0 : i32
        %dma_start3A_381 = tpu.memref_slice %arg7[%rem3A_304, %dma_start3A_380] : memref<3x128xi32, #tpu.memory_space<vmem>> -> memref<1x128xi32, #tpu.memory_space<vmem>>
        %dma_start3A_382 = tpu.memref_squeeze %dma_start3A_381 : memref<1x128xi32, #tpu.memory_space<vmem>> -> memref<128xi32, #tpu.memory_space<vmem>>
        %dma_start3A_383 = tpu.memref_slice %arg4[%multiple_of3A_369] : memref<323584xi32, #tpu.memory_space<hbm>> -> memref<128xi32, #tpu.memory_space<hbm>>
        %dma_start3A_384 = tpu.memref_slice %arg10[%rem3A_304] : memref<3x!tpu.dma_semaphore, #tpu.memory_space<semaphore_mem>> -> memref<1x!tpu.dma_semaphore, #tpu.memory_space<semaphore_mem>>
        %dma_start3A_385 = tpu.memref_squeeze %dma_start3A_384 : memref<1x!tpu.dma_semaphore, #tpu.memory_space<semaphore_mem>> -> memref<!tpu.dma_semaphore, #tpu.memory_space<semaphore_mem>>
        %dma_start3A_386 = arith.constant 0 : i32
        %dma_start3A_387 = tpu.memref_slice %arg7[%rem3A_304, %dma_start3A_386] : memref<3x128xi32, #tpu.memory_space<vmem>> -> memref<1x128xi32, #tpu.memory_space<vmem>>
        %dma_start3A_388 = tpu.memref_squeeze %dma_start3A_387 : memref<1x128xi32, #tpu.memory_space<vmem>> -> memref<128xi32, #tpu.memory_space<vmem>>
        %dma_start3A_389 = tpu.memref_slice %arg4[%multiple_of3A_369] : memref<323584xi32, #tpu.memory_space<hbm>> -> memref<128xi32, #tpu.memory_space<hbm>>
        tpu.enqueue_dma source(%dma_start3A_389 : memref<128xi32, #tpu.memory_space<hbm>>) target(%dma_start3A_388 : memref<128xi32, #tpu.memory_space<vmem>>) target_semaphore(%dma_start3A_385 : memref<!tpu.dma_semaphore, #tpu.memory_space<semaphore_mem>>)
      } else {
      }
    }
    %scan3A_281 = arith.constant 79 : i32
    %barrier3A_282 = arith.constant 0 : index
    tpu.barrier barrier_id(%barrier3A_282)
    %add3A_283 = arith.constant 0 : i32
    %add3A_284 = arith.addi %mul3A_2, %add3A_283 : i32
    %run_scoped3A_285 = arith.constant 0 : i32
    "tpu.region"() ({
      %run_scoped3A_303 = tpu.sem_alloc : memref<!tpu.dma_semaphore, #tpu.memory_space<semaphore_mem>>
      %dma_start3A_304 = arith.constant 0 : i32
      %dma_start3A_305 = arith.constant 0 : i32
      %dma_start3A_306 = tpu.memref_slice %arg8[%run_scoped3A_285, %dma_start3A_304, %dma_start3A_305] : memref<3x128x128xf32, #tpu.memory_space<vmem>> -> memref<1x128x128xf32, #tpu.memory_space<vmem>>
      %dma_start3A_307 = tpu.memref_squeeze %dma_start3A_306 : memref<1x128x128xf32, #tpu.memory_space<vmem>> -> memref<128x128xf32, #tpu.memory_space<vmem>>
      %dma_start3A_308 = arith.constant 0 : i32
      %dma_start3A_309 = tpu.memref_slice %arg9[%add3A_284, %dma_start3A_308] : memref<10112x128xf32, #tpu.memory_space<vmem_shared>> -> memref<128x128xf32, #tpu.memory_space<vmem_shared>>
      %dma_start3A_310 = arith.constant 0 : i32
      %dma_start3A_311 = arith.constant 0 : i32
      %dma_start3A_312 = tpu.memref_slice %arg8[%run_scoped3A_285, %dma_start3A_310, %dma_start3A_311] : memref<3x128x128xf32, #tpu.memory_space<vmem>> -> memref<1x128x128xf32, #tpu.memory_space<vmem>>
      %dma_start3A_313 = tpu.memref_squeeze %dma_start3A_312 : memref<1x128x128xf32, #tpu.memory_space<vmem>> -> memref<128x128xf32, #tpu.memory_space<vmem>>
      %dma_start3A_314 = arith.constant 0 : i32
      %dma_start3A_315 = tpu.memref_slice %arg9[%add3A_284, %dma_start3A_314] : memref<10112x128xf32, #tpu.memory_space<vmem_shared>> -> memref<128x128xf32, #tpu.memory_space<vmem_shared>>
      tpu.enqueue_dma source(%dma_start3A_315 : memref<128x128xf32, #tpu.memory_space<vmem_shared>>) target(%dma_start3A_313 : memref<128x128xf32, #tpu.memory_space<vmem>>) target_semaphore(%run_scoped3A_303 : memref<!tpu.dma_semaphore, #tpu.memory_space<semaphore_mem>>)
      %dma_wait3A_316 = arith.constant 0 : i32
      %dma_wait3A_317 = arith.constant 0 : i32
      %dma_wait3A_318 = tpu.memref_slice %arg8[%run_scoped3A_285, %dma_wait3A_316, %dma_wait3A_317] : memref<3x128x128xf32, #tpu.memory_space<vmem>> -> memref<1x128x128xf32, #tpu.memory_space<vmem>>
      %dma_wait3A_319 = tpu.memref_squeeze %dma_wait3A_318 : memref<1x128x128xf32, #tpu.memory_space<vmem>> -> memref<128x128xf32, #tpu.memory_space<vmem>>
      %dma_wait3A_320 = arith.constant 0 : i32
      %dma_wait3A_321 = tpu.memref_slice %arg9[%add3A_284, %dma_wait3A_320] : memref<10112x128xf32, #tpu.memory_space<vmem_shared>> -> memref<128x128xf32, #tpu.memory_space<vmem_shared>>
      %dma_wait3A_322 = arith.constant 0 : i32
      %dma_wait3A_323 = arith.constant 0 : i32
      %dma_wait3A_324 = tpu.memref_slice %arg8[%run_scoped3A_285, %dma_wait3A_322, %dma_wait3A_323] : memref<3x128x128xf32, #tpu.memory_space<vmem>> -> memref<1x128x128xf32, #tpu.memory_space<vmem>>
      %dma_wait3A_325 = tpu.memref_squeeze %dma_wait3A_324 : memref<1x128x128xf32, #tpu.memory_space<vmem>> -> memref<128x128xf32, #tpu.memory_space<vmem>>
      %dma_wait3A_326 = arith.constant 0 : i32
      %dma_wait3A_327 = tpu.memref_slice %arg9[%add3A_284, %dma_wait3A_326] : memref<10112x128xf32, #tpu.memory_space<vmem_shared>> -> memref<128x128xf32, #tpu.memory_space<vmem_shared>>
      tpu.wait_dma2 semaphore(%run_scoped3A_303 : memref<!tpu.dma_semaphore, #tpu.memory_space<semaphore_mem>>) src(%dma_wait3A_327 : memref<128x128xf32, #tpu.memory_space<vmem_shared>>) dst(%dma_wait3A_325 : memref<128x128xf32, #tpu.memory_space<vmem>>)
      tpu.yield
    }) : () -> ()
    %run_scoped3A_286 = arith.constant 0 : i32
    "tpu.region"() ({
      %run_scoped3A_303 = tpu.sem_alloc : memref<!tpu.dma_semaphore, #tpu.memory_space<semaphore_mem>>
      %dma_start3A_304 = arith.constant 0 : i32
      %dma_start3A_305 = arith.constant 0 : i32
      %dma_start3A_306 = tpu.memref_slice %arg8[%run_scoped3A_286, %dma_start3A_304, %dma_start3A_305] : memref<3x128x128xf32, #tpu.memory_space<vmem>> -> memref<1x128x128xf32, #tpu.memory_space<vmem>>
      %dma_start3A_307 = tpu.memref_squeeze %dma_start3A_306 : memref<1x128x128xf32, #tpu.memory_space<vmem>> -> memref<128x128xf32, #tpu.memory_space<vmem>>
      %dma_start3A_308 = arith.constant 0 : i32
      %dma_start3A_309 = tpu.memref_slice %arg5[%arg0, %add3A_284, %dma_start3A_308] : memref<2x10112x128xf32, #tpu.memory_space<hbm>> -> memref<1x128x128xf32, #tpu.memory_space<hbm>>
      %dma_start3A_310 = tpu.memref_squeeze %dma_start3A_309 : memref<1x128x128xf32, #tpu.memory_space<hbm>> -> memref<128x128xf32, #tpu.memory_space<hbm>>
      %dma_start3A_311 = arith.constant 0 : i32
      %dma_start3A_312 = tpu.memref_slice %arg5[%arg0, %add3A_284, %dma_start3A_311] : memref<2x10112x128xf32, #tpu.memory_space<hbm>> -> memref<1x128x128xf32, #tpu.memory_space<hbm>>
      %dma_start3A_313 = tpu.memref_squeeze %dma_start3A_312 : memref<1x128x128xf32, #tpu.memory_space<hbm>> -> memref<128x128xf32, #tpu.memory_space<hbm>>
      %dma_start3A_314 = arith.constant 0 : i32
      %dma_start3A_315 = arith.constant 0 : i32
      %dma_start3A_316 = tpu.memref_slice %arg8[%run_scoped3A_286, %dma_start3A_314, %dma_start3A_315] : memref<3x128x128xf32, #tpu.memory_space<vmem>> -> memref<1x128x128xf32, #tpu.memory_space<vmem>>
      %dma_start3A_317 = tpu.memref_squeeze %dma_start3A_316 : memref<1x128x128xf32, #tpu.memory_space<vmem>> -> memref<128x128xf32, #tpu.memory_space<vmem>>
      tpu.enqueue_dma source(%dma_start3A_317 : memref<128x128xf32, #tpu.memory_space<vmem>>) target(%dma_start3A_313 : memref<128x128xf32, #tpu.memory_space<hbm>>) target_semaphore(%run_scoped3A_303 : memref<!tpu.dma_semaphore, #tpu.memory_space<semaphore_mem>>)
      %dma_wait3A_318 = arith.constant 0 : i32
      %dma_wait3A_319 = arith.constant 0 : i32
      %dma_wait3A_320 = tpu.memref_slice %arg8[%run_scoped3A_286, %dma_wait3A_318, %dma_wait3A_319] : memref<3x128x128xf32, #tpu.memory_space<vmem>> -> memref<1x128x128xf32, #tpu.memory_space<vmem>>
      %dma_wait3A_321 = tpu.memref_squeeze %dma_wait3A_320 : memref<1x128x128xf32, #tpu.memory_space<vmem>> -> memref<128x128xf32, #tpu.memory_space<vmem>>
      %dma_wait3A_322 = arith.constant 0 : i32
      %dma_wait3A_323 = tpu.memref_slice %arg5[%arg0, %add3A_284, %dma_wait3A_322] : memref<2x10112x128xf32, #tpu.memory_space<hbm>> -> memref<1x128x128xf32, #tpu.memory_space<hbm>>
      %dma_wait3A_324 = tpu.memref_squeeze %dma_wait3A_323 : memref<1x128x128xf32, #tpu.memory_space<hbm>> -> memref<128x128xf32, #tpu.memory_space<hbm>>
      %dma_wait3A_325 = arith.constant 0 : i32
      %dma_wait3A_326 = tpu.memref_slice %arg5[%arg0, %add3A_284, %dma_wait3A_325] : memref<2x10112x128xf32, #tpu.memory_space<hbm>> -> memref<1x128x128xf32, #tpu.memory_space<hbm>>
      %dma_wait3A_327 = tpu.memref_squeeze %dma_wait3A_326 : memref<1x128x128xf32, #tpu.memory_space<hbm>> -> memref<128x128xf32, #tpu.memory_space<hbm>>
      %dma_wait3A_328 = arith.constant 0 : i32
      %dma_wait3A_329 = arith.constant 0 : i32
      %dma_wait3A_330 = tpu.memref_slice %arg8[%run_scoped3A_286, %dma_wait3A_328, %dma_wait3A_329] : memref<3x128x128xf32, #tpu.memory_space<vmem>> -> memref<1x128x128xf32, #tpu.memory_space<vmem>>
      %dma_wait3A_331 = tpu.memref_squeeze %dma_wait3A_330 : memref<1x128x128xf32, #tpu.memory_space<vmem>> -> memref<128x128xf32, #tpu.memory_space<vmem>>
      tpu.wait_dma2 semaphore(%run_scoped3A_303 : memref<!tpu.dma_semaphore, #tpu.memory_space<semaphore_mem>>) src(%dma_wait3A_331 : memref<128x128xf32, #tpu.memory_space<vmem>>) dst(%dma_wait3A_327 : memref<128x128xf32, #tpu.memory_space<hbm>>)
      tpu.yield
    }) : () -> ()
    %add3A_287 = arith.constant 128 : i32
    %add3A_288 = arith.addi %mul3A_2, %add3A_287 : i32
    %run_scoped3A_289 = arith.constant 0 : i32
    "tpu.region"() ({
      %run_scoped3A_303 = tpu.sem_alloc : memref<!tpu.dma_semaphore, #tpu.memory_space<semaphore_mem>>
      %dma_start3A_304 = arith.constant 0 : i32
      %dma_start3A_305 = arith.constant 0 : i32
      %dma_start3A_306 = tpu.memref_slice %arg8[%run_scoped3A_289, %dma_start3A_304, %dma_start3A_305] : memref<3x128x128xf32, #tpu.memory_space<vmem>> -> memref<1x128x128xf32, #tpu.memory_space<vmem>>
      %dma_start3A_307 = tpu.memref_squeeze %dma_start3A_306 : memref<1x128x128xf32, #tpu.memory_space<vmem>> -> memref<128x128xf32, #tpu.memory_space<vmem>>
      %dma_start3A_308 = arith.constant 0 : i32
      %dma_start3A_309 = tpu.memref_slice %arg9[%add3A_288, %dma_start3A_308] : memref<10112x128xf32, #tpu.memory_space<vmem_shared>> -> memref<128x128xf32, #tpu.memory_space<vmem_shared>>
      %dma_start3A_310 = arith.constant 0 : i32
      %dma_start3A_311 = arith.constant 0 : i32
      %dma_start3A_312 = tpu.memref_slice %arg8[%run_scoped3A_289, %dma_start3A_310, %dma_start3A_311] : memref<3x128x128xf32, #tpu.memory_space<vmem>> -> memref<1x128x128xf32, #tpu.memory_space<vmem>>
      %dma_start3A_313 = tpu.memref_squeeze %dma_start3A_312 : memref<1x128x128xf32, #tpu.memory_space<vmem>> -> memref<128x128xf32, #tpu.memory_space<vmem>>
      %dma_start3A_314 = arith.constant 0 : i32
      %dma_start3A_315 = tpu.memref_slice %arg9[%add3A_288, %dma_start3A_314] : memref<10112x128xf32, #tpu.memory_space<vmem_shared>> -> memref<128x128xf32, #tpu.memory_space<vmem_shared>>
      tpu.enqueue_dma source(%dma_start3A_315 : memref<128x128xf32, #tpu.memory_space<vmem_shared>>) target(%dma_start3A_313 : memref<128x128xf32, #tpu.memory_space<vmem>>) target_semaphore(%run_scoped3A_303 : memref<!tpu.dma_semaphore, #tpu.memory_space<semaphore_mem>>)
      %dma_wait3A_316 = arith.constant 0 : i32
      %dma_wait3A_317 = arith.constant 0 : i32
      %dma_wait3A_318 = tpu.memref_slice %arg8[%run_scoped3A_289, %dma_wait3A_316, %dma_wait3A_317] : memref<3x128x128xf32, #tpu.memory_space<vmem>> -> memref<1x128x128xf32, #tpu.memory_space<vmem>>
      %dma_wait3A_319 = tpu.memref_squeeze %dma_wait3A_318 : memref<1x128x128xf32, #tpu.memory_space<vmem>> -> memref<128x128xf32, #tpu.memory_space<vmem>>
      %dma_wait3A_320 = arith.constant 0 : i32
      %dma_wait3A_321 = tpu.memref_slice %arg9[%add3A_288, %dma_wait3A_320] : memref<10112x128xf32, #tpu.memory_space<vmem_shared>> -> memref<128x128xf32, #tpu.memory_space<vmem_shared>>
      %dma_wait3A_322 = arith.constant 0 : i32
      %dma_wait3A_323 = arith.constant 0 : i32
      %dma_wait3A_324 = tpu.memref_slice %arg8[%run_scoped3A_289, %dma_wait3A_322, %dma_wait3A_323] : memref<3x128x128xf32, #tpu.memory_space<vmem>> -> memref<1x128x128xf32, #tpu.memory_space<vmem>>
      %dma_wait3A_325 = tpu.memref_squeeze %dma_wait3A_324 : memref<1x128x128xf32, #tpu.memory_space<vmem>> -> memref<128x128xf32, #tpu.memory_space<vmem>>
      %dma_wait3A_326 = arith.constant 0 : i32
      %dma_wait3A_327 = tpu.memref_slice %arg9[%add3A_288, %dma_wait3A_326] : memref<10112x128xf32, #tpu.memory_space<vmem_shared>> -> memref<128x128xf32, #tpu.memory_space<vmem_shared>>
      tpu.wait_dma2 semaphore(%run_scoped3A_303 : memref<!tpu.dma_semaphore, #tpu.memory_space<semaphore_mem>>) src(%dma_wait3A_327 : memref<128x128xf32, #tpu.memory_space<vmem_shared>>) dst(%dma_wait3A_325 : memref<128x128xf32, #tpu.memory_space<vmem>>)
      tpu.yield
    }) : () -> ()
    %run_scoped3A_290 = arith.constant 0 : i32
    "tpu.region"() ({
      %run_scoped3A_303 = tpu.sem_alloc : memref<!tpu.dma_semaphore, #tpu.memory_space<semaphore_mem>>
      %dma_start3A_304 = arith.constant 0 : i32
      %dma_start3A_305 = arith.constant 0 : i32
      %dma_start3A_306 = tpu.memref_slice %arg8[%run_scoped3A_290, %dma_start3A_304, %dma_start3A_305] : memref<3x128x128xf32, #tpu.memory_space<vmem>> -> memref<1x128x128xf32, #tpu.memory_space<vmem>>
      %dma_start3A_307 = tpu.memref_squeeze %dma_start3A_306 : memref<1x128x128xf32, #tpu.memory_space<vmem>> -> memref<128x128xf32, #tpu.memory_space<vmem>>
      %dma_start3A_308 = arith.constant 0 : i32
      %dma_start3A_309 = tpu.memref_slice %arg5[%arg0, %add3A_288, %dma_start3A_308] : memref<2x10112x128xf32, #tpu.memory_space<hbm>> -> memref<1x128x128xf32, #tpu.memory_space<hbm>>
      %dma_start3A_310 = tpu.memref_squeeze %dma_start3A_309 : memref<1x128x128xf32, #tpu.memory_space<hbm>> -> memref<128x128xf32, #tpu.memory_space<hbm>>
      %dma_start3A_311 = arith.constant 0 : i32
      %dma_start3A_312 = tpu.memref_slice %arg5[%arg0, %add3A_288, %dma_start3A_311] : memref<2x10112x128xf32, #tpu.memory_space<hbm>> -> memref<1x128x128xf32, #tpu.memory_space<hbm>>
      %dma_start3A_313 = tpu.memref_squeeze %dma_start3A_312 : memref<1x128x128xf32, #tpu.memory_space<hbm>> -> memref<128x128xf32, #tpu.memory_space<hbm>>
      %dma_start3A_314 = arith.constant 0 : i32
      %dma_start3A_315 = arith.constant 0 : i32
      %dma_start3A_316 = tpu.memref_slice %arg8[%run_scoped3A_290, %dma_start3A_314, %dma_start3A_315] : memref<3x128x128xf32, #tpu.memory_space<vmem>> -> memref<1x128x128xf32, #tpu.memory_space<vmem>>
      %dma_start3A_317 = tpu.memref_squeeze %dma_start3A_316 : memref<1x128x128xf32, #tpu.memory_space<vmem>> -> memref<128x128xf32, #tpu.memory_space<vmem>>
      tpu.enqueue_dma source(%dma_start3A_317 : memref<128x128xf32, #tpu.memory_space<vmem>>) target(%dma_start3A_313 : memref<128x128xf32, #tpu.memory_space<hbm>>) target_semaphore(%run_scoped3A_303 : memref<!tpu.dma_semaphore, #tpu.memory_space<semaphore_mem>>)
      %dma_wait3A_318 = arith.constant 0 : i32
      %dma_wait3A_319 = arith.constant 0 : i32
      %dma_wait3A_320 = tpu.memref_slice %arg8[%run_scoped3A_290, %dma_wait3A_318, %dma_wait3A_319] : memref<3x128x128xf32, #tpu.memory_space<vmem>> -> memref<1x128x128xf32, #tpu.memory_space<vmem>>
      %dma_wait3A_321 = tpu.memref_squeeze %dma_wait3A_320 : memref<1x128x128xf32, #tpu.memory_space<vmem>> -> memref<128x128xf32, #tpu.memory_space<vmem>>
      %dma_wait3A_322 = arith.constant 0 : i32
      %dma_wait3A_323 = tpu.memref_slice %arg5[%arg0, %add3A_288, %dma_wait3A_322] : memref<2x10112x128xf32, #tpu.memory_space<hbm>> -> memref<1x128x128xf32, #tpu.memory_space<hbm>>
      %dma_wait3A_324 = tpu.memref_squeeze %dma_wait3A_323 : memref<1x128x128xf32, #tpu.memory_space<hbm>> -> memref<128x128xf32, #tpu.memory_space<hbm>>
      %dma_wait3A_325 = arith.constant 0 : i32
      %dma_wait3A_326 = tpu.memref_slice %arg5[%arg0, %add3A_288, %dma_wait3A_325] : memref<2x10112x128xf32, #tpu.memory_space<hbm>> -> memref<1x128x128xf32, #tpu.memory_space<hbm>>
      %dma_wait3A_327 = tpu.memref_squeeze %dma_wait3A_326 : memref<1x128x128xf32, #tpu.memory_space<hbm>> -> memref<128x128xf32, #tpu.memory_space<hbm>>
      %dma_wait3A_328 = arith.constant 0 : i32
      %dma_wait3A_329 = arith.constant 0 : i32
      %dma_wait3A_330 = tpu.memref_slice %arg8[%run_scoped3A_290, %dma_wait3A_328, %dma_wait3A_329] : memref<3x128x128xf32, #tpu.memory_space<vmem>> -> memref<1x128x128xf32, #tpu.memory_space<vmem>>
      %dma_wait3A_331 = tpu.memref_squeeze %dma_wait3A_330 : memref<1x128x128xf32, #tpu.memory_space<vmem>> -> memref<128x128xf32, #tpu.memory_space<vmem>>
      tpu.wait_dma2 semaphore(%run_scoped3A_303 : memref<!tpu.dma_semaphore, #tpu.memory_space<semaphore_mem>>) src(%dma_wait3A_331 : memref<128x128xf32, #tpu.memory_space<vmem>>) dst(%dma_wait3A_327 : memref<128x128xf32, #tpu.memory_space<hbm>>)
      tpu.yield
    }) : () -> ()
    %add3A_291 = arith.constant 256 : i32
    %add3A_292 = arith.addi %mul3A_2, %add3A_291 : i32
    %run_scoped3A_293 = arith.constant 0 : i32
    "tpu.region"() ({
      %run_scoped3A_303 = tpu.sem_alloc : memref<!tpu.dma_semaphore, #tpu.memory_space<semaphore_mem>>
      %dma_start3A_304 = arith.constant 0 : i32
      %dma_start3A_305 = arith.constant 0 : i32
      %dma_start3A_306 = tpu.memref_slice %arg8[%run_scoped3A_293, %dma_start3A_304, %dma_start3A_305] : memref<3x128x128xf32, #tpu.memory_space<vmem>> -> memref<1x128x128xf32, #tpu.memory_space<vmem>>
      %dma_start3A_307 = tpu.memref_squeeze %dma_start3A_306 : memref<1x128x128xf32, #tpu.memory_space<vmem>> -> memref<128x128xf32, #tpu.memory_space<vmem>>
      %dma_start3A_308 = arith.constant 0 : i32
      %dma_start3A_309 = tpu.memref_slice %arg9[%add3A_292, %dma_start3A_308] : memref<10112x128xf32, #tpu.memory_space<vmem_shared>> -> memref<128x128xf32, #tpu.memory_space<vmem_shared>>
      %dma_start3A_310 = arith.constant 0 : i32
      %dma_start3A_311 = arith.constant 0 : i32
      %dma_start3A_312 = tpu.memref_slice %arg8[%run_scoped3A_293, %dma_start3A_310, %dma_start3A_311] : memref<3x128x128xf32, #tpu.memory_space<vmem>> -> memref<1x128x128xf32, #tpu.memory_space<vmem>>
      %dma_start3A_313 = tpu.memref_squeeze %dma_start3A_312 : memref<1x128x128xf32, #tpu.memory_space<vmem>> -> memref<128x128xf32, #tpu.memory_space<vmem>>
      %dma_start3A_314 = arith.constant 0 : i32
      %dma_start3A_315 = tpu.memref_slice %arg9[%add3A_292, %dma_start3A_314] : memref<10112x128xf32, #tpu.memory_space<vmem_shared>> -> memref<128x128xf32, #tpu.memory_space<vmem_shared>>
      tpu.enqueue_dma source(%dma_start3A_315 : memref<128x128xf32, #tpu.memory_space<vmem_shared>>) target(%dma_start3A_313 : memref<128x128xf32, #tpu.memory_space<vmem>>) target_semaphore(%run_scoped3A_303 : memref<!tpu.dma_semaphore, #tpu.memory_space<semaphore_mem>>)
      %dma_wait3A_316 = arith.constant 0 : i32
      %dma_wait3A_317 = arith.constant 0 : i32
      %dma_wait3A_318 = tpu.memref_slice %arg8[%run_scoped3A_293, %dma_wait3A_316, %dma_wait3A_317] : memref<3x128x128xf32, #tpu.memory_space<vmem>> -> memref<1x128x128xf32, #tpu.memory_space<vmem>>
      %dma_wait3A_319 = tpu.memref_squeeze %dma_wait3A_318 : memref<1x128x128xf32, #tpu.memory_space<vmem>> -> memref<128x128xf32, #tpu.memory_space<vmem>>
      %dma_wait3A_320 = arith.constant 0 : i32
      %dma_wait3A_321 = tpu.memref_slice %arg9[%add3A_292, %dma_wait3A_320] : memref<10112x128xf32, #tpu.memory_space<vmem_shared>> -> memref<128x128xf32, #tpu.memory_space<vmem_shared>>
      %dma_wait3A_322 = arith.constant 0 : i32
      %dma_wait3A_323 = arith.constant 0 : i32
      %dma_wait3A_324 = tpu.memref_slice %arg8[%run_scoped3A_293, %dma_wait3A_322, %dma_wait3A_323] : memref<3x128x128xf32, #tpu.memory_space<vmem>> -> memref<1x128x128xf32, #tpu.memory_space<vmem>>
      %dma_wait3A_325 = tpu.memref_squeeze %dma_wait3A_324 : memref<1x128x128xf32, #tpu.memory_space<vmem>> -> memref<128x128xf32, #tpu.memory_space<vmem>>
      %dma_wait3A_326 = arith.constant 0 : i32
      %dma_wait3A_327 = tpu.memref_slice %arg9[%add3A_292, %dma_wait3A_326] : memref<10112x128xf32, #tpu.memory_space<vmem_shared>> -> memref<128x128xf32, #tpu.memory_space<vmem_shared>>
      tpu.wait_dma2 semaphore(%run_scoped3A_303 : memref<!tpu.dma_semaphore, #tpu.memory_space<semaphore_mem>>) src(%dma_wait3A_327 : memref<128x128xf32, #tpu.memory_space<vmem_shared>>) dst(%dma_wait3A_325 : memref<128x128xf32, #tpu.memory_space<vmem>>)
      tpu.yield
    }) : () -> ()
    %run_scoped3A_294 = arith.constant 0 : i32
    "tpu.region"() ({
      %run_scoped3A_303 = tpu.sem_alloc : memref<!tpu.dma_semaphore, #tpu.memory_space<semaphore_mem>>
      %dma_start3A_304 = arith.constant 0 : i32
      %dma_start3A_305 = arith.constant 0 : i32
      %dma_start3A_306 = tpu.memref_slice %arg8[%run_scoped3A_294, %dma_start3A_304, %dma_start3A_305] : memref<3x128x128xf32, #tpu.memory_space<vmem>> -> memref<1x128x128xf32, #tpu.memory_space<vmem>>
      %dma_start3A_307 = tpu.memref_squeeze %dma_start3A_306 : memref<1x128x128xf32, #tpu.memory_space<vmem>> -> memref<128x128xf32, #tpu.memory_space<vmem>>
      %dma_start3A_308 = arith.constant 0 : i32
      %dma_start3A_309 = tpu.memref_slice %arg5[%arg0, %add3A_292, %dma_start3A_308] : memref<2x10112x128xf32, #tpu.memory_space<hbm>> -> memref<1x128x128xf32, #tpu.memory_space<hbm>>
      %dma_start3A_310 = tpu.memref_squeeze %dma_start3A_309 : memref<1x128x128xf32, #tpu.memory_space<hbm>> -> memref<128x128xf32, #tpu.memory_space<hbm>>
      %dma_start3A_311 = arith.constant 0 : i32
      %dma_start3A_312 = tpu.memref_slice %arg5[%arg0, %add3A_292, %dma_start3A_311] : memref<2x10112x128xf32, #tpu.memory_space<hbm>> -> memref<1x128x128xf32, #tpu.memory_space<hbm>>
      %dma_start3A_313 = tpu.memref_squeeze %dma_start3A_312 : memref<1x128x128xf32, #tpu.memory_space<hbm>> -> memref<128x128xf32, #tpu.memory_space<hbm>>
      %dma_start3A_314 = arith.constant 0 : i32
      %dma_start3A_315 = arith.constant 0 : i32
      %dma_start3A_316 = tpu.memref_slice %arg8[%run_scoped3A_294, %dma_start3A_314, %dma_start3A_315] : memref<3x128x128xf32, #tpu.memory_space<vmem>> -> memref<1x128x128xf32, #tpu.memory_space<vmem>>
      %dma_start3A_317 = tpu.memref_squeeze %dma_start3A_316 : memref<1x128x128xf32, #tpu.memory_space<vmem>> -> memref<128x128xf32, #tpu.memory_space<vmem>>
      tpu.enqueue_dma source(%dma_start3A_317 : memref<128x128xf32, #tpu.memory_space<vmem>>) target(%dma_start3A_313 : memref<128x128xf32, #tpu.memory_space<hbm>>) target_semaphore(%run_scoped3A_303 : memref<!tpu.dma_semaphore, #tpu.memory_space<semaphore_mem>>)
      %dma_wait3A_318 = arith.constant 0 : i32
      %dma_wait3A_319 = arith.constant 0 : i32
      %dma_wait3A_320 = tpu.memref_slice %arg8[%run_scoped3A_294, %dma_wait3A_318, %dma_wait3A_319] : memref<3x128x128xf32, #tpu.memory_space<vmem>> -> memref<1x128x128xf32, #tpu.memory_space<vmem>>
      %dma_wait3A_321 = tpu.memref_squeeze %dma_wait3A_320 : memref<1x128x128xf32, #tpu.memory_space<vmem>> -> memref<128x128xf32, #tpu.memory_space<vmem>>
      %dma_wait3A_322 = arith.constant 0 : i32
      %dma_wait3A_323 = tpu.memref_slice %arg5[%arg0, %add3A_292, %dma_wait3A_322] : memref<2x10112x128xf32, #tpu.memory_space<hbm>> -> memref<1x128x128xf32, #tpu.memory_space<hbm>>
      %dma_wait3A_324 = tpu.memref_squeeze %dma_wait3A_323 : memref<1x128x128xf32, #tpu.memory_space<hbm>> -> memref<128x128xf32, #tpu.memory_space<hbm>>
      %dma_wait3A_325 = arith.constant 0 : i32
      %dma_wait3A_326 = tpu.memref_slice %arg5[%arg0, %add3A_292, %dma_wait3A_325] : memref<2x10112x128xf32, #tpu.memory_space<hbm>> -> memref<1x128x128xf32, #tpu.memory_space<hbm>>
      %dma_wait3A_327 = tpu.memref_squeeze %dma_wait3A_326 : memref<1x128x128xf32, #tpu.memory_space<hbm>> -> memref<128x128xf32, #tpu.memory_space<hbm>>
      %dma_wait3A_328 = arith.constant 0 : i32
      %dma_wait3A_329 = arith.constant 0 : i32
      %dma_wait3A_330 = tpu.memref_slice %arg8[%run_scoped3A_294, %dma_wait3A_328, %dma_wait3A_329] : memref<3x128x128xf32, #tpu.memory_space<vmem>> -> memref<1x128x128xf32, #tpu.memory_space<vmem>>
      %dma_wait3A_331 = tpu.memref_squeeze %dma_wait3A_330 : memref<1x128x128xf32, #tpu.memory_space<vmem>> -> memref<128x128xf32, #tpu.memory_space<vmem>>
      tpu.wait_dma2 semaphore(%run_scoped3A_303 : memref<!tpu.dma_semaphore, #tpu.memory_space<semaphore_mem>>) src(%dma_wait3A_331 : memref<128x128xf32, #tpu.memory_space<vmem>>) dst(%dma_wait3A_327 : memref<128x128xf32, #tpu.memory_space<hbm>>)
      tpu.yield
    }) : () -> ()
    %add3A_295 = arith.constant 384 : i32
    %add3A_296 = arith.addi %mul3A_2, %add3A_295 : i32
    %run_scoped3A_297 = arith.constant 0 : i32
    "tpu.region"() ({
      %run_scoped3A_303 = tpu.sem_alloc : memref<!tpu.dma_semaphore, #tpu.memory_space<semaphore_mem>>
      %dma_start3A_304 = arith.constant 0 : i32
      %dma_start3A_305 = arith.constant 0 : i32
      %dma_start3A_306 = tpu.memref_slice %arg8[%run_scoped3A_297, %dma_start3A_304, %dma_start3A_305] : memref<3x128x128xf32, #tpu.memory_space<vmem>> -> memref<1x128x128xf32, #tpu.memory_space<vmem>>
      %dma_start3A_307 = tpu.memref_squeeze %dma_start3A_306 : memref<1x128x128xf32, #tpu.memory_space<vmem>> -> memref<128x128xf32, #tpu.memory_space<vmem>>
      %dma_start3A_308 = arith.constant 0 : i32
      %dma_start3A_309 = tpu.memref_slice %arg9[%add3A_296, %dma_start3A_308] : memref<10112x128xf32, #tpu.memory_space<vmem_shared>> -> memref<128x128xf32, #tpu.memory_space<vmem_shared>>
      %dma_start3A_310 = arith.constant 0 : i32
      %dma_start3A_311 = arith.constant 0 : i32
      %dma_start3A_312 = tpu.memref_slice %arg8[%run_scoped3A_297, %dma_start3A_310, %dma_start3A_311] : memref<3x128x128xf32, #tpu.memory_space<vmem>> -> memref<1x128x128xf32, #tpu.memory_space<vmem>>
      %dma_start3A_313 = tpu.memref_squeeze %dma_start3A_312 : memref<1x128x128xf32, #tpu.memory_space<vmem>> -> memref<128x128xf32, #tpu.memory_space<vmem>>
      %dma_start3A_314 = arith.constant 0 : i32
      %dma_start3A_315 = tpu.memref_slice %arg9[%add3A_296, %dma_start3A_314] : memref<10112x128xf32, #tpu.memory_space<vmem_shared>> -> memref<128x128xf32, #tpu.memory_space<vmem_shared>>
      tpu.enqueue_dma source(%dma_start3A_315 : memref<128x128xf32, #tpu.memory_space<vmem_shared>>) target(%dma_start3A_313 : memref<128x128xf32, #tpu.memory_space<vmem>>) target_semaphore(%run_scoped3A_303 : memref<!tpu.dma_semaphore, #tpu.memory_space<semaphore_mem>>)
      %dma_wait3A_316 = arith.constant 0 : i32
      %dma_wait3A_317 = arith.constant 0 : i32
      %dma_wait3A_318 = tpu.memref_slice %arg8[%run_scoped3A_297, %dma_wait3A_316, %dma_wait3A_317] : memref<3x128x128xf32, #tpu.memory_space<vmem>> -> memref<1x128x128xf32, #tpu.memory_space<vmem>>
      %dma_wait3A_319 = tpu.memref_squeeze %dma_wait3A_318 : memref<1x128x128xf32, #tpu.memory_space<vmem>> -> memref<128x128xf32, #tpu.memory_space<vmem>>
      %dma_wait3A_320 = arith.constant 0 : i32
      %dma_wait3A_321 = tpu.memref_slice %arg9[%add3A_296, %dma_wait3A_320] : memref<10112x128xf32, #tpu.memory_space<vmem_shared>> -> memref<128x128xf32, #tpu.memory_space<vmem_shared>>
      %dma_wait3A_322 = arith.constant 0 : i32
      %dma_wait3A_323 = arith.constant 0 : i32
      %dma_wait3A_324 = tpu.memref_slice %arg8[%run_scoped3A_297, %dma_wait3A_322, %dma_wait3A_323] : memref<3x128x128xf32, #tpu.memory_space<vmem>> -> memref<1x128x128xf32, #tpu.memory_space<vmem>>
      %dma_wait3A_325 = tpu.memref_squeeze %dma_wait3A_324 : memref<1x128x128xf32, #tpu.memory_space<vmem>> -> memref<128x128xf32, #tpu.memory_space<vmem>>
      %dma_wait3A_326 = arith.constant 0 : i32
      %dma_wait3A_327 = tpu.memref_slice %arg9[%add3A_296, %dma_wait3A_326] : memref<10112x128xf32, #tpu.memory_space<vmem_shared>> -> memref<128x128xf32, #tpu.memory_space<vmem_shared>>
      tpu.wait_dma2 semaphore(%run_scoped3A_303 : memref<!tpu.dma_semaphore, #tpu.memory_space<semaphore_mem>>) src(%dma_wait3A_327 : memref<128x128xf32, #tpu.memory_space<vmem_shared>>) dst(%dma_wait3A_325 : memref<128x128xf32, #tpu.memory_space<vmem>>)
      tpu.yield
    }) : () -> ()
    %run_scoped3A_298 = arith.constant 0 : i32
    "tpu.region"() ({
      %run_scoped3A_303 = tpu.sem_alloc : memref<!tpu.dma_semaphore, #tpu.memory_space<semaphore_mem>>
      %dma_start3A_304 = arith.constant 0 : i32
      %dma_start3A_305 = arith.constant 0 : i32
      %dma_start3A_306 = tpu.memref_slice %arg8[%run_scoped3A_298, %dma_start3A_304, %dma_start3A_305] : memref<3x128x128xf32, #tpu.memory_space<vmem>> -> memref<1x128x128xf32, #tpu.memory_space<vmem>>
      %dma_start3A_307 = tpu.memref_squeeze %dma_start3A_306 : memref<1x128x128xf32, #tpu.memory_space<vmem>> -> memref<128x128xf32, #tpu.memory_space<vmem>>
      %dma_start3A_308 = arith.constant 0 : i32
      %dma_start3A_309 = tpu.memref_slice %arg5[%arg0, %add3A_296, %dma_start3A_308] : memref<2x10112x128xf32, #tpu.memory_space<hbm>> -> memref<1x128x128xf32, #tpu.memory_space<hbm>>
      %dma_start3A_310 = tpu.memref_squeeze %dma_start3A_309 : memref<1x128x128xf32, #tpu.memory_space<hbm>> -> memref<128x128xf32, #tpu.memory_space<hbm>>
      %dma_start3A_311 = arith.constant 0 : i32
      %dma_start3A_312 = tpu.memref_slice %arg5[%arg0, %add3A_296, %dma_start3A_311] : memref<2x10112x128xf32, #tpu.memory_space<hbm>> -> memref<1x128x128xf32, #tpu.memory_space<hbm>>
      %dma_start3A_313 = tpu.memref_squeeze %dma_start3A_312 : memref<1x128x128xf32, #tpu.memory_space<hbm>> -> memref<128x128xf32, #tpu.memory_space<hbm>>
      %dma_start3A_314 = arith.constant 0 : i32
      %dma_start3A_315 = arith.constant 0 : i32
      %dma_start3A_316 = tpu.memref_slice %arg8[%run_scoped3A_298, %dma_start3A_314, %dma_start3A_315] : memref<3x128x128xf32, #tpu.memory_space<vmem>> -> memref<1x128x128xf32, #tpu.memory_space<vmem>>
      %dma_start3A_317 = tpu.memref_squeeze %dma_start3A_316 : memref<1x128x128xf32, #tpu.memory_space<vmem>> -> memref<128x128xf32, #tpu.memory_space<vmem>>
      tpu.enqueue_dma source(%dma_start3A_317 : memref<128x128xf32, #tpu.memory_space<vmem>>) target(%dma_start3A_313 : memref<128x128xf32, #tpu.memory_space<hbm>>) target_semaphore(%run_scoped3A_303 : memref<!tpu.dma_semaphore, #tpu.memory_space<semaphore_mem>>)
      %dma_wait3A_318 = arith.constant 0 : i32
      %dma_wait3A_319 = arith.constant 0 : i32
      %dma_wait3A_320 = tpu.memref_slice %arg8[%run_scoped3A_298, %dma_wait3A_318, %dma_wait3A_319] : memref<3x128x128xf32, #tpu.memory_space<vmem>> -> memref<1x128x128xf32, #tpu.memory_space<vmem>>
      %dma_wait3A_321 = tpu.memref_squeeze %dma_wait3A_320 : memref<1x128x128xf32, #tpu.memory_space<vmem>> -> memref<128x128xf32, #tpu.memory_space<vmem>>
      %dma_wait3A_322 = arith.constant 0 : i32
      %dma_wait3A_323 = tpu.memref_slice %arg5[%arg0, %add3A_296, %dma_wait3A_322] : memref<2x10112x128xf32, #tpu.memory_space<hbm>> -> memref<1x128x128xf32, #tpu.memory_space<hbm>>
      %dma_wait3A_324 = tpu.memref_squeeze %dma_wait3A_323 : memref<1x128x128xf32, #tpu.memory_space<hbm>> -> memref<128x128xf32, #tpu.memory_space<hbm>>
      %dma_wait3A_325 = arith.constant 0 : i32
      %dma_wait3A_326 = tpu.memref_slice %arg5[%arg0, %add3A_296, %dma_wait3A_325] : memref<2x10112x128xf32, #tpu.memory_space<hbm>> -> memref<1x128x128xf32, #tpu.memory_space<hbm>>
      %dma_wait3A_327 = tpu.memref_squeeze %dma_wait3A_326 : memref<1x128x128xf32, #tpu.memory_space<hbm>> -> memref<128x128xf32, #tpu.memory_space<hbm>>
      %dma_wait3A_328 = arith.constant 0 : i32
      %dma_wait3A_329 = arith.constant 0 : i32
      %dma_wait3A_330 = tpu.memref_slice %arg8[%run_scoped3A_298, %dma_wait3A_328, %dma_wait3A_329] : memref<3x128x128xf32, #tpu.memory_space<vmem>> -> memref<1x128x128xf32, #tpu.memory_space<vmem>>
      %dma_wait3A_331 = tpu.memref_squeeze %dma_wait3A_330 : memref<1x128x128xf32, #tpu.memory_space<vmem>> -> memref<128x128xf32, #tpu.memory_space<vmem>>
      tpu.wait_dma2 semaphore(%run_scoped3A_303 : memref<!tpu.dma_semaphore, #tpu.memory_space<semaphore_mem>>) src(%dma_wait3A_331 : memref<128x128xf32, #tpu.memory_space<vmem>>) dst(%dma_wait3A_327 : memref<128x128xf32, #tpu.memory_space<hbm>>)
      tpu.yield
    }) : () -> ()
    %add3A_299 = arith.constant 512 : i32
    %add3A_300 = arith.addi %mul3A_2, %add3A_299 : i32
    %run_scoped3A_301 = arith.constant 0 : i32
    "tpu.region"() ({
      %run_scoped3A_303 = tpu.sem_alloc : memref<!tpu.dma_semaphore, #tpu.memory_space<semaphore_mem>>
      %dma_start3A_304 = arith.constant 0 : i32
      %dma_start3A_305 = arith.constant 0 : i32
      %dma_start3A_306 = tpu.memref_slice %arg8[%run_scoped3A_301, %dma_start3A_304, %dma_start3A_305] : memref<3x128x128xf32, #tpu.memory_space<vmem>> -> memref<1x120x128xf32, #tpu.memory_space<vmem>>
      %dma_start3A_307 = tpu.memref_squeeze %dma_start3A_306 : memref<1x120x128xf32, #tpu.memory_space<vmem>> -> memref<120x128xf32, #tpu.memory_space<vmem>>
      %dma_start3A_308 = arith.constant 0 : i32
      %dma_start3A_309 = tpu.memref_slice %arg9[%add3A_300, %dma_start3A_308] : memref<10112x128xf32, #tpu.memory_space<vmem_shared>> -> memref<120x128xf32, #tpu.memory_space<vmem_shared>>
      %dma_start3A_310 = arith.constant 0 : i32
      %dma_start3A_311 = arith.constant 0 : i32
      %dma_start3A_312 = tpu.memref_slice %arg8[%run_scoped3A_301, %dma_start3A_310, %dma_start3A_311] : memref<3x128x128xf32, #tpu.memory_space<vmem>> -> memref<1x120x128xf32, #tpu.memory_space<vmem>>
      %dma_start3A_313 = tpu.memref_squeeze %dma_start3A_312 : memref<1x120x128xf32, #tpu.memory_space<vmem>> -> memref<120x128xf32, #tpu.memory_space<vmem>>
      %dma_start3A_314 = arith.constant 0 : i32
      %dma_start3A_315 = tpu.memref_slice %arg9[%add3A_300, %dma_start3A_314] : memref<10112x128xf32, #tpu.memory_space<vmem_shared>> -> memref<120x128xf32, #tpu.memory_space<vmem_shared>>
      tpu.enqueue_dma source(%dma_start3A_315 : memref<120x128xf32, #tpu.memory_space<vmem_shared>>) target(%dma_start3A_313 : memref<120x128xf32, #tpu.memory_space<vmem>>) target_semaphore(%run_scoped3A_303 : memref<!tpu.dma_semaphore, #tpu.memory_space<semaphore_mem>>)
      %dma_wait3A_316 = arith.constant 0 : i32
      %dma_wait3A_317 = arith.constant 0 : i32
      %dma_wait3A_318 = tpu.memref_slice %arg8[%run_scoped3A_301, %dma_wait3A_316, %dma_wait3A_317] : memref<3x128x128xf32, #tpu.memory_space<vmem>> -> memref<1x120x128xf32, #tpu.memory_space<vmem>>
      %dma_wait3A_319 = tpu.memref_squeeze %dma_wait3A_318 : memref<1x120x128xf32, #tpu.memory_space<vmem>> -> memref<120x128xf32, #tpu.memory_space<vmem>>
      %dma_wait3A_320 = arith.constant 0 : i32
      %dma_wait3A_321 = tpu.memref_slice %arg9[%add3A_300, %dma_wait3A_320] : memref<10112x128xf32, #tpu.memory_space<vmem_shared>> -> memref<120x128xf32, #tpu.memory_space<vmem_shared>>
      %dma_wait3A_322 = arith.constant 0 : i32
      %dma_wait3A_323 = arith.constant 0 : i32
      %dma_wait3A_324 = tpu.memref_slice %arg8[%run_scoped3A_301, %dma_wait3A_322, %dma_wait3A_323] : memref<3x128x128xf32, #tpu.memory_space<vmem>> -> memref<1x120x128xf32, #tpu.memory_space<vmem>>
      %dma_wait3A_325 = tpu.memref_squeeze %dma_wait3A_324 : memref<1x120x128xf32, #tpu.memory_space<vmem>> -> memref<120x128xf32, #tpu.memory_space<vmem>>
      %dma_wait3A_326 = arith.constant 0 : i32
      %dma_wait3A_327 = tpu.memref_slice %arg9[%add3A_300, %dma_wait3A_326] : memref<10112x128xf32, #tpu.memory_space<vmem_shared>> -> memref<120x128xf32, #tpu.memory_space<vmem_shared>>
      tpu.wait_dma2 semaphore(%run_scoped3A_303 : memref<!tpu.dma_semaphore, #tpu.memory_space<semaphore_mem>>) src(%dma_wait3A_327 : memref<120x128xf32, #tpu.memory_space<vmem_shared>>) dst(%dma_wait3A_325 : memref<120x128xf32, #tpu.memory_space<vmem>>)
      tpu.yield
    }) : () -> ()
    %run_scoped3A_302 = arith.constant 0 : i32
    "tpu.region"() ({
      %run_scoped3A_303 = tpu.sem_alloc : memref<!tpu.dma_semaphore, #tpu.memory_space<semaphore_mem>>
      %dma_start3A_304 = arith.constant 0 : i32
      %dma_start3A_305 = arith.constant 0 : i32
      %dma_start3A_306 = tpu.memref_slice %arg8[%run_scoped3A_302, %dma_start3A_304, %dma_start3A_305] : memref<3x128x128xf32, #tpu.memory_space<vmem>> -> memref<1x120x128xf32, #tpu.memory_space<vmem>>
      %dma_start3A_307 = tpu.memref_squeeze %dma_start3A_306 : memref<1x120x128xf32, #tpu.memory_space<vmem>> -> memref<120x128xf32, #tpu.memory_space<vmem>>
      %dma_start3A_308 = arith.constant 0 : i32
      %dma_start3A_309 = tpu.memref_slice %arg5[%arg0, %add3A_300, %dma_start3A_308] : memref<2x10112x128xf32, #tpu.memory_space<hbm>> -> memref<1x120x128xf32, #tpu.memory_space<hbm>>
      %dma_start3A_310 = tpu.memref_squeeze %dma_start3A_309 : memref<1x120x128xf32, #tpu.memory_space<hbm>> -> memref<120x128xf32, #tpu.memory_space<hbm>>
      %dma_start3A_311 = arith.constant 0 : i32
      %dma_start3A_312 = tpu.memref_slice %arg5[%arg0, %add3A_300, %dma_start3A_311] : memref<2x10112x128xf32, #tpu.memory_space<hbm>> -> memref<1x120x128xf32, #tpu.memory_space<hbm>>
      %dma_start3A_313 = tpu.memref_squeeze %dma_start3A_312 : memref<1x120x128xf32, #tpu.memory_space<hbm>> -> memref<120x128xf32, #tpu.memory_space<hbm>>
      %dma_start3A_314 = arith.constant 0 : i32
      %dma_start3A_315 = arith.constant 0 : i32
      %dma_start3A_316 = tpu.memref_slice %arg8[%run_scoped3A_302, %dma_start3A_314, %dma_start3A_315] : memref<3x128x128xf32, #tpu.memory_space<vmem>> -> memref<1x120x128xf32, #tpu.memory_space<vmem>>
      %dma_start3A_317 = tpu.memref_squeeze %dma_start3A_316 : memref<1x120x128xf32, #tpu.memory_space<vmem>> -> memref<120x128xf32, #tpu.memory_space<vmem>>
      tpu.enqueue_dma source(%dma_start3A_317 : memref<120x128xf32, #tpu.memory_space<vmem>>) target(%dma_start3A_313 : memref<120x128xf32, #tpu.memory_space<hbm>>) target_semaphore(%run_scoped3A_303 : memref<!tpu.dma_semaphore, #tpu.memory_space<semaphore_mem>>)
      %dma_wait3A_318 = arith.constant 0 : i32
      %dma_wait3A_319 = arith.constant 0 : i32
      %dma_wait3A_320 = tpu.memref_slice %arg8[%run_scoped3A_302, %dma_wait3A_318, %dma_wait3A_319] : memref<3x128x128xf32, #tpu.memory_space<vmem>> -> memref<1x120x128xf32, #tpu.memory_space<vmem>>
      %dma_wait3A_321 = tpu.memref_squeeze %dma_wait3A_320 : memref<1x120x128xf32, #tpu.memory_space<vmem>> -> memref<120x128xf32, #tpu.memory_space<vmem>>
      %dma_wait3A_322 = arith.constant 0 : i32
      %dma_wait3A_323 = tpu.memref_slice %arg5[%arg0, %add3A_300, %dma_wait3A_322] : memref<2x10112x128xf32, #tpu.memory_space<hbm>> -> memref<1x120x128xf32, #tpu.memory_space<hbm>>
      %dma_wait3A_324 = tpu.memref_squeeze %dma_wait3A_323 : memref<1x120x128xf32, #tpu.memory_space<hbm>> -> memref<120x128xf32, #tpu.memory_space<hbm>>
      %dma_wait3A_325 = arith.constant 0 : i32
      %dma_wait3A_326 = tpu.memref_slice %arg5[%arg0, %add3A_300, %dma_wait3A_325] : memref<2x10112x128xf32, #tpu.memory_space<hbm>> -> memref<1x120x128xf32, #tpu.memory_space<hbm>>
      %dma_wait3A_327 = tpu.memref_squeeze %dma_wait3A_326 : memref<1x120x128xf32, #tpu.memory_space<hbm>> -> memref<120x128xf32, #tpu.memory_space<hbm>>
      %dma_wait3A_328 = arith.constant 0 : i32
      %dma_wait3A_329 = arith.constant 0 : i32
      %dma_wait3A_330 = tpu.memref_slice %arg8[%run_scoped3A_302, %dma_wait3A_328, %dma_wait3A_329] : memref<3x128x128xf32, #tpu.memory_space<vmem>> -> memref<1x120x128xf32, #tpu.memory_space<vmem>>
      %dma_wait3A_331 = tpu.memref_squeeze %dma_wait3A_330 : memref<1x120x128xf32, #tpu.memory_space<vmem>> -> memref<120x128xf32, #tpu.memory_space<vmem>>
      tpu.wait_dma2 semaphore(%run_scoped3A_303 : memref<!tpu.dma_semaphore, #tpu.memory_space<semaphore_mem>>) src(%dma_wait3A_331 : memref<120x128xf32, #tpu.memory_space<vmem>>) dst(%dma_wait3A_327 : memref<120x128xf32, #tpu.memory_space<hbm>>)
      tpu.yield
    }) : () -> ()
    return
  }
}

module attributes {stable_mosaic.version = 14 : i64} {
  func.func @_prep_body(%arg0: i32, %arg1: memref<1000x2xf32, #tpu.memory_space<vmem>>, %arg2: memref<1000x128xf32, #tpu.memory_space<vmem>>, %arg3: memref<1000x1xf32, #tpu.memory_space<vmem>>, %arg4: memref<1000x128xf32, #tpu.memory_space<vmem>>) attributes {dimension_semantics = [#tpu.dimension_semantics<arbitrary>], iteration_bounds = array<i64: 10>, scalar_prefetch = 0 : i64, scratch_operands = 0 : i64, tpu.core_type = #tpu.core_type<tc>, window_params = [{transform_indices = @transform_0, window_bounds = array<i64: 1000, 2>}, {transform_indices = @transform_1, window_bounds = array<i64: 1000, 128>}, {transform_indices = @transform_2, window_bounds = array<i64: 1000, 1>}, {transform_indices = @transform_3, window_bounds = array<i64: 1000, 128>}]} {
    %get3A = arith.constant 0 : index
    %get3A_0 = arith.constant 0 : index
    %get3A_1 = vector.load %arg1[%get3A, %get3A_0] : memref<1000x2xf32, #tpu.memory_space<vmem>>, vector<1000x1xf32>
    %get3A_2 = arith.constant 0 : index
    %get3A_3 = arith.constant 1 : index
    %get3A_4 = vector.load %arg1[%get3A_2, %get3A_3] : memref<1000x2xf32, #tpu.memory_space<vmem>>, vector<1000x1xf32>
    %add3A = arith.addf %get3A_1, %get3A_4 : vector<1000x1xf32>
    %add3A_5 = arith.constant 1.000000e+00 : f32
    %add3A_6 = vector.broadcast %add3A_5 : f32 to vector<1000x1xf32>
    %add3A_7 = arith.addf %add3A, %add3A_6 : vector<1000x1xf32>
    %rsqrt3A = math.rsqrt %add3A_7 : vector<1000x1xf32>
    %swap3A = arith.constant 0 : index
    %swap3A_8 = arith.constant 0 : index
    %swap3A_9 = vector.load %arg3[%swap3A, %swap3A_8] : memref<1000x1xf32, #tpu.memory_space<vmem>>, vector<1000x1xf32>
    tpu.vector_store %arg3[%swap3A, %swap3A_8], %rsqrt3A {strides = array<i32>} : memref<1000x1xf32, #tpu.memory_space<vmem>>, vector<1000x1xf32>,
    %get3A_10 = arith.constant 0 : index
    %get3A_11 = arith.constant 0 : index
    %get3A_12 = vector.load %arg2[%get3A_10, %get3A_11] : memref<1000x128xf32, #tpu.memory_space<vmem>>, vector<1000x128xf32>
    %mul3A = vector.broadcast %rsqrt3A : vector<1000x1xf32> to vector<1000x128xf32>
    %mul3A_13 = arith.mulf %get3A_12, %mul3A : vector<1000x128xf32>
    %swap3A_14 = arith.constant 0 : index
    %swap3A_15 = arith.constant 0 : index
    %swap3A_16 = vector.load %arg4[%swap3A_14, %swap3A_15] : memref<1000x128xf32, #tpu.memory_space<vmem>>, vector<1000x128xf32>
    tpu.vector_store %arg4[%swap3A_14, %swap3A_15], %mul3A_13 {strides = array<i32>} : memref<1000x128xf32, #tpu.memory_space<vmem>>, vector<1000x128xf32>,
    return
  }
  func.func @transform_0(%arg0: i32) -> (i32, i32) {
    %c0_i32 = arith.constant 0 : i32
    %c0_i32_0 = arith.constant 0 : i32
    return %arg0, %c0_i32 : i32, i32
  }
  func.func @transform_1(%arg0: i32) -> (i32, i32) {
    %c0_i32 = arith.constant 0 : i32
    %c0_i32_0 = arith.constant 0 : i32
    return %arg0, %c0_i32 : i32, i32
  }
  func.func @transform_2(%arg0: i32) -> (i32, i32) {
    %c0_i32 = arith.constant 0 : i32
    %c0_i32_0 = arith.constant 0 : i32
    return %arg0, %c0_i32 : i32, i32
  }
  func.func @transform_3(%arg0: i32) -> (i32, i32) {
    %c0_i32 = arith.constant 0 : i32
    %c0_i32_0 = arith.constant 0 : i32
    return %arg0, %c0_i32 : i32, i32
  }
}

module attributes {stable_mosaic.version = 14 : i64} {
  func.func @_mm_body(%arg0: i32, %arg1: memref<2x1000x128xf32, #tpu.memory_space<vmem>>, %arg2: memref<1000x128xf32, #tpu.memory_space<vmem>>, %arg3: memref<1000x1xf32, #tpu.memory_space<vmem>>, %arg4: memref<128x200xf32, #tpu.memory_space<vmem>>, %arg5: memref<1x200xf32, #tpu.memory_space<vmem>>, %arg6: memref<128x200xf32, #tpu.memory_space<vmem>>, %arg7: memref<1x200xf32, #tpu.memory_space<vmem>>, %arg8: memref<1000x200xf32, #tpu.memory_space<vmem>>, %arg9: memref<1000x200xf32, #tpu.memory_space<vmem>>) attributes {dimension_semantics = [#tpu.dimension_semantics<arbitrary>], iteration_bounds = array<i64: 10>, scalar_prefetch = 0 : i64, scratch_operands = 0 : i64, tpu.core_type = #tpu.core_type<tc>, window_params = [{transform_indices = @transform_0, window_bounds = array<i64: 2, 1000, 128>}, {transform_indices = @transform_1, window_bounds = array<i64: 1000, 128>}, {transform_indices = @transform_2, window_bounds = array<i64: 1000, 1>}, {pipeline_mode = #tpu.pipeline_mode<synchronous>, transform_indices = @transform_3, window_bounds = array<i64: 128, 200>}, {pipeline_mode = #tpu.pipeline_mode<synchronous>, transform_indices = @transform_4, window_bounds = array<i64: 1, 200>}, {pipeline_mode = #tpu.pipeline_mode<synchronous>, transform_indices = @transform_5, window_bounds = array<i64: 128, 200>}, {pipeline_mode = #tpu.pipeline_mode<synchronous>, transform_indices = @transform_6, window_bounds = array<i64: 1, 200>}, {transform_indices = @transform_7, window_bounds = array<i64: 1000, 200>}, {transform_indices = @transform_8, window_bounds = array<i64: 1000, 200>}]} {
    %get3A = arith.constant 0 : index
    %get3A_0 = arith.constant 0 : index
    %get3A_1 = arith.constant 0 : index
    %get3A_2 = vector.load %arg1[%get3A, %get3A_0, %get3A_1] : memref<2x1000x128xf32, #tpu.memory_space<vmem>>, vector<1x1000x128xf32>
    %get3A_3 = vector.shape_cast %get3A_2 : vector<1x1000x128xf32> to vector<1000x128xf32>
    %get3A_4 = arith.constant 1 : index
    %get3A_5 = arith.constant 0 : index
    %get3A_6 = arith.constant 0 : index
    %get3A_7 = vector.load %arg1[%get3A_4, %get3A_5, %get3A_6] : memref<2x1000x128xf32, #tpu.memory_space<vmem>>, vector<1x1000x128xf32>
    %get3A_8 = vector.shape_cast %get3A_7 : vector<1x1000x128xf32> to vector<1000x128xf32>
    %add3A = arith.addf %get3A_3, %get3A_8 : vector<1000x128xf32>
    %get3A_9 = arith.constant 0 : index
    %get3A_10 = arith.constant 0 : index
    %get3A_11 = vector.load %arg2[%get3A_9, %get3A_10] : memref<1000x128xf32, #tpu.memory_space<vmem>>, vector<1000x128xf32>
    %add3A_12 = arith.addf %add3A, %get3A_11 : vector<1000x128xf32>
    %get3A_13 = arith.constant 0 : index
    %get3A_14 = arith.constant 0 : index
    %get3A_15 = vector.load %arg3[%get3A_13, %get3A_14] : memref<1000x1xf32, #tpu.memory_space<vmem>>, vector<1000x1xf32>
    %mul3A = vector.broadcast %get3A_15 : vector<1000x1xf32> to vector<1000x128xf32>
    %mul3A_16 = arith.mulf %add3A_12, %mul3A : vector<1000x128xf32>
    %get3A_17 = arith.constant 0 : index
    %get3A_18 = arith.constant 0 : index
    %get3A_19 = vector.load %arg4[%get3A_17, %get3A_18] : memref<128x200xf32, #tpu.memory_space<vmem>>, vector<128x200xf32>
    %dot_general3A = arith.constant dense<0.000000e+00> : vector<1000x200xf32>
    %dot_general3A_20 = tpu.matmul %mul3A_16, %get3A_19, %dot_general3A {dimension_numbers = #tpu.dot_dimension_numbers<[1], [0], [0], [1], [0, 0, 1, 1], [], []>, transpose_lhs_hint = false} : vector<1000x128xf32>, vector<128x200xf32>, vector<1000x200xf32> -> vector<1000x200xf32>
    %get3A_21 = arith.constant 0 : index
    %get3A_22 = arith.constant 0 : index
    %get3A_23 = vector.load %arg5[%get3A_21, %get3A_22] : memref<1x200xf32, #tpu.memory_space<vmem>>, vector<1x200xf32>
    %add3A_24 = vector.broadcast %get3A_23 : vector<1x200xf32> to vector<1000x200xf32>
    %add3A_25 = arith.addf %dot_general3A_20, %add3A_24 : vector<1000x200xf32>
    %swap3A = arith.constant 0 : index
    %swap3A_26 = arith.constant 0 : index
    %swap3A_27 = vector.load %arg8[%swap3A, %swap3A_26] : memref<1000x200xf32, #tpu.memory_space<vmem>>, vector<1000x200xf32>
    tpu.vector_store %arg8[%swap3A, %swap3A_26], %add3A_25 {strides = array<i32>} : memref<1000x200xf32, #tpu.memory_space<vmem>>, vector<1000x200xf32>,
    %get3A_28 = arith.constant 0 : index
    %get3A_29 = arith.constant 0 : index
    %get3A_30 = vector.load %arg6[%get3A_28, %get3A_29] : memref<128x200xf32, #tpu.memory_space<vmem>>, vector<128x200xf32>
    %dot_general3A_31 = arith.constant dense<0.000000e+00> : vector<1000x200xf32>
    %dot_general3A_32 = tpu.matmul %mul3A_16, %get3A_30, %dot_general3A_31 {dimension_numbers = #tpu.dot_dimension_numbers<[1], [0], [0], [1], [0, 0, 1, 1], [], []>, transpose_lhs_hint = false} : vector<1000x128xf32>, vector<128x200xf32>, vector<1000x200xf32> -> vector<1000x200xf32>
    %get3A_33 = arith.constant 0 : index
    %get3A_34 = arith.constant 0 : index
    %get3A_35 = vector.load %arg7[%get3A_33, %get3A_34] : memref<1x200xf32, #tpu.memory_space<vmem>>, vector<1x200xf32>
    %add3A_36 = vector.broadcast %get3A_35 : vector<1x200xf32> to vector<1000x200xf32>
    %add3A_37 = arith.addf %dot_general3A_32, %add3A_36 : vector<1000x200xf32>
    %swap3A_38 = arith.constant 0 : index
    %swap3A_39 = arith.constant 0 : index
    %swap3A_40 = vector.load %arg9[%swap3A_38, %swap3A_39] : memref<1000x200xf32, #tpu.memory_space<vmem>>, vector<1000x200xf32>
    tpu.vector_store %arg9[%swap3A_38, %swap3A_39], %add3A_37 {strides = array<i32>} : memref<1000x200xf32, #tpu.memory_space<vmem>>, vector<1000x200xf32>,
    return
  }
  func.func @transform_0(%arg0: i32) -> (i32, i32, i32) {
    %c0_i32 = arith.constant 0 : i32
    %c0_i32_0 = arith.constant 0 : i32
    %c0_i32_1 = arith.constant 0 : i32
    return %c0_i32, %arg0, %c0_i32_0 : i32, i32, i32
  }
  func.func @transform_1(%arg0: i32) -> (i32, i32) {
    %c0_i32 = arith.constant 0 : i32
    %c0_i32_0 = arith.constant 0 : i32
    return %arg0, %c0_i32 : i32, i32
  }
  func.func @transform_2(%arg0: i32) -> (i32, i32) {
    %c0_i32 = arith.constant 0 : i32
    %c0_i32_0 = arith.constant 0 : i32
    return %arg0, %c0_i32 : i32, i32
  }
  func.func @transform_3(%arg0: i32) -> (i32, i32) {
    %c0_i32 = arith.constant 0 : i32
    %c0_i32_0 = arith.constant 0 : i32
    %c0_i32_1 = arith.constant 0 : i32
    return %c0_i32, %c0_i32_0 : i32, i32
  }
  func.func @transform_4(%arg0: i32) -> (i32, i32) {
    %c0_i32 = arith.constant 0 : i32
    %c0_i32_0 = arith.constant 0 : i32
    %c0_i32_1 = arith.constant 0 : i32
    return %c0_i32, %c0_i32_0 : i32, i32
  }
  func.func @transform_5(%arg0: i32) -> (i32, i32) {
    %c0_i32 = arith.constant 0 : i32
    %c0_i32_0 = arith.constant 0 : i32
    %c0_i32_1 = arith.constant 0 : i32
    return %c0_i32, %c0_i32_0 : i32, i32
  }
  func.func @transform_6(%arg0: i32) -> (i32, i32) {
    %c0_i32 = arith.constant 0 : i32
    %c0_i32_0 = arith.constant 0 : i32
    %c0_i32_1 = arith.constant 0 : i32
    return %c0_i32, %c0_i32_0 : i32, i32
  }
  func.func @transform_7(%arg0: i32) -> (i32, i32) {
    %c0_i32 = arith.constant 0 : i32
    %c0_i32_0 = arith.constant 0 : i32
    return %arg0, %c0_i32 : i32, i32
  }
  func.func @transform_8(%arg0: i32) -> (i32, i32) {
    %c0_i32 = arith.constant 0 : i32
    %c0_i32_0 = arith.constant 0 : i32
    return %arg0, %c0_i32 : i32, i32
  }
}

</mosaic_0001>

<sc_bundles>
// kernel: kernel.6.cloned.1.call-start
scs
__scs_entry_jumppad:
0x0: {  	(pc) =	sbr.rel $0x88, $3  }
0x1: {  	(tag) =	ssettag $0x0;
	lr =	simm.s32 $0x1  }
0x2: {  	[smem:$0x3F9B] =	sst lr;
	_ =	strace $0xD0000000  }
0x3: {  	_ = 	snop  }
0x4: {  	_ = 	snop  }
0x5: {  	_ = 	snop  }
0x6: {  	_ = 	snop  }
0x7: {  	_ = 	snop  }
__scs_overlays_trampoline_lowered:
0x8: {  	[smem:$0x3FAA] =	sst s0  }
0x9: {  	[smem:$0x3FAB] =	sst s1  }
0xa: {  	[smem:$0x3FAC] =	sst s2  }
0xb: {  	[smem:$0x3FAD] =	sst s3  }
0xc: {  	[smem:$0x3FAE] =	sst s4  }
0xd: {  	[smem:$0x3FAF] =	sst s5  }
0xe: {  	[smem:$0x3FB0] =	sst s6  }
0xf: {  	[smem:$0x3FB1] =	sst s7  }
0x10: {  	[smem:$0x3FB2] =	sst s8  }
0x11: {  	[smem:$0x3FB3] =	sst s9;
	s0 =	simm.s32 @!p0 $0x0  }
0x12: {  	s1 =	sld [smem:$0x3F99];
	s0 =	simm.s32 @p0 $0x1  }
0x13: {  	[smem:$0x3FB4] =	sst s0;
	s0 =	simm.s32 @!p1 $0x0  }
0x14: {  	s2 =	sld [smem:$0x3F98];
	s0 =	simm.s32 @p1 $0x1  }
0x15: {  	[smem:$0x3FB5] =	sst s0;
	s0 =	simm.s32 @!p2 $0x0  }
0x16: {  	s3 =	sld [smem:$0x3FDB];
	s0 =	simm.s32 @p2 $0x1  }
0x17: {  	s4 =	simm.s32 $0x1BF5;
	[smem:$0x3FB7] =	sst s0  }
0x18: {  	s0 =	sld [smem:$0x3F9A];
	_ =	swait.ge [sflag:s4], $0x0  }
0x19: {  	s7 =	sld [smem:$0x3F9B]  }
0x1a: {  	s8 =	sadd.s32 $0xFFFFE003, lr  }
0x1b: {  	s9 =	sadd.s32 $0xFFFFFEF7, lr;
	s5 =	simm.s32 $0xFFFFFFFF;
	p2 =	slt.u32 s8, $0xFFFFF086  }
0x1c: {  	p1 =	slt.u32 s9, $0xF7A;
	s5 =	simm.s32 @!p2 $0x0  }
0x1d: {  	s5 =	simm.s32 @p1 $0x1;
	p0 =	seq.s32 s7, s2  }
0x1e: {  	s7 =	smul.u32 @!p0 $0xF7A, s2;
	p2 =	seq.s32 @!p0 s5, $0x0  }
0x1f: {  	s9 =	smul.u32 $0xF7A, s1;
	s8 =	simm.s32 @!p0 $0x1BF5;
	p2 =	por !p2, p0  }
0x20: {  	[sflag:s8] =	ssyncset.s32 @!p0 $0xFFFFF086;
	s6 =	sadd.s32 @!p0 s3, s7;
	s7 =	simm.s32 @!p0 $0x108  }
0x21: {  	s3 =	sadd.s32 s3, s9;
	s6 =	sadd.s32 @!p0 $0x88, s6;
	s7 =	simm.s32 @p2 $0x1082  }
0x22: {  	[simem:s7], [sflag:s8] =	dma.local @!p0 [hbm:s6], $0xF7A  }
0x23: {  	s9 =	sor.u32 $0xD0000000, s2;
	s6 =	simm.s32 $0x108;
	_ =	swait.ge @!p0 [sflag:s8], $0x0  }
0x24: {  	s3 =	sadd.s32 $0x88, s3;
	s6 =	simm.s32 @!p1 $0x1082;
	[sflag:s4] =	ssyncset.s32 $0xFFFFF086  }
0x25: {  	[simem:s6], [sflag:s4] =	dma.local [hbm:s3], $0xF7A  }
0x26: {  	[smem:$0x3F9B] =	sst s1;
	(tag) =	ssettag s2;
	_ =	strace s9  }
0x27: {  	s1 =	sld [smem:$0x3FAB]  }
0x28: {  	s2 =	sld [smem:$0x3FAC]  }
0x29: {  	s4 =	sld [smem:$0x3FAE]  }
0x2a: {  	p0 =	seq.s32 s5, $0x0;
	s5 =	sld [smem:$0x3FAF]  }
0x2b: {  	s6 =	sld [smem:$0x3FB0]  }
0x2c: {  	s7 =	sld [smem:$0x3FB1]  }
0x2d: {  	s3 =	simm.s32 $0x108;
	s8 =	sld [smem:$0x3FB2]  }
0x2e: {  	s3 =	simm.s32 @!p0 $0x1082;
	s9 =	sld [smem:$0x3FB3]  }
0x2f: {  	lr =	sadd.s32 s0, s3;
	s0 =	sld [smem:$0x3FAA]  }
0x30: {  	s3 =	sld [smem:$0x3FAD]  }
0x31: {  	[smem:$0x3FB6] =	sst s10  }
0x32: {  	s10 =	sld [smem:$0x3FB4];
	_ =	sdelay $0x3  }
0x33: {  	p0 =	seq.s32 s10, $0x1;
	s10 =	sld [smem:$0x3FB6];
	_ =	sdelay $0x3  }
0x34: {  	[smem:$0x3FB6] =	sst s10  }
0x35: {  	s10 =	sld [smem:$0x3FB5];
	_ =	sdelay $0x3  }
0x36: {  	p1 =	seq.s32 s10, $0x1;
	s10 =	sld [smem:$0x3FB6];
	_ =	sdelay $0x3  }
0x37: {  	[smem:$0x3FB6] =	sst s10  }
0x38: {  	s10 =	sld [smem:$0x3FB7]  }
0x39: {  	_ = 	snop;
	(pc) =	sbr.ind lr, $3  }
0x3a: {  	_ = 	snop  }
0x3b: {  	_ = 	snop  }
0x3c: {  	p2 =	seq.s32 s10, $0x1;
	s10 =	sld [smem:$0x3FB6]  }
0x3d: {  	_ =	shalt  }
0x3e: {  	_ =	shalt  }
0x3f: {  	_ =	shalt  }
0x40: {  	_ =	shalt  }
0x41: {  	_ =	shalt  }
0x42: {  	_ =	shalt  }
0x43: {  	_ =	shalt  }
0x44: {  	_ =	shalt  }
0x45: {  	_ =	shalt  }
0x46: {  	_ =	shalt  }
0x47: {  	_ =	shalt  }
0x48: {  	_ =	shalt  }
0x49: {  	_ =	shalt  }
0x4a: {  	_ =	shalt  }
0x4b: {  	_ =	shalt  }
0x4c: {  	_ =	shalt  }
0x4d: {  	_ =	shalt  }
0x4e: {  	_ =	shalt  }
0x4f: {  	_ =	shalt  }
0x50: {  	_ =	shalt  }
0x51: {  	_ =	shalt  }
0x52: {  	_ =	shalt  }
0x53: {  	_ =	shalt  }
0x54: {  	_ =	shalt  }
0x55: {  	_ =	shalt  }
0x56: {  	_ =	shalt  }
0x57: {  	_ =	shalt  }
0x58: {  	_ =	shalt  }
0x59: {  	_ =	shalt  }
0x5a: {  	_ =	shalt  }
0x5b: {  	_ =	shalt  }
0x5c: {  	_ =	shalt  }
0x5d: {  	_ =	shalt  }
0x5e: {  	_ =	shalt  }
0x5f: {  	_ =	shalt  }
0x60: {  	_ =	shalt  }
0x61: {  	_ =	shalt  }
0x62: {  	_ =	shalt  }
0x63: {  	_ =	shalt  }
0x64: {  	_ =	shalt  }
0x65: {  	_ =	shalt  }
0x66: {  	_ =	shalt  }
0x67: {  	_ =	shalt  }
0x68: {  	_ =	shalt  }
0x69: {  	_ =	shalt  }
0x6a: {  	_ =	shalt  }
0x6b: {  	_ =	shalt  }
0x6c: {  	_ =	shalt  }
0x6d: {  	_ =	shalt  }
0x6e: {  	_ =	shalt  }
0x6f: {  	_ =	shalt  }
0x70: {  	_ =	shalt  }
0x71: {  	_ =	shalt  }
0x72: {  	_ =	shalt  }
0x73: {  	_ =	shalt  }
0x74: {  	_ =	shalt  }
0x75: {  	_ =	shalt  }
0x76: {  	_ =	shalt  }
0x77: {  	_ =	shalt  }
0x78: {  	_ =	shalt  }
0x79: {  	_ =	shalt  }
0x7a: {  	_ =	shalt  }
0x7b: {  	_ =	shalt  }
0x7c: {  	_ =	shalt  }
0x7d: {  	_ =	shalt  }
0x7e: {  	_ =	shalt  }
0x7f: {  	_ =	shalt  }
0x80: {  	_ =	shalt  }
0x81: {  	_ =	shalt  }
0x82: {  	_ =	shalt  }
0x83: {  	_ =	shalt  }
0x84: {  	_ =	shalt  }
0x85: {  	_ =	shalt  }
0x86: {  	_ =	shalt  }
0x87: {  	_ =	shalt  }
.Lfunc_end0:
.L_simem_size_0:
called_computation_lowered:
.L_overlay_start_0:
0x88: {  	s2 =	sld [smem:$0x3FD9]  }
0x89: {  	s3 =	sld [smem:$0x3FFE];
	_ =	sdelay $0x1  }
0x8a: {  	s1 =	srdreg.scid  }
0x8b: {  	s0 =	sand.u32 $0x1, s1  }
0x8c: {  	s15 =	sshll.u32 s0, $0xA;
	s2 =	sadd.s32 s3, s2  }
0x8d: {  	s2 =	sadd.s32 s2, s15  }
0x8e: {  	[smem:$0x3FC2] =	sst s2  }
0x8f: {  	_ = 	snop  }
0x90: {  	s2 =	sld [smem:$0x3FD0];
	_ =	sdelay $0x2  }
0x91: {  	s16 =	simm.s32 $0xA;
	s4 =	simm.s32 $0x10  }
0x92: {  	[smem:s4], [sflag:s16] =	dma.local [hbm:s2], $0x1  }
0x93: {  	_ =	swait.eq [sflag:s16], $0x1  }
0x94: {  	[sflag:s16] =	ssyncset.done $0x0  }
0x95: {  	s17 =	sld [smem:$0x10];
	[sflag:s16] =	ssyncadd.s32 $0xFFFFFFFF  }
0x96: {  	s18 =	sld [smem:$0x11];
	(tm) =	ssettm $0x1  }
0x97: {  	s19 =	sld [smem:$0x3FFB];
	_ =	sdelay $0x3  }
0x98: {  	_ =	strace s19  }
0x99: {  	s4 =	sld [smem:$0x3FFC];
	_ =	sdelay $0x3  }
0x9a: {  	_ =	strace s4  }
0x9b: {  	s4 =	sld [smem:$0x3FFD];
	_ =	sdelay $0x3  }
0x9c: {  	_ =	strace s4  }
0x9d: {  	_ =	strace $0x8FFFFFFF  }
0x9e: {  	s20 =	sld [smem:$0x3FDB];
	_ =	sdelay $0x1  }
0x9f: {  	s5 =	simm.s32 $_scs_section_size  }
0xa0: {  	s6 =	simm.s32 $_size__tile_overlayer_lowered;
	s7 =	simm.s32 $_tile_overlayer_lowered  }
0xa1: {  	s23 =	simm.s32 $0x1BFF;
	s22 =	sshll.u32 s7, $0x1;
	s4 =	sadd.s32 s5, s20  }
0xa2: {  	s8 =	simm.s32 $0x0;
	s21 =	sshll.u32 s6, $0x1;
	s6 =	sadd.s32 s22, s4  }
0xa3: {  	[timem:s8], [sflag:s23] =	dma.local [hbm:s6], s21  }
0xa4: {  	_ =	swait.ge [sflag:s23], s21  }
0xa5: {  	s5 =	ssub.s32 $0x0, s21;
	[sflag:s23] =	ssyncset.done $0x0  }
0xa6: {  	[sflag:s23] =	ssyncadd.s32 s5;
	_ =	sdelay $0x1  }
0xa7: {  	s24 =	simm.s32 $0x1B8B  }
0xa8: {  	_ =	swait.ge [sflag:s24], $0x1  }
0xa9: {  	[sflag:s24] =	ssyncset.done $0x0  }
0xaa: {  	s25 =	simm.s32 $0x1B8E;
	[sflag:s24] =	ssyncadd.s32 $0xFFFFFFFF  }
0xab: {  	s26 =	simm.s32 $execute0_lowered;
	[smem:$0x3FD2] =	sst s25  }
0xac: {  	s5 =	sshll.u32 s26, $0x1;
	_ =	strace $0x80000046;
	[dreg:$0x1] =	wrdreg $0xFFFFFFFF  }
0xad: {  	s28 =	simm.s32 $_size_execute0_lowered;
	s4 =	sadd.s32 s4, s5;
	[dreg:$0x0] =	wrdreg $0x0  }
0xae: {  	s5 =	sshll.u32 s28, $0x1;
	[dreg:$0x2] =	wrdreg s4  }
0xaf: {  	[dreg:$0x3] =	wrdreg s5  }
0xb0: {  	[dreg:$0x4] =	wrdreg $0xC0  }
0xb1: {  	_ =	task [dreg:s8], $0x5FFFF  }
0xb2: {  	[dreg:$0x1] =	wrdreg $0xFFFFFFFF  }
0xb3: {  	[dreg:$0x0] =	wrdreg $0x60  }
0xb4: {  	[dreg:$0x2] =	wrdreg s17  }
0xb5: {  	[dreg:$0x3] =	wrdreg s18  }
0xb6: {  	[dreg:$0x4] =	wrdreg $0x5000  }
0xb7: {  	[dreg:$0x5] =	wrdreg $0x9  }
0xb8: {  	_ =	task.clear_ibuf [dreg:s8], $0x6FFFF;
	_ =	strace $0x90000046  }
0xb9: {  	s29 =	simm.s32 $0x9;
	_ =	strace $0x80000048  }
0xba: {  	_ =	swait.ge [sflag:s29], $0x1  }
0xbb: {  	[sflag:s29] =	ssyncadd.s32 $0xFFFFFFFF  }
0xbc: {  	_ =	strace $0x90000048  }
0xbd: {  	_ =	sfence  }
0xbe: {  	s30 =	sld [smem:$0x0];
	_ =	sdelay $0x2  }
0xbf: {  	s31 =	sshll.u32 s1, $0xD;
	s1 =	sshrl.u32 s1, $0x2  }
0xc0: {  	s3 =	sand.u32 $0x4000, s31;
	s1 =	sadd.s32 s1, s30  }
0xc1: {  	s0 =	sor.u32 s3, s0;
	s1 =	sshll.u32 s1, $0x11  }
0xc2: {  	s0 =	sor.u32 s1, s0  }
0xc3: {  	s0 =	sadd.s32 $0x8F2B, s0  }
0xc4: {  	[sflag:s0] =	ssyncadd.remote.s32 $0x1  }
0xc5: {  	_ =	sfence.sel $0xFFFF  }
0xc6: {  	[dreg:$0x0] =	wrdreg $0xFFFFFFFF;
	(pc) =	sbr.abs _section_cstart, $3  }
0xc7: {  	[dreg:$0x1] =	wrdreg $0xFFFFFFFF  }
0xc8: {  	_ =	task.clear_ibuf [dreg:s8], $0x2FFFF;
	_ =	strace $0x9FFFFFFF  }
0xc9: {  	(tm) =	ssettm $0x7FFFFFFF  }
tec
execute0_lowered:
.L_overlay_start_1:
0x0: {  	(tag) =	ssettag $0x1  }
0x1: {  	s11 =	rddreg [dreg:$0x0]  }
0x2: {  	s9 =	rddreg [dreg:$0x1];
	s0 =	srdreg.scid  }
0x3: {  	s2 =	rddreg [dreg:$0x2];
	s1 =	stileid.u32;
	s3 =	simm.s32 $0x0  }
0x4: {  	s15 =	simm.s32 $0x100;
	s16 =	simm.s32 $0x180;
	s17 =	simm.s32 $0x200  }
0x5: {  	s18 =	simm.s32 $0x1;
	s19 =	simm.s32 $0x2;
	s20 =	simm.s32 $0x3  }
0x6: {  	s21 =	simm.s32 $0x4;
	s22 =	simm.s32 $0x0;
	s8 =	smul.u32 $0x280, s1  }
0x7: {  	s4 =	sand.u32 $0x1, s0;
	s0 =	rddreg [dreg:$0x3];
	s13 =	smul.u32 $0x2780, s1  }
0x8: {  	[smem:$0x7FF] =	sst s3;
	s5 =	sshll.u32 s4, $0x4;
	s10 =	smul.u32 $0x2800, s4  }
0x9: {  	s6 =	ssub.s32 $0x2, s4;
	s12 =	smul.u32 $0x27800, s4;
	s5 =	sor.u32 s1, s5  }
0xa: {  	_ =	strace $0x80000047;
	s7 =	sshrl.u32 s6, $0x1;
	s5 =	smul.u32 $0x2780, s5  }
0xb: {  	s14 =	ssub.s32 s6, s7;
	s10 =	sadd.s32 s8, s10;
	s12 =	sadd.s32 s13, s12  }
0xc: {  	s13 =	simm.s32 $0x9;
	s10 =	sshrl.u32 s10, $0x3;
	s12 =	sadd.s32 $0x180, s12  }
0xd: {  	s5 =	sshrl.u32 s5, $0x3;
	s9 =	sadd.s32 s9, s10;
	s10 =	smax.u32 s14, $0x1  }
0xe: {  	s12 =	sshrl.u32 s12, $0x3;
	s14 =	simm.s32 $0x80;
	s4 =	sadd.s32 s11, s5  }
0xf: {  	s5 =	sadd.s32 s8, s2;
	s11 =	sadd.s32 s12, s11;
	s12 =	simm.s32 $0x280  }
0x10: {  	v0 =	vimm.f32 $1.000000000e+00;
	v1 =	vimm.f32 $0.0e+00;
	s6 =	sadd.s32 $0x10, s4;
	s7 =	sadd.s32 $0x20, s4;
	s8 =	sadd.s32 $0x30, s4  }
.LBB2_1:
0x11: {  	[tilespmem:$0x200] =	vst v0  }
0x12: {  	[tilespmem:$0x210] =	vst v0  }
0x13: {  	[tilespmem:$0x220] =	vst v0  }
0x14: {  	[tilespmem:$0x230] =	vst v0  }
0x15: {  	[tilespmem:$0x240] =	vst v0  }
0x16: {  	[tilespmem:$0x250] =	vst v0  }
0x17: {  	[tilespmem:$0x260] =	vst v0  }
0x18: {  	[tilespmem:$0x270] =	vst v0  }
0x19: {  	[tilespmem:$0x280] =	vst v1  }
0x1a: {  	[tilespmem:$0x290] =	vst v1  }
0x1b: {  	[tilespmem:$0x2A0] =	vst v1  }
0x1c: {  	[tilespmem:$0x2B0] =	vst v1  }
0x1d: {  	[tilespmem:$0x2C0] =	vst v1  }
0x1e: {  	[tilespmem:$0x2D0] =	vst v1  }
0x1f: {  	[tilespmem:$0x2E0] =	vst v1  }
0x20: {  	[tilespmem:$0x2F0] =	vst v1  }
0x21: {  	[tilespmem:$0x300] =	vst v1  }
0x22: {  	[tilespmem:$0x310] =	vst v1  }
0x23: {  	[tilespmem:$0x320] =	vst v1  }
0x24: {  	[tilespmem:$0x330] =	vst v1  }
0x25: {  	[tilespmem:$0x340] =	vst v1  }
0x26: {  	[tilespmem:$0x350] =	vst v1  }
0x27: {  	[tilespmem:$0x360] =	vst v1  }
0x28: {  	[tilespmem:$0x370] =	vst v1  }
0x29: {  	[tilespmem:$0x380] =	vst v1  }
0x2a: {  	[tilespmem:$0x390] =	vst v1  }
0x2b: {  	[tilespmem:$0x3A0] =	vst v1  }
0x2c: {  	[tilespmem:$0x3B0] =	vst v1  }
0x2d: {  	[tilespmem:$0x3C0] =	vst v1  }
0x2e: {  	[tilespmem:$0x3D0] =	vst v1  }
0x2f: {  	[tilespmem:$0x3E0] =	vst v1  }
0x30: {  	[tilespmem:$0x3F0] =	vst v1  }
0x31: {  	[tilespmem:$0x400] =	vst v1  }
0x32: {  	[tilespmem:$0x410] =	vst v1  }
0x33: {  	[tilespmem:$0x420] =	vst v1  }
0x34: {  	[tilespmem:$0x430] =	vst v1  }
0x35: {  	[tilespmem:$0x440] =	vst v1  }
0x36: {  	[tilespmem:$0x450] =	vst v1  }
0x37: {  	[tilespmem:$0x460] =	vst v1  }
0x38: {  	[tilespmem:$0x470] =	vst v1  }
0x39: {  	[tilespmem:$0x480] =	vst v1  }
0x3a: {  	[tilespmem:$0x490] =	vst v1  }
0x3b: {  	[tilespmem:$0x4A0] =	vst v1  }
0x3c: {  	[tilespmem:$0x4B0] =	vst v1  }
0x3d: {  	[tilespmem:$0x4C0] =	vst v1  }
0x3e: {  	[tilespmem:$0x4D0] =	vst v1  }
0x3f: {  	[tilespmem:$0x4E0] =	vst v1  }
0x40: {  	[tilespmem:$0x4F0] =	vst v1  }
0x41: {  	[spmem:s5] =	stream.linear.scatter [tilespmem:s12], [sflag:$0x9], $0x280, $0x38;
	[tilespmem:$0x780] =	vst v63  }
0x42: {  	_ =	swait.ge [sflag:s13], $0x280  }
0x43: {  	[sflag:s13] =	ssyncset.done $0x0  }
0x44: {  	[sflag:s13] =	ssyncadd.s32 $0xFFFFFD80  }
0x45: {  	[bflag:$0x0] =	sbarrier.arrive $0xFFFF  }
0x46: {  	[tilespmem:s3], [sflag:$0x5] =	stream.linear.gather [hbm4b:s4+s3], $0x80, $0x38;
	[tilespmem:$0x780] =	vst v63  }
0x47: {  	s23 =	simm.s32 $0x0  }
0x48: {  	[tilespmem:s14], [sflag:$0x6] =	stream.linear.gather [hbm4b:s6+s3], $0x80, $0x38;
	[tilespmem:$0x780] =	vst v63  }
0x49: {  	s23 =	sand.u32 $0x3, s23  }
0x4a: {  	[tilespmem:s15], [sflag:$0x7] =	stream.linear.gather [hbm4b:s7+s3], $0x80, $0x38;
	[tilespmem:$0x780] =	vst v63  }
0x4b: {  	s24 =	sadd.s32 $0x5, s23  }
0x4c: {  	[tilespmem:s16], [sflag:$0x8] =	stream.linear.gather [hbm4b:s8+s3], $0x80, $0x38;
	[tilespmem:$0x780] =	vst v63  }
0x4d: {  	p0 =	por $0x1, $0x1;
	_ =	swait.ge [sflag:s24], $0x80  }
0x4e: {  	s26 =	simm.s32 @!p0 $0x3;
	s25 =	sadd.s32 $0x1, s23;
	[sflag:s24] =	ssyncset.done $0x0  }
0x4f: {  	s23 =	sshll.u32 s23, $0x7;
	[sflag:s24] =	ssyncadd.s32 $0xFFFFFF80;
	s24 =	sand.u32 @!p0 $0x3, s26  }
0x50: {  	[spmem:s2] =	stream.indirect.scatter.add.f32 [tilespmem:s17], [sflag:s25], $0x1, s23, s14, $0xb8;
	[tilespmem:$0x780] =	vst v63  }
0x51: {  	s25 =	sadd.s32 @!p0 $0x1, s24  }
0x52: {  	s26 =	sshll.u32 @!p0 s24, $0x7;
	_ =	swait.ge @!p0 [sflag:s25], $0x80  }
0x53: {  	s23 =	simm.s32 $0x1;
	s24 =	sadd.s32 @!p0 $0x5, s24;
	[sflag:s25] =	ssyncset.done @!p0 $0x0  }
0x54: {  	s28 =	sand.u32 $0x3, s23;
	[sflag:s25] =	ssyncadd.s32 @!p0 $0xFFFFFF80;
	s25 =	simm.s32 @!p0 $0x0  }
0x55: {  	[tilespmem:s26], [sflag:s24] =	stream.linear.gather @!p0 [hbm4b:s11+s25], $0x80, $0x38;
	[tilespmem:$0x780] =	vst v63  }
0x56: {  	s29 =	sadd.s32 $0x5, s28;
	p0 =	por $0x0, $0x0  }
0x57: {  	_ =	swait.ge [sflag:s29], $0x80;
	s25 =	simm.s32 @!p0 $0x4  }
0x58: {  	s30 =	sadd.s32 $0x1, s28;
	[sflag:s29] =	ssyncset.done $0x0;
	s24 =	sand.u32 @!p0 $0x3, s25  }
0x59: {  	s31 =	sshll.u32 s28, $0x7;
	[sflag:s29] =	ssyncadd.s32 $0xFFFFFF80;
	s28 =	sadd.s32 @!p0 $0x1, s24  }
0x5a: {  	s25 =	sshll.u32 @!p0 s24, $0x7;
	s26 =	sadd.s32 @!p0 $0x5, s24;
	s24 =	smov.u32 s11  }
0x5b: {  	[spmem:s2] =	stream.indirect.scatter.add.f32 [tilespmem:s17], [sflag:s30], $0x1, s31, s14, $0xb8;
	[tilespmem:$0x780] =	vst v63  }
.LBB2_2:
0x5c: {  	_ =	swait.ge @!p0 [sflag:s28], $0x80  }
0x5d: {  	s24 =	sadd.s32 $0x10, s24;
	s29 =	smov.u32 s23;
	s23 =	sadd.s32 $0x1, s23  }
0x5e: {  	s30 =	sand.u32 $0x3, s23;
	p1 =	sne.s32 s23, $0x4E;
	[sflag:s28] =	ssyncset.done @!p0 $0x0  }
0x5f: {  	s31 =	sadd.s32 $0x5, s30;
	[sflag:s28] =	ssyncadd.s32 @!p0 $0xFFFFFF80;
	s28 =	simm.s32 @!p0 $0x0  }
0x60: {  	[tilespmem:s25], [sflag:s26] =	stream.linear.gather @!p0 [hbm4b:s24+s28], $0x80, $0x38;
	[tilespmem:$0x780] =	vst v63  }
.Ltmp0:
0x61: {  	p0 =	sgt.u32 s29, $0x4A;
	_ =	swait.ge [sflag:s31], $0x80;
	(pc) =	sbr.rel @p1 .LBB2_2-.Ltmp0, $4  }
0x62: {  	s25 =	sadd.s32 $0x1, s30;
	s26 =	sadd.s32 @!p0 $0x4, s29;
	[sflag:s31] =	ssyncset.done $0x0  }
0x63: {  	s28 =	sshll.u32 s30, $0x7;
	s26 =	sand.u32 @!p0 $0x3, s26;
	[sflag:s31] =	ssyncadd.s32 $0xFFFFFF80  }
0x64: {  	[spmem:s2] =	stream.indirect.scatter.add.f32 [tilespmem:s17], [sflag:s25], $0x1, s28, s14, $0xb8;
	[tilespmem:$0x780] =	vst v63  }
0x65: {  	s28 =	sadd.s32 @!p0 $0x1, s26;
	s25 =	sshll.u32 @!p0 s26, $0x7;
	s26 =	sadd.s32 @!p0 $0x5, s26  }
0x66: {  	_ =	swait.ge @!p0 [sflag:s28], $0x80  }
0x67: {  	[sflag:s28] =	ssyncset.done @!p0 $0x0  }
0x68: {  	s23 =	sadd.s32 $0x10, s24;
	s24 =	simm.s32 @!p0 $0x0;
	[sflag:s28] =	ssyncadd.s32 @!p0 $0xFFFFFF80  }
0x69: {  	[tilespmem:s25], [sflag:s26] =	stream.linear.gather @!p0 [hbm4b:s23+s24], $0x80, $0x38;
	[tilespmem:$0x780] =	vst v63  }
0x6a: {  	_ =	swait.ge [sflag:s18], $0x80  }
0x6b: {  	[sflag:s18] =	ssyncset.done $0x0  }
0x6c: {  	[sflag:s18] =	ssyncadd.s32 $0xFFFFFF80  }
0x6d: {  	_ =	swait.ge [sflag:s19], $0x80  }
0x6e: {  	[sflag:s19] =	ssyncset.done $0x0  }
0x6f: {  	[sflag:s19] =	ssyncadd.s32 $0xFFFFFF80  }
0x70: {  	_ =	swait.ge [sflag:s20], $0x80  }
0x71: {  	[sflag:s20] =	ssyncset.done $0x0  }
0x72: {  	[sflag:s20] =	ssyncadd.s32 $0xFFFFFF80  }
0x73: {  	_ =	swait.ge [sflag:s21], $0x80  }
0x74: {  	[sflag:s21] =	ssyncset.done $0x0  }
0x75: {  	[sflag:s21] =	ssyncadd.s32 $0xFFFFFF80  }
0x76: {  	[bflag:$0x0] =	sbarrier.arrive $0xFFFF  }
0x77: {  	[tilespmem:s12], [sflag:$0x9] =	stream.linear.gather [spmem:s5], $0x280, $0x38;
	[tilespmem:$0x780] =	vst v63  }
0x78: {  	s22 =	sadd.s32 $0x1, s22;
	_ =	swait.ge [sflag:s13], $0x280  }
0x79: {  	p0 =	sne.s32 s22, s10;
	[sflag:s13] =	ssyncset.done $0x0  }
.Ltmp1:
0x7a: {  	[sflag:s13] =	ssyncadd.s32 $0xFFFFFD80;
	(pc) =	sbr.rel @p0 .LBB2_1-.Ltmp1, $4  }
0x7b: {  	[hbm4b:s9+s3] =	stream.linear.scatter [tilespmem:s12], [sflag:$0x9], $0x280, $0x38;
	[tilespmem:$0x780] =	vst v63  }
0x7c: {  	_ =	swait.ge [sflag:s13], $0x280  }
0x7d: {  	[sflag:s13] =	ssyncset.done $0x0  }
0x7e: {  	[sflag:s13] =	ssyncadd.s32 $0xFFFFFD80  }
0x7f: {  	_ =	sfence.sel $0x180000  }
0x80: {  	[bflag:$0x0] =	sbarrier.arrive $0xFFFF  }
0x81: {  	p0 =	sne.s32 s1, $0x0;
	_ =	strace $0x90000047  }
0x82: {  	s0 =	sadd.s32 @!p0 $0x100000, s0;
	[bflag:$0x2] =	sbarrier.arrive $0xFFFF  }
0x83: {  	[sflag:s0] =	ssyncadd.tile.s32 @!p0 $0x1;
	_ =	shalt  }
.Lfunc_end2:
_tile_overlayer_lowered:
.L_overlay_start_2:
0x84: {  	(tag) =	ssettag $0x2  }
0x85: {  	s0 =	rddreg [dreg:$0x0];
	s2 =	stileid.u32  }
0x86: {  	s1 =	rddreg [dreg:$0x1];
	p0 =	sne.s32 s2, $0x0  }
0x87: {  	s3 =	rddreg [dreg:$0x2];
	[bflag:$0x3] =	sbarrier.arrive $0xFFFF;
	s2 =	simm.s32 @!p0 $0x1C09  }
0x88: {  	[timem:s3], [sflag:s2] =	dma.local @!p0 [hbm:s0], s1  }
0x89: {  	s0 =	simm.s32 @!p0 $0x9  }
0x8a: {  	_ =	swait.ge @!p0 [sflag:s0], s1  }
0x8b: {  	s1 =	ssub.s32 @!p0 $0x0, s1;
	[sflag:s0] =	ssyncset.done @!p0 $0x0  }
0x8c: {  	[sflag:s0] =	ssyncadd.s32 @!p0 s1  }
0x8d: {  	[bflag:$0x3] =	sbarrier.arrive $0xFFFF  }
0x8e: {  	_ =	shalt  }

// kernel: kernel.9.cloned.1.call-start
scs
__scs_entry_jumppad:
0x0: {  	(pc) =	sbr.rel $0x88, $3  }
0x1: {  	(tag) =	ssettag $0x0;
	lr =	simm.s32 $0x1  }
0x2: {  	[smem:$0x3F9B] =	sst lr;
	_ =	strace $0xD0000000  }
0x3: {  	_ = 	snop  }
0x4: {  	_ = 	snop  }
0x5: {  	_ = 	snop  }
0x6: {  	_ = 	snop  }
0x7: {  	_ = 	snop  }
__scs_overlays_trampoline_lowered:
0x8: {  	[smem:$0x3FAA] =	sst s0  }
0x9: {  	[smem:$0x3FAB] =	sst s1  }
0xa: {  	[smem:$0x3FAC] =	sst s2  }
0xb: {  	[smem:$0x3FAD] =	sst s3  }
0xc: {  	[smem:$0x3FAE] =	sst s4  }
0xd: {  	[smem:$0x3FAF] =	sst s5  }
0xe: {  	[smem:$0x3FB0] =	sst s6  }
0xf: {  	[smem:$0x3FB1] =	sst s7  }
0x10: {  	[smem:$0x3FB2] =	sst s8  }
0x11: {  	[smem:$0x3FB3] =	sst s9;
	s0 =	simm.s32 @!p0 $0x0  }
0x12: {  	s1 =	sld [smem:$0x3F99];
	s0 =	simm.s32 @p0 $0x1  }
0x13: {  	[smem:$0x3FB4] =	sst s0;
	s0 =	simm.s32 @!p1 $0x0  }
0x14: {  	s2 =	sld [smem:$0x3F98];
	s0 =	simm.s32 @p1 $0x1  }
0x15: {  	[smem:$0x3FB5] =	sst s0;
	s0 =	simm.s32 @!p2 $0x0  }
0x16: {  	s3 =	sld [smem:$0x3FDB];
	s0 =	simm.s32 @p2 $0x1  }
0x17: {  	s4 =	simm.s32 $0x1BF5;
	[smem:$0x3FB7] =	sst s0  }
0x18: {  	s0 =	sld [smem:$0x3F9A];
	_ =	swait.ge [sflag:s4], $0x0  }
0x19: {  	s7 =	sld [smem:$0x3F9B]  }
0x1a: {  	s8 =	sadd.s32 $0xFFFFE003, lr  }
0x1b: {  	s9 =	sadd.s32 $0xFFFFFEF7, lr;
	s5 =	simm.s32 $0xFFFFFFFF;
	p2 =	slt.u32 s8, $0xFFFFF086  }
0x1c: {  	p1 =	slt.u32 s9, $0xF7A;
	s5 =	simm.s32 @!p2 $0x0  }
0x1d: {  	s5 =	simm.s32 @p1 $0x1;
	p0 =	seq.s32 s7, s2  }
0x1e: {  	s7 =	smul.u32 @!p0 $0xF7A, s2;
	p2 =	seq.s32 @!p0 s5, $0x0  }
0x1f: {  	s9 =	smul.u32 $0xF7A, s1;
	s8 =	simm.s32 @!p0 $0x1BF5;
	p2 =	por !p2, p0  }
0x20: {  	[sflag:s8] =	ssyncset.s32 @!p0 $0xFFFFF086;
	s6 =	sadd.s32 @!p0 s3, s7;
	s7 =	simm.s32 @!p0 $0x108  }
0x21: {  	s3 =	sadd.s32 s3, s9;
	s6 =	sadd.s32 @!p0 $0x88, s6;
	s7 =	simm.s32 @p2 $0x1082  }
0x22: {  	[simem:s7], [sflag:s8] =	dma.local @!p0 [hbm:s6], $0xF7A  }
0x23: {  	s9 =	sor.u32 $0xD0000000, s2;
	s6 =	simm.s32 $0x108;
	_ =	swait.ge @!p0 [sflag:s8], $0x0  }
0x24: {  	s3 =	sadd.s32 $0x88, s3;
	s6 =	simm.s32 @!p1 $0x1082;
	[sflag:s4] =	ssyncset.s32 $0xFFFFF086  }
0x25: {  	[simem:s6], [sflag:s4] =	dma.local [hbm:s3], $0xF7A  }
0x26: {  	[smem:$0x3F9B] =	sst s1;
	(tag) =	ssettag s2;
	_ =	strace s9  }
0x27: {  	s1 =	sld [smem:$0x3FAB]  }
0x28: {  	s2 =	sld [smem:$0x3FAC]  }
0x29: {  	s4 =	sld [smem:$0x3FAE]  }
0x2a: {  	p0 =	seq.s32 s5, $0x0;
	s5 =	sld [smem:$0x3FAF]  }
0x2b: {  	s6 =	sld [smem:$0x3FB0]  }
0x2c: {  	s7 =	sld [smem:$0x3FB1]  }
0x2d: {  	s3 =	simm.s32 $0x108;
	s8 =	sld [smem:$0x3FB2]  }
0x2e: {  	s3 =	simm.s32 @!p0 $0x1082;
	s9 =	sld [smem:$0x3FB3]  }
0x2f: {  	lr =	sadd.s32 s0, s3;
	s0 =	sld [smem:$0x3FAA]  }
0x30: {  	s3 =	sld [smem:$0x3FAD]  }
0x31: {  	[smem:$0x3FB6] =	sst s10  }
0x32: {  	s10 =	sld [smem:$0x3FB4];
	_ =	sdelay $0x3  }
0x33: {  	p0 =	seq.s32 s10, $0x1;
	s10 =	sld [smem:$0x3FB6];
	_ =	sdelay $0x3  }
0x34: {  	[smem:$0x3FB6] =	sst s10  }
0x35: {  	s10 =	sld [smem:$0x3FB5];
	_ =	sdelay $0x3  }
0x36: {  	p1 =	seq.s32 s10, $0x1;
	s10 =	sld [smem:$0x3FB6];
	_ =	sdelay $0x3  }
0x37: {  	[smem:$0x3FB6] =	sst s10  }
0x38: {  	s10 =	sld [smem:$0x3FB7]  }
0x39: {  	_ = 	snop;
	(pc) =	sbr.ind lr, $3  }
0x3a: {  	_ = 	snop  }
0x3b: {  	_ = 	snop  }
0x3c: {  	p2 =	seq.s32 s10, $0x1;
	s10 =	sld [smem:$0x3FB6]  }
0x3d: {  	_ =	shalt  }
0x3e: {  	_ =	shalt  }
0x3f: {  	_ =	shalt  }
0x40: {  	_ =	shalt  }
0x41: {  	_ =	shalt  }
0x42: {  	_ =	shalt  }
0x43: {  	_ =	shalt  }
0x44: {  	_ =	shalt  }
0x45: {  	_ =	shalt  }
0x46: {  	_ =	shalt  }
0x47: {  	_ =	shalt  }
0x48: {  	_ =	shalt  }
0x49: {  	_ =	shalt  }
0x4a: {  	_ =	shalt  }
0x4b: {  	_ =	shalt  }
0x4c: {  	_ =	shalt  }
0x4d: {  	_ =	shalt  }
0x4e: {  	_ =	shalt  }
0x4f: {  	_ =	shalt  }
0x50: {  	_ =	shalt  }
0x51: {  	_ =	shalt  }
0x52: {  	_ =	shalt  }
0x53: {  	_ =	shalt  }
0x54: {  	_ =	shalt  }
0x55: {  	_ =	shalt  }
0x56: {  	_ =	shalt  }
0x57: {  	_ =	shalt  }
0x58: {  	_ =	shalt  }
0x59: {  	_ =	shalt  }
0x5a: {  	_ =	shalt  }
0x5b: {  	_ =	shalt  }
0x5c: {  	_ =	shalt  }
0x5d: {  	_ =	shalt  }
0x5e: {  	_ =	shalt  }
0x5f: {  	_ =	shalt  }
0x60: {  	_ =	shalt  }
0x61: {  	_ =	shalt  }
0x62: {  	_ =	shalt  }
0x63: {  	_ =	shalt  }
0x64: {  	_ =	shalt  }
0x65: {  	_ =	shalt  }
0x66: {  	_ =	shalt  }
0x67: {  	_ =	shalt  }
0x68: {  	_ =	shalt  }
0x69: {  	_ =	shalt  }
0x6a: {  	_ =	shalt  }
0x6b: {  	_ =	shalt  }
0x6c: {  	_ =	shalt  }
0x6d: {  	_ =	shalt  }
0x6e: {  	_ =	shalt  }
0x6f: {  	_ =	shalt  }
0x70: {  	_ =	shalt  }
0x71: {  	_ =	shalt  }
0x72: {  	_ =	shalt  }
0x73: {  	_ =	shalt  }
0x74: {  	_ =	shalt  }
0x75: {  	_ =	shalt  }
0x76: {  	_ =	shalt  }
0x77: {  	_ =	shalt  }
0x78: {  	_ =	shalt  }
0x79: {  	_ =	shalt  }
0x7a: {  	_ =	shalt  }
0x7b: {  	_ =	shalt  }
0x7c: {  	_ =	shalt  }
0x7d: {  	_ =	shalt  }
0x7e: {  	_ =	shalt  }
0x7f: {  	_ =	shalt  }
0x80: {  	_ =	shalt  }
0x81: {  	_ =	shalt  }
0x82: {  	_ =	shalt  }
0x83: {  	_ =	shalt  }
0x84: {  	_ =	shalt  }
0x85: {  	_ =	shalt  }
0x86: {  	_ =	shalt  }
0x87: {  	_ =	shalt  }
.Lfunc_end0:
.L_simem_size_0:
called_computation.1_lowered:
.L_overlay_start_0:
0x88: {  	s2 =	sld [smem:$0x3FD9]  }
0x89: {  	s3 =	sld [smem:$0x3FFE];
	_ =	sdelay $0x1  }
0x8a: {  	s1 =	srdreg.scid  }
0x8b: {  	s0 =	sand.u32 $0x1, s1  }
0x8c: {  	s14 =	sshll.u32 s0, $0xA;
	s2 =	sadd.s32 s3, s2  }
0x8d: {  	s2 =	sadd.s32 s2, s14  }
0x8e: {  	[smem:$0x3FC2] =	sst s2  }
0x8f: {  	_ = 	snop  }
0x90: {  	s2 =	sld [smem:$0x3FD0];
	_ =	sdelay $0x2  }
0x91: {  	s15 =	simm.s32 $0xA;
	s4 =	simm.s32 $0x10  }
0x92: {  	[smem:s4], [sflag:s15] =	dma.local [hbm:s2], $0x1  }
0x93: {  	_ =	swait.eq [sflag:s15], $0x1  }
0x94: {  	[sflag:s15] =	ssyncset.done $0x0  }
0x95: {  	s16 =	sld [smem:$0x10];
	[sflag:s15] =	ssyncadd.s32 $0xFFFFFFFF  }
0x96: {  	s17 =	sld [smem:$0x11];
	(tm) =	ssettm $0x1  }
0x97: {  	s18 =	sld [smem:$0x3FFB];
	_ =	sdelay $0x3  }
0x98: {  	_ =	strace s18  }
0x99: {  	s4 =	sld [smem:$0x3FFC];
	_ =	sdelay $0x3  }
0x9a: {  	_ =	strace s4  }
0x9b: {  	s4 =	sld [smem:$0x3FFD];
	_ =	sdelay $0x3  }
0x9c: {  	_ =	strace s4  }
0x9d: {  	_ =	strace $0x8FFFFFFF  }
0x9e: {  	s19 =	sld [smem:$0x3FDB];
	_ =	sdelay $0x1  }
0x9f: {  	s5 =	simm.s32 $_scs_section_size  }
0xa0: {  	s6 =	simm.s32 $_size__tile_overlayer_lowered;
	s7 =	simm.s32 $_tile_overlayer_lowered  }
0xa1: {  	s22 =	simm.s32 $0x1BFF;
	s21 =	sshll.u32 s7, $0x1;
	s4 =	sadd.s32 s5, s19  }
0xa2: {  	s8 =	simm.s32 $0x0;
	s20 =	sshll.u32 s6, $0x1;
	s6 =	sadd.s32 s21, s4  }
0xa3: {  	[timem:s8], [sflag:s22] =	dma.local [hbm:s6], s20  }
0xa4: {  	_ =	swait.ge [sflag:s22], s20  }
0xa5: {  	s5 =	ssub.s32 $0x0, s20;
	[sflag:s22] =	ssyncset.done $0x0  }
0xa6: {  	[sflag:s22] =	ssyncadd.s32 s5;
	_ =	sdelay $0x1  }
0xa7: {  	s23 =	simm.s32 $0x1B8B  }
0xa8: {  	_ =	swait.ge [sflag:s23], $0x1  }
0xa9: {  	[sflag:s23] =	ssyncset.done $0x0  }
0xaa: {  	s25 =	simm.s32 $0x1B8E;
	s24 =	sld [smem:$0x3FFE];
	[sflag:s23] =	ssyncadd.s32 $0xFFFFFFFF  }
0xab: {  	s26 =	simm.s32 $execute0_lowered;
	[smem:$0x3FD2] =	sst s25  }
0xac: {  	s6 =	sshll.u32 s26, $0x1;
	_ =	strace $0x80000049;
	[dreg:$0x1] =	wrdreg $0xFFFFFFFF  }
0xad: {  	s28 =	simm.s32 $_size_execute0_lowered;
	s4 =	sadd.s32 s4, s6;
	[dreg:$0x0] =	wrdreg $0x0  }
0xae: {  	s6 =	sshll.u32 s28, $0x1;
	[dreg:$0x2] =	wrdreg s4  }
0xaf: {  	[dreg:$0x3] =	wrdreg s6  }
0xb0: {  	[dreg:$0x4] =	wrdreg $0xC0  }
0xb1: {  	_ =	task [dreg:s8], $0x5FFFF  }
0xb2: {  	[dreg:$0x1] =	wrdreg $0xFFFFFFFF  }
0xb3: {  	[dreg:$0x0] =	wrdreg $0x60  }
0xb4: {  	[dreg:$0x2] =	wrdreg s17  }
0xb5: {  	[dreg:$0x3] =	wrdreg s24  }
0xb6: {  	[dreg:$0x4] =	wrdreg s16  }
0xb7: {  	[dreg:$0x5] =	wrdreg $0xC4000  }
0xb8: {  	[dreg:$0x6] =	wrdreg $0x9  }
0xb9: {  	_ =	task.clear_ibuf [dreg:s8], $0x7FFFF;
	_ =	strace $0x90000049  }
0xba: {  	s29 =	simm.s32 $0x9;
	_ =	strace $0x8000004B  }
0xbb: {  	_ =	swait.ge [sflag:s29], $0x1  }
0xbc: {  	[sflag:s29] =	ssyncadd.s32 $0xFFFFFFFF  }
0xbd: {  	_ =	strace $0x9000004B  }
0xbe: {  	_ =	sfence  }
0xbf: {  	s30 =	sld [smem:$0x0];
	_ =	sdelay $0x2  }
0xc0: {  	s31 =	sshll.u32 s1, $0xD;
	s1 =	sshrl.u32 s1, $0x2  }
0xc1: {  	s3 =	sand.u32 $0x4000, s31;
	s1 =	sadd.s32 s1, s30  }
0xc2: {  	s0 =	sor.u32 s3, s0;
	s1 =	sshll.u32 s1, $0x11  }
0xc3: {  	s0 =	sor.u32 s1, s0  }
0xc4: {  	s0 =	sadd.s32 $0x8F2B, s0  }
0xc5: {  	[sflag:s0] =	ssyncadd.remote.s32 $0x1  }
0xc6: {  	_ =	sfence.sel $0xFFFF  }
0xc7: {  	[dreg:$0x0] =	wrdreg $0xFFFFFFFF;
	(pc) =	sbr.abs _section_cstart, $3  }
0xc8: {  	[dreg:$0x1] =	wrdreg $0xFFFFFFFF  }
0xc9: {  	_ =	task.clear_ibuf [dreg:s8], $0x2FFFF;
	_ =	strace $0x9FFFFFFF  }
0xca: {  	(tm) =	ssettm $0x7FFFFFFF  }
0xcb: {  	_ =	shalt  }
tec
execute0_lowered:
.L_overlay_start_1:
0x0: {  	(tag) =	ssettag $0x1  }
0x1: {  	s1 =	rddreg [dreg:$0x0]  }
0x2: {  	s0 =	rddreg [dreg:$0x1]  }
0x3: {  	s2 =	rddreg [dreg:$0x2]  }
0x4: {  	s3 =	rddreg [dreg:$0x3]  }
0x5: {  	s5 =	srdreg.scid;
	s4 =	simm.s32 $0x0;
	s8 =	stileid.u32  }
0x6: {  	s28 =	simm.s32 $0x80;
	s29 =	simm.s32 $0x2;
	s6 =	smul.u32 $0x4F000, s8  }
0x7: {  	s10 =	sand.u32 $0x1, s5;
	[smem:$0x7FF] =	sst s4;
	s11 =	smul.u32 $0x13C00, s8  }
0x8: {  	s12 =	sadd.s32 $0x2000, s0;
	s0 =	sadd.s32 $0xBE00, s0;
	s5 =	ssub.s32 $0x2, s10  }
0x9: {  	_ =	strace $0x8000004A;
	s19 =	sshll.u32 s10, $0x4;
	s7 =	sshrl.u32 s5, $0x1  }
0xa: {  	s6 =	sshrl.u32 s6, $0x2;
	s14 =	sadd.s32 $0x4000, s11;
	s20 =	sor.u32 s8, s19  }
0xb: {  	s15 =	sadd.s32 $0x8000, s11;
	s16 =	sadd.s32 $0xC000, s11;
	s19 =	smul.u32 $0x13C000, s10  }
0xc: {  	s18 =	sadd.s32 $0x10000, s11;
	s10 =	smul.u32 $0x27800, s10;
	s13 =	ssub.s32 s5, s7  }
0xd: {  	s5 =	sadd.s32 s6, s3;
	s6 =	sadd.s32 s14, s3;
	s17 =	smul.u32 $0x2780, s20  }
0xe: {  	s7 =	sadd.s32 s15, s3;
	s9 =	sadd.s32 s16, s3;
	[dreg:$0x5] =	wrdreg s6  }
0xf: {  	s22 =	sadd.s32 s18, s3;
	s11 =	sadd.s32 s11, s19;
	[dreg:$0x6] =	wrdreg s7  }
0x10: {  	s14 =	sadd.s32 s19, s14;
	[dreg:$0x7] =	wrdreg s9;
	s17 =	sshrl.u32 s17, $0x3  }
0x11: {  	s15 =	sadd.s32 s19, s15;
	[dreg:$0x8] =	wrdreg s22;
	s20 =	sadd.s32 s12, s17  }
0x12: {  	s11 =	sshrl.u32 s11, $0x3;
	s21 =	sadd.s32 s2, s17;
	[dreg:$0x9] =	wrdreg s20  }
0x13: {  	s23 =	sadd.s32 $0x10, s17;
	s11 =	sadd.s32 s0, s11;
	[dreg:$0xa] =	wrdreg s21  }
0x14: {  	s16 =	sadd.s32 s19, s16;
	s24 =	sadd.s32 s12, s23;
	[dreg:$0xf] =	wrdreg s11  }
0x15: {  	s17 =	sadd.s32 $0x20, s17;
	s25 =	sadd.s32 s2, s23;
	[dreg:$0xb] =	wrdreg s24  }
0x16: {  	s18 =	sadd.s32 s19, s18;
	s26 =	sadd.s32 s12, s17;
	[dreg:$0xc] =	wrdreg s25  }
0x17: {  	s14 =	sshrl.u32 s14, $0x3;
	s30 =	sadd.s32 s2, s17;
	[dreg:$0xd] =	wrdreg s26  }
0x18: {  	s19 =	sshrl.u32 s15, $0x3;
	s17 =	sadd.s32 s0, s14;
	[dreg:$0xe] =	wrdreg s30  }
0x19: {  	s21 =	smul.u32 $0x2780, s8;
	s20 =	sadd.s32 s0, s19;
	[dreg:$0x10] =	wrdreg s17  }
0x1a: {  	s31 =	simm.s32 $0x0;
	[dreg:$0x11] =	wrdreg s20;
	s24 =	sshrl.u32 s18, $0x3  }
0x1b: {  	s25 =	smax.u32 s13, $0x1;
	s10 =	sadd.s32 s21, s10;
	s21 =	sshrl.u32 s16, $0x3  }
0x1c: {  	[dreg:$0x14] =	wrdreg s25;
	s10 =	sadd.s32 $0x180, s10;
	s23 =	sadd.s32 s0, s21  }
0x1d: {  	s0 =	sadd.s32 s0, s24;
	[dreg:$0x12] =	wrdreg s23;
	s10 =	sshrl.u32 s10, $0x3  }
0x1e: {  	s25 =	simm.s32 $0x7;
	[dreg:$0x13] =	wrdreg s0;
	s26 =	sadd.s32 s10, s2  }
0x1f: {  	s24 =	simm.s32 $0x400;
	s30 =	sadd.s32 s10, s12;
	[dreg:$0x15] =	wrdreg s26  }
0x20: {  	v0 =	vimm.f32 $0.0e+00;
	s0 =	simm.s32 $0x1;
	s2 =	simm.s32 $0x20;
	[dreg:$0x16] =	wrdreg s30  }
.LBB2_1:
0x21: {  	s10 =	sand.u32 $0xFE00, s4  }
0x22: {  	s11 =	sand.u32 $0x70, s4;
	s12 =	sshrl.u32 s10, $0x2  }
0x23: {  	s10 =	simm.s32 $0x40;
	s12 =	sor.u32 s11, s12;
	s11 =	simm.s32 $0x0  }
.LBB2_2:
0x24: {  	p0 =	sne.s32 s10, $0xFFC0  }
0x25: {  	[tilespmem:s12+$0x400] =	vst v0;
	s11 =	sadd.s32 $0x10, s11;
	s12 =	smov.u32 s10;
	s10 =	sadd.s32 $0x40, s10  }
.Ltmp0:
0x26: {  	(pc) =	sbr.rel @p0 .LBB2_2-.Ltmp0, $4  }
0x27: {  	_ = 	snop  }
0x28: {  	s12 =	sand.u32 $0xFE00, s12  }
0x29: {  	s13 =	sand.u32 $0x70, s11;
	s12 =	sshrl.u32 s12, $0x2  }
0x2a: {  	s12 =	sor.u32 s13, s12  }
0x2b: {  	[tilespmem:s12+$0x400] =	vst v0  }
0x2c: {  	[spmem:s5] =	stream.linear.scatter [tilespmem:s24], [sflag:$0x7], $0x4000, $0x38;
	v63 =	vld [tilespmem:$0x0]  }
0x2d: {  	_ =	swait.ge [sflag:s25], $0x4000  }
0x2e: {  	[sflag:s25] =	ssyncset.done $0x0  }
0x2f: {  	[sflag:s25] =	ssyncadd.s32 $0xFFFFC000  }
0x30: {  	[spmem:s6] =	stream.linear.scatter [tilespmem:s24], [sflag:$0x7], $0x4000, $0x38;
	v63 =	vld [tilespmem:$0x0]  }
0x31: {  	_ =	swait.ge [sflag:s25], $0x4000  }
0x32: {  	[sflag:s25] =	ssyncset.done $0x0  }
0x33: {  	[sflag:s25] =	ssyncadd.s32 $0xFFFFC000  }
0x34: {  	[spmem:s7] =	stream.linear.scatter [tilespmem:s24], [sflag:$0x7], $0x4000, $0x38;
	v63 =	vld [tilespmem:$0x0]  }
0x35: {  	_ =	swait.ge [sflag:s25], $0x4000  }
0x36: {  	[sflag:s25] =	ssyncset.done $0x0  }
0x37: {  	[sflag:s25] =	ssyncadd.s32 $0xFFFFC000  }
0x38: {  	[spmem:s9] =	stream.linear.scatter [tilespmem:s24], [sflag:$0x7], $0x4000, $0x38;
	v63 =	vld [tilespmem:$0x0]  }
0x39: {  	_ =	swait.ge [sflag:s25], $0x4000  }
0x3a: {  	[sflag:s25] =	ssyncset.done $0x0  }
0x3b: {  	[sflag:s25] =	ssyncadd.s32 $0xFFFFC000  }
0x3c: {  	[spmem:s22] =	stream.linear.scatter [tilespmem:s24], [sflag:$0x7], $0x3C00, $0x38;
	v63 =	vld [tilespmem:$0x0]  }
0x3d: {  	_ =	swait.ge [sflag:s25], $0x3C00  }
0x3e: {  	[sflag:s25] =	ssyncset.done $0x0  }
0x3f: {  	[sflag:s25] =	ssyncadd.s32 $0xFFFFC400  }
0x40: {  	[bflag:$0x0] =	sbarrier.arrive $0xFFFF  }
0x41: {  	s10 =	simm.s32 $0x0;
	s15 =	rddreg [dreg:$0x9]  }
0x42: {  	[tilespmem:s10], [sflag:$0x1] =	stream.linear.gather [hbm4b:s15+s10], $0x80, $0x38;
	v63 =	vld [tilespmem:$0x0]  }
0x43: {  	s17 =	simm.s32 $0x200;
	s16 =	rddreg [dreg:$0xa]  }
0x44: {  	[tilespmem:s17], [sflag:$0x1] =	stream.linear.gather [hbm4b:s16+s10], $0x80, $0x38;
	v63 =	vld [tilespmem:$0x0]  }
0x45: {  	s18 =	rddreg [dreg:$0xb]  }
0x46: {  	[tilespmem:s28], [sflag:$0x2] =	stream.linear.gather [hbm4b:s18+s10], $0x80, $0x38;
	v63 =	vld [tilespmem:$0x0]  }
0x47: {  	s20 =	simm.s32 $0x280;
	s19 =	rddreg [dreg:$0xc]  }
0x48: {  	[tilespmem:s20], [sflag:$0x2] =	stream.linear.gather [hbm4b:s19+s10], $0x80, $0x38;
	v63 =	vld [tilespmem:$0x0]  }
0x49: {  	s22 =	simm.s32 $0x100;
	s21 =	rddreg [dreg:$0xd]  }
0x4a: {  	[tilespmem:s22], [sflag:$0x3] =	stream.linear.gather [hbm4b:s21+s10], $0x80, $0x38;
	v63 =	vld [tilespmem:$0x0]  }
0x4b: {  	s26 =	simm.s32 $0x300;
	s23 =	rddreg [dreg:$0xe]  }
0x4c: {  	[tilespmem:s26], [sflag:$0x3] =	stream.linear.gather [hbm4b:s23+s10], $0x80, $0x38;
	v63 =	vld [tilespmem:$0x0]  }
0x4d: {  	_ =	swait.ge [sflag:s0], $0x80  }
0x4e: {  	[sflag:s0] =	ssyncset.done $0x0  }
0x4f: {  	[sflag:s0] =	ssyncadd.s32 $0xFFFFFF80  }
0x50: {  	_ =	swait.ge [sflag:s0], $0x80  }
0x51: {  	[sflag:s0] =	ssyncset.done $0x0  }
0x52: {  	[sflag:s0] =	ssyncadd.s32 $0xFFFFFF80  }
0x53: {  	[tilespmem:s24], [sflag:$0x4] =	stream.indirect.gather [hbm4b:s1+s2], $0x80, s10, s2, $0xb8;
	v63 =	vld [tilespmem:$0x0]  }
0x54: {  	s6 =	simm.s32 $0x1400  }
0x55: {  	[tilespmem:s6], [sflag:$0x4] =	stream.indirect.gather [hbm4b:s1+s2], $0x80, s2, s2, $0xb8;
	v63 =	vld [tilespmem:$0x0]  }
0x56: {  	s8 =	simm.s32 $0x2400;
	s7 =	simm.s32 $0x40  }
0x57: {  	[tilespmem:s8], [sflag:$0x4] =	stream.indirect.gather [hbm4b:s1+s2], $0x80, s7, s2, $0xb8;
	v63 =	vld [tilespmem:$0x0]  }
0x58: {  	s11 =	simm.s32 $0x3400;
	s9 =	simm.s32 $0x60  }
0x59: {  	[tilespmem:s11], [sflag:$0x4] =	stream.indirect.gather [hbm4b:s1+s2], $0x80, s9, s2, $0xb8;
	v63 =	vld [tilespmem:$0x0]  }
0x5a: {  	_ =	swait.ge [sflag:s29], $0x80  }
0x5b: {  	s10 =	smul.u32 $0xAB, s10;
	[sflag:s29] =	ssyncset.done $0x0  }
0x5c: {  	[sflag:s29] =	ssyncadd.s32 $0xFFFFFF80  }
0x5d: {  	s10 =	sshrl.u32 s10, $0x9;
	_ =	swait.ge [sflag:s29], $0x80  }
0x5e: {  	s10 =	sand.u32 $0x7F, s10;
	[sflag:s29] =	ssyncset.done $0x0  }
0x5f: {  	s12 =	simm.s32 $0x4400;
	s10 =	smul.u32 $0x3, s10;
	[sflag:s29] =	ssyncadd.s32 $0xFFFFFF80  }
0x60: {  	[tilespmem:s12], [sflag:$0x5] =	stream.indirect.gather [hbm4b:s1+s2], $0x80, s28, s2, $0xb8;
	v63 =	vld [tilespmem:$0x0]  }
0x61: {  	s13 =	simm.s32 $0xA0;
	s15 =	simm.s32 $0x5400;
	s10 =	ssub.s32 $0x0, s10  }
0x62: {  	[tilespmem:s15], [sflag:$0x5] =	stream.indirect.gather [hbm4b:s1+s2], $0x80, s13, s2, $0xb8;
	v63 =	vld [tilespmem:$0x0]  }
0x63: {  	s16 =	simm.s32 $0xC0;
	s17 =	simm.s32 $0x6400;
	s10 =	sand.u32 $0xFF, s10  }
0x64: {  	[tilespmem:s17], [sflag:$0x5] =	stream.indirect.gather [hbm4b:s1+s2], $0x80, s16, s2, $0xb8;
	v63 =	vld [tilespmem:$0x0]  }
0x65: {  	s18 =	simm.s32 $0xE0;
	s19 =	simm.s32 $0x7400;
	s11 =	sor.u32 $0x4, s10  }
0x66: {  	[tilespmem:s19], [sflag:$0x5] =	stream.indirect.gather [hbm4b:s1+s2], $0x80, s18, s2, $0xb8;
	v63 =	vld [tilespmem:$0x0]  }
0x67: {  	_ =	swait.ge [sflag:s11], $0x1000  }
0x68: {  	p1 =	por $0x0, $0x0;
	[sflag:s11] =	ssyncset.done $0x0  }
0x69: {  	s12 =	simm.s32 @!p1 $0x2;
	[sflag:s11] =	ssyncadd.s32 $0xFFFFF000  }
0x6a: {  	s12 =	sand.u32 @!p1 $0xFF, s12;
	_ =	swait.ge [sflag:s11], $0x1000  }
0x6b: {  	s12 =	smul.u32 @!p1 $0xAB, s12;
	[sflag:s11] =	ssyncset.done $0x0  }
0x6c: {  	[sflag:s11] =	ssyncadd.s32 $0xFFFFF000  }
0x6d: {  	s12 =	sshrl.u32 @!p1 s12, $0x9;
	_ =	swait.ge [sflag:s11], $0x1000  }
0x6e: {  	s12 =	smul.u32 @!p1 $0x3, s12;
	[sflag:s11] =	ssyncset.done $0x0  }
0x6f: {  	[sflag:s11] =	ssyncadd.s32 $0xFFFFF000  }
0x70: {  	s12 =	ssub.s32 @!p1 $0x2, s12;
	_ =	swait.ge [sflag:s11], $0x1000  }
0x71: {  	s12 =	sand.u32 @!p1 $0xFF, s12;
	[sflag:s11] =	ssyncset.done $0x0  }
0x72: {  	s26 =	simm.s32 $0x1;
	s13 =	sadd.s32 @!p1 $0x1, s12;
	[sflag:s11] =	ssyncadd.s32 $0xFFFFF000  }
0x73: {  	s14 =	smov.u32 s5;
	s30 =	smul.u32 $0xAB, s26;
	_ =	swait.ge @!p1 [sflag:s13], $0x80  }
0x74: {  	p0 =	por $0x0, $0x0;
	s23 =	simm.s32 @!p1 $0x20;
	[sflag:s13] =	ssyncset.done @!p1 $0x0  }
0x75: {  	s20 =	sshrl.u32 s30, $0x9;
	s17 =	sshll.u32 s10, $0xE;
	[sflag:s13] =	ssyncadd.s32 @!p1 $0xFFFFFF80  }
0x76: {  	s17 =	sor.u32 $0x400, s17;
	s16 =	sshll.u32 @!p1 s12, $0xE;
	_ =	swait.ge @!p1 [sflag:s13], $0x80  }
0x77: {  	s19 =	sshll.u32 @!p1 s12, $0x7;
	s22 =	sor.u32 @!p1 $0x4, s12;
	[sflag:s13] =	ssyncset.done @!p1 $0x0  }
0x78: {  	s12 =	sadd.s32 @!p0 $0x1, s10;
	s18 =	sor.u32 @!p1 $0x400, s16;
	[sflag:s13] =	ssyncadd.s32 @!p1 $0xFFFFFF80  }
0x79: {  	[tilespmem:s18], [sflag:s22] =	stream.indirect.gather @!p1 [hbm4b:s1+s23], $0x80, s19, s23, $0xb8;
	v63 =	vld [tilespmem:$0x0]  }
0x7a: {  	s11 =	simm.s32 $0x2;
	s13 =	sor.u32 @!p1 $0x1400, s16;
	s18 =	sor.u32 @!p1 $0x20, s19  }
0x7b: {  	[tilespmem:s13], [sflag:s22] =	stream.indirect.gather @!p1 [hbm4b:s1+s23], $0x80, s18, s23, $0xb8;
	v63 =	vld [tilespmem:$0x0]  }
0x7c: {  	s21 =	rddreg [dreg:$0x16];
	s13 =	sor.u32 @!p1 $0x2400, s16;
	s18 =	sor.u32 @!p1 $0x40, s19  }
0x7d: {  	[tilespmem:s13], [sflag:s22] =	stream.indirect.gather @!p1 [hbm4b:s1+s23], $0x80, s18, s23, $0xb8;
	v63 =	vld [tilespmem:$0x0]  }
0x7e: {  	s30 =	sadd.s32 $0x10, s21;
	s16 =	sor.u32 @!p1 $0x3400, s16;
	s18 =	sor.u32 @!p1 $0x60, s19  }
0x7f: {  	[tilespmem:s16], [sflag:s22] =	stream.indirect.gather @!p1 [hbm4b:s1+s23], $0x80, s18, s23, $0xb8;
	v63 =	vld [tilespmem:$0x0]  }
0x80: {  	s13 =	simm.s32 @!p0 $0x0;
	p0 =	por p0, p0;
	s22 =	rddreg [dreg:$0x15]  }
0x81: {  	s23 =	sand.u32 $0x7F, s20;
	s18 =	sshll.u32 s10, $0x7;
	s10 =	sadd.s32 $0x10, s22  }
0x82: {  	s16 =	smul.u32 $0x3, s23;
	s19 =	sadd.s32 $0x200, s18;
	s23 =	smov.u32 s21  }
.LBB2_4:
0x83: {  	[spmem:s3] =	stream.indirect.scatter.add.f32 [tilespmem:s17], [sflag:$0x7], $0x80, s19, s28, $0xb8;
	v63 =	vld [tilespmem:$0x0]  }
0x84: {  	s20 =	smov.u32 s11  }
0x85: {  	s11 =	sadd.s32 $0x1, s11;
	s16 =	ssub.s32 s26, s16;
	_ =	swait.ge [sflag:s25], $0x4000  }
0x86: {  	p3 =	sgt.u32 s26, $0x4B;
	s16 =	sand.u32 $0xFF, s16;
	[sflag:s25] =	ssyncset.done $0x0  }
0x87: {  	s21 =	sor.u32 $0x4, s16;
	s17 =	sshll.u32 s16, $0xE;
	[sflag:s25] =	ssyncadd.s32 $0xFFFFC000  }
0x88: {  	[tilespmem:s18], [sflag:s12] =	stream.linear.gather @!p0 [hbm4b:s23+s13], $0x80, $0x38;
	v63 =	vld [tilespmem:$0x0]  }
0x89: {  	p1 =	sne.s32 s11, $0x4F;
	s18 =	sadd.s32 @!p3 $0x1, s16;
	s23 =	simm.s32 @!p3 $0x0  }
0x8a: {  	[tilespmem:s19], [sflag:s12] =	stream.linear.gather @!p0 [hbm4b:s22+s13], $0x80, $0x38;
	v63 =	vld [tilespmem:$0x0]  }
0x8b: {  	s12 =	smov.u32 s18;
	s13 =	smov.u32 s23;
	_ =	swait.ge [sflag:s21], $0x1000  }
0x8c: {  	p2 =	sgt.u32 s26, $0x4C;
	s23 =	smov.u32 s30;
	[sflag:s21] =	ssyncset.done $0x0  }
0x8d: {  	s18 =	sadd.s32 @!p2 $0x2, s26;
	s26 =	smov.u32 s20;
	[sflag:s21] =	ssyncadd.s32 $0xFFFFF000  }
0x8e: {  	s22 =	smov.u32 s10;
	s19 =	sand.u32 @!p2 $0xFF, s18;
	_ =	swait.ge [sflag:s21], $0x1000  }
0x8f: {  	p0 =	por p3, p3;
	s19 =	smul.u32 @!p2 $0xAB, s19;
	[sflag:s21] =	ssyncset.done $0x0  }
0x90: {  	[sflag:s21] =	ssyncadd.s32 $0xFFFFF000  }
0x91: {  	s19 =	sshrl.u32 @!p2 s19, $0x9;
	_ =	swait.ge [sflag:s21], $0x1000  }
0x92: {  	s19 =	smul.u32 @!p2 $0x3, s19;
	[sflag:s21] =	ssyncset.done $0x0  }
0x93: {  	[sflag:s21] =	ssyncadd.s32 $0xFFFFF000  }
0x94: {  	s18 =	ssub.s32 @!p2 s18, s19;
	_ =	swait.ge [sflag:s21], $0x1000  }
0x95: {  	s18 =	sand.u32 @!p2 $0xFF, s18;
	[sflag:s21] =	ssyncset.done $0x0  }
0x96: {  	s19 =	sadd.s32 @!p2 $0x1, s18;
	s20 =	sshll.u32 @!p2 s18, $0xE;
	[sflag:s21] =	ssyncadd.s32 $0xFFFFF000  }
0x97: {  	s5 =	sshll.u32 @!p2 s18, $0x7;
	s21 =	sor.u32 @!p2 $0x400, s20;
	_ =	swait.ge @!p2 [sflag:s19], $0x80  }
0x98: {  	s6 =	sor.u32 @!p2 $0x1400, s20;
	s7 =	sor.u32 @!p2 $0x20, s5;
	[sflag:s19] =	ssyncset.done @!p2 $0x0  }
0x99: {  	s8 =	sor.u32 @!p2 $0x2400, s20;
	s9 =	sor.u32 @!p2 $0x40, s5;
	[sflag:s19] =	ssyncadd.s32 @!p2 $0xFFFFFF80  }
0x9a: {  	s15 =	sor.u32 @!p2 $0x60, s5;
	s20 =	sor.u32 @!p2 $0x3400, s20;
	_ =	swait.ge @!p2 [sflag:s19], $0x80  }
0x9b: {  	[sflag:s19] =	ssyncset.done @!p2 $0x0  }
0x9c: {  	s18 =	sor.u32 @!p2 $0x4, s18;
	[sflag:s19] =	ssyncadd.s32 @!p2 $0xFFFFFF80;
	s19 =	simm.s32 @!p2 $0x20  }
0x9d: {  	[tilespmem:s21], [sflag:s18] =	stream.indirect.gather @!p2 [hbm4b:s1+s19], $0x80, s5, s19, $0xb8;
	v63 =	vld [tilespmem:$0x0]  }
0x9e: {  	_ = 	snop  }
0x9f: {  	[tilespmem:s6], [sflag:s18] =	stream.indirect.gather @!p2 [hbm4b:s1+s19], $0x80, s7, s19, $0xb8;
	v63 =	vld [tilespmem:$0x0]  }
0xa0: {  	s5 =	smul.u32 $0xAB, s26  }
0xa1: {  	[tilespmem:s8], [sflag:s18] =	stream.indirect.gather @!p2 [hbm4b:s1+s19], $0x80, s9, s19, $0xb8;
	v63 =	vld [tilespmem:$0x0]  }
.Ltmp1:
0xa2: {  	_ = 	snop;
	(pc) =	sbr.rel @p1 .LBB2_4-.Ltmp1, $4  }
0xa3: {  	s30 =	sadd.s32 $0x10, s30;
	s5 =	sshrl.u32 s5, $0x9  }
0xa4: {  	[tilespmem:s20], [sflag:s18] =	stream.indirect.gather @!p2 [hbm4b:s1+s19], $0x80, s15, s19, $0xb8;
	v63 =	vld [tilespmem:$0x0]  }
0xa5: {  	s10 =	sadd.s32 $0x10, s10;
	s5 =	sand.u32 $0x7F, s5;
	s18 =	sshll.u32 s16, $0x7  }
0xa6: {  	s17 =	sor.u32 $0x400, s17;
	s16 =	smul.u32 $0x3, s5;
	s19 =	sadd.s32 $0x200, s18  }
0xa7: {  	[spmem:s3] =	stream.indirect.scatter.add.f32 [tilespmem:s17], [sflag:$0x7], $0x80, s19, s28, $0xb8;
	v63 =	vld [tilespmem:$0x0]  }
0xa8: {  	_ =	swait.ge [sflag:s25], $0x4000  }
0xa9: {  	s5 =	ssub.s32 s26, s16;
	[sflag:s25] =	ssyncset.done $0x0  }
0xaa: {  	s5 =	sand.u32 $0xFF, s5;
	[sflag:s25] =	ssyncadd.s32 $0xFFFFC000  }
0xab: {  	[tilespmem:s18], [sflag:s12] =	stream.linear.gather @!p0 [hbm4b:s23+s13], $0x80, $0x38;
	v63 =	vld [tilespmem:$0x0]  }
0xac: {  	s6 =	sor.u32 $0x4, s5  }
0xad: {  	[tilespmem:s19], [sflag:s12] =	stream.linear.gather @!p0 [hbm4b:s22+s13], $0x80, $0x38;
	v63 =	vld [tilespmem:$0x0]  }
0xae: {  	_ =	swait.ge [sflag:s6], $0x1000  }
0xaf: {  	p0 =	sgt.u32 s26, $0x4C;
	[sflag:s6] =	ssyncset.done $0x0  }
0xb0: {  	s7 =	sadd.s32 @!p0 $0x2, s26;
	[sflag:s6] =	ssyncadd.s32 $0xFFFFF000  }
0xb1: {  	s8 =	sand.u32 @!p0 $0xFF, s7;
	_ =	swait.ge [sflag:s6], $0x1000  }
0xb2: {  	s8 =	smul.u32 @!p0 $0xAB, s8;
	[sflag:s6] =	ssyncset.done $0x0  }
0xb3: {  	[sflag:s6] =	ssyncadd.s32 $0xFFFFF000  }
0xb4: {  	s8 =	sshrl.u32 @!p0 s8, $0x9;
	_ =	swait.ge [sflag:s6], $0x1000  }
0xb5: {  	s8 =	smul.u32 @!p0 $0x3, s8;
	[sflag:s6] =	ssyncset.done $0x0  }
0xb6: {  	[sflag:s6] =	ssyncadd.s32 $0xFFFFF000  }
0xb7: {  	s7 =	ssub.s32 @!p0 s7, s8;
	_ =	swait.ge [sflag:s6], $0x1000  }
0xb8: {  	s7 =	sand.u32 @!p0 $0xFF, s7;
	[sflag:s6] =	ssyncset.done $0x0  }
0xb9: {  	[sflag:s6] =	ssyncadd.s32 $0xFFFFF000;
	s6 =	sadd.s32 @!p0 $0x1, s7  }
0xba: {  	_ =	swait.ge @!p0 [sflag:s6], $0x80  }
0xbb: {  	[sflag:s6] =	ssyncset.done @!p0 $0x0  }
0xbc: {  	[sflag:s6] =	ssyncadd.s32 @!p0 $0xFFFFFF80  }
0xbd: {  	s8 =	sshll.u32 @!p0 s7, $0xE;
	_ =	swait.ge @!p0 [sflag:s6], $0x80  }
0xbe: {  	s11 =	sshll.u32 @!p0 s7, $0x7;
	s9 =	sor.u32 @!p0 $0x400, s8;
	[sflag:s6] =	ssyncset.done @!p0 $0x0  }
0xbf: {  	[sflag:s6] =	ssyncadd.s32 @!p0 $0xFFFFFF80;
	s6 =	sor.u32 @!p0 $0x4, s7;
	s7 =	simm.s32 @!p0 $0x20  }
0xc0: {  	[tilespmem:s9], [sflag:s6] =	stream.indirect.gather @!p0 [hbm4b:s1+s7], $0x80, s11, s7, $0xb8;
	v63 =	vld [tilespmem:$0x0]  }
0xc1: {  	s12 =	sor.u32 @!p0 $0x20, s11;
	s9 =	sor.u32 @!p0 $0x1400, s8  }
0xc2: {  	[tilespmem:s9], [sflag:s6] =	stream.indirect.gather @!p0 [hbm4b:s1+s7], $0x80, s12, s7, $0xb8;
	v63 =	vld [tilespmem:$0x0]  }
0xc3: {  	s9 =	sor.u32 @!p0 $0x2400, s8;
	s12 =	sor.u32 @!p0 $0x40, s11  }
0xc4: {  	[tilespmem:s9], [sflag:s6] =	stream.indirect.gather @!p0 [hbm4b:s1+s7], $0x80, s12, s7, $0xb8;
	v63 =	vld [tilespmem:$0x0]  }
0xc5: {  	s8 =	sor.u32 @!p0 $0x3400, s8;
	s9 =	sor.u32 @!p0 $0x60, s11  }
0xc6: {  	[tilespmem:s8], [sflag:s6] =	stream.indirect.gather @!p0 [hbm4b:s1+s7], $0x80, s9, s7, $0xb8;
	v63 =	vld [tilespmem:$0x0]  }
0xc7: {  	s19 =	sshll.u32 s5, $0xE;
	s7 =	sshll.u32 s5, $0x7  }
0xc8: {  	s6 =	sor.u32 $0x400, s19;
	s8 =	sadd.s32 $0x200, s7  }
0xc9: {  	[spmem:s3] =	stream.indirect.scatter.add.f32 [tilespmem:s6], [sflag:$0x7], $0x80, s8, s28, $0xb8;
	v63 =	vld [tilespmem:$0x0]  }
0xca: {  	p0 =	sgt.u32 s26, $0x4B;
	_ =	swait.ge [sflag:s25], $0x4000  }
0xcb: {  	s5 =	sadd.s32 @!p0 $0x1, s5;
	[sflag:s25] =	ssyncset.done $0x0  }
0xcc: {  	s6 =	simm.s32 @!p0 $0x0;
	p0 =	por p0, p0;
	[sflag:s25] =	ssyncadd.s32 $0xFFFFC000  }
0xcd: {  	[tilespmem:s7], [sflag:s5] =	stream.linear.gather @!p0 [hbm4b:s30+s6], $0x80, $0x38;
	v63 =	vld [tilespmem:$0x0]  }
0xce: {  	_ = 	snop  }
0xcf: {  	[tilespmem:s8], [sflag:s5] =	stream.linear.gather @!p0 [hbm4b:s10+s6], $0x80, $0x38;
	v63 =	vld [tilespmem:$0x0]  }
0xd0: {  	[bflag:$0x0] =	sbarrier.arrive $0xFFFF  }
0xd1: {  	[tilespmem:s24], [sflag:$0x7] =	stream.linear.gather [spmem:s14], $0x4000, $0x38;
	v63 =	vld [tilespmem:$0x0]  }
0xd2: {  	_ =	swait.ge [sflag:s25], $0x4000  }
0xd3: {  	[sflag:s25] =	ssyncset.done $0x0  }
0xd4: {  	s20 =	rddreg [dreg:$0xf];
	[sflag:s25] =	ssyncadd.s32 $0xFFFFC000  }
0xd5: {  	[hbm4b:s20+s4] =	stream.linear.scatter [tilespmem:s24], [sflag:$0x7], $0x4000, $0x38;
	v63 =	vld [tilespmem:$0x0]  }
0xd6: {  	_ =	swait.ge [sflag:s25], $0x4000  }
0xd7: {  	[sflag:s25] =	ssyncset.done $0x0  }
0xd8: {  	s6 =	rddreg [dreg:$0x5];
	[sflag:s25] =	ssyncadd.s32 $0xFFFFC000  }
0xd9: {  	[tilespmem:s24], [sflag:$0x7] =	stream.linear.gather [spmem:s6], $0x4000, $0x38;
	v63 =	vld [tilespmem:$0x0]  }
0xda: {  	_ =	swait.ge [sflag:s25], $0x4000  }
0xdb: {  	[sflag:s25] =	ssyncset.done $0x0  }
0xdc: {  	s21 =	rddreg [dreg:$0x10];
	[sflag:s25] =	ssyncadd.s32 $0xFFFFC000  }
0xdd: {  	[hbm4b:s21+s4] =	stream.linear.scatter [tilespmem:s24], [sflag:$0x7], $0x4000, $0x38;
	v63 =	vld [tilespmem:$0x0]  }
0xde: {  	_ =	swait.ge [sflag:s25], $0x4000  }
0xdf: {  	[sflag:s25] =	ssyncset.done $0x0  }
0xe0: {  	s7 =	rddreg [dreg:$0x6];
	[sflag:s25] =	ssyncadd.s32 $0xFFFFC000  }
0xe1: {  	[tilespmem:s24], [sflag:$0x7] =	stream.linear.gather [spmem:s7], $0x4000, $0x38;
	v63 =	vld [tilespmem:$0x0]  }
0xe2: {  	_ =	swait.ge [sflag:s25], $0x4000  }
0xe3: {  	[sflag:s25] =	ssyncset.done $0x0  }
0xe4: {  	s22 =	rddreg [dreg:$0x11];
	[sflag:s25] =	ssyncadd.s32 $0xFFFFC000  }
0xe5: {  	[hbm4b:s22+s4] =	stream.linear.scatter [tilespmem:s24], [sflag:$0x7], $0x4000, $0x38;
	v63 =	vld [tilespmem:$0x0]  }
0xe6: {  	_ =	swait.ge [sflag:s25], $0x4000  }
0xe7: {  	[sflag:s25] =	ssyncset.done $0x0  }
0xe8: {  	s9 =	rddreg [dreg:$0x7];
	[sflag:s25] =	ssyncadd.s32 $0xFFFFC000  }
0xe9: {  	[tilespmem:s24], [sflag:$0x7] =	stream.linear.gather [spmem:s9], $0x4000, $0x38;
	v63 =	vld [tilespmem:$0x0]  }
0xea: {  	_ =	swait.ge [sflag:s25], $0x4000  }
0xeb: {  	[sflag:s25] =	ssyncset.done $0x0  }
0xec: {  	s23 =	rddreg [dreg:$0x12];
	[sflag:s25] =	ssyncadd.s32 $0xFFFFC000  }
0xed: {  	[hbm4b:s23+s4] =	stream.linear.scatter [tilespmem:s24], [sflag:$0x7], $0x4000, $0x38;
	v63 =	vld [tilespmem:$0x0]  }
0xee: {  	_ =	swait.ge [sflag:s25], $0x4000  }
0xef: {  	[sflag:s25] =	ssyncset.done $0x0  }
0xf0: {  	s22 =	rddreg [dreg:$0x8];
	[sflag:s25] =	ssyncadd.s32 $0xFFFFC000  }
0xf1: {  	[tilespmem:s24], [sflag:$0x7] =	stream.linear.gather [spmem:s22], $0x3C00, $0x38;
	v63 =	vld [tilespmem:$0x0]  }
0xf2: {  	_ =	swait.ge [sflag:s25], $0x3C00  }
0xf3: {  	[sflag:s25] =	ssyncset.done $0x0  }
0xf4: {  	s26 =	rddreg [dreg:$0x13];
	[sflag:s25] =	ssyncadd.s32 $0xFFFFC400  }
0xf5: {  	[hbm4b:s26+s4] =	stream.linear.scatter [tilespmem:s24], [sflag:$0x7], $0x3C00, $0x38;
	v63 =	vld [tilespmem:$0x0]  }
0xf6: {  	_ =	swait.ge [sflag:s25], $0x3C00  }
0xf7: {  	s31 =	sadd.s32 $0x1, s31;
	s30 =	rddreg [dreg:$0x14]  }
0xf8: {  	p0 =	sne.s32 s31, s30  }
.Ltmp2:
0xf9: {  	_ = 	snop;
	(pc) =	sbr.rel @p0 .LBB2_1-.Ltmp2, $3  }
0xfa: {  	_ =	sdelay $0x1  }
0xfb: {  	[sflag:s25] =	ssyncset.done $0x0  }
0xfc: {  	s5 =	smov.u32 s14;
	[sflag:s25] =	ssyncadd.s32 $0xFFFFC400  }
0xfd: {  	_ =	sfence.sel $0x180000  }
0xfe: {  	[bflag:$0x0] =	sbarrier.arrive $0xFFFF  }
0xff: {  	_ =	strace $0x9000004A  }
0x100: {  	s0 =	stileid.u32;
	[bflag:$0x2] =	sbarrier.arrive $0xFFFF  }
0x101: {  	p0 =	sne.s32 s0, $0x0;
	s0 =	rddreg [dreg:$0x4]  }
0x102: {  	s0 =	sadd.s32 @!p0 $0x100000, s0  }
0x103: {  	[sflag:s0] =	ssyncadd.tile.s32 @!p0 $0x1;
	_ =	shalt  }
.Lfunc_end2:
_tile_overlayer_lowered:
.L_overlay_start_2:
0x104: {  	(tag) =	ssettag $0x2  }
0x105: {  	s0 =	rddreg [dreg:$0x0];
	s2 =	stileid.u32  }
0x106: {  	s1 =	rddreg [dreg:$0x1];
	p0 =	sne.s32 s2, $0x0  }
0x107: {  	s3 =	rddreg [dreg:$0x2];
	[bflag:$0x3] =	sbarrier.arrive $0xFFFF;
	s2 =	simm.s32 @!p0 $0x1C07  }
0x108: {  	[timem:s3], [sflag:s2] =	dma.local @!p0 [hbm:s0], s1  }
0x109: {  	s0 =	simm.s32 @!p0 $0x7  }
0x10a: {  	_ =	swait.ge @!p0 [sflag:s0], s1  }
0x10b: {  	s1 =	ssub.s32 @!p0 $0x0, s1;
	[sflag:s0] =	ssyncset.done @!p0 $0x0  }
0x10c: {  	[sflag:s0] =	ssyncadd.s32 @!p0 s1  }
0x10d: {  	[bflag:$0x3] =	sbarrier.arrive $0xFFFF  }
0x10e: {  	_ =	shalt  }

</sc_bundles>
